<compile_context>
chip_gen: v7x
topology: tpu7x:2x2x1
jax: 0.10.2.dev20260603
libtpu: 0.0.44.dev20260713+nightly
codegen_flags: <defaults>
</compile_context>

<pallas_src>
import functools

import jax
import jax.numpy as jnp
from jax import lax
from jax.experimental import pallas as pl
from jax.experimental.pallas import tpu as pltpu
from jax.experimental.pallas import tpu_sc as plsc

N = 10000
E = 160000
D = 256
NPAD = 10240
EPAD = 163840
CHUNK = 64
NCHUNK = EPAD // 16 // CHUNK
NBUF = 4
ROWS_PER_TILE = NPAD // 16
IDXB = 32
PAD_DST = N + 8


def _agg_body(with_cnt, *refs):
    if with_cnt:
        (pa, pb, srcp, dstp, z2d, z1d, sa, sb, cnt0, cnt1,
         src_v, dst_v, *rest) = refs
        gbufs = rest[:NBUF]
        S_sh, ones1, cnt_sh = rest[NBUF:NBUF + 3]
        gsems = rest[NBUF + 3:NBUF + 3 + NBUF]
        csem = rest[NBUF + 3 + NBUF]
    else:
        (pa, pb, srcp, dstp, z2d, sa, sb,
         src_v, dst_v, *rest) = refs
        gbufs = rest[:NBUF]
        S_sh = rest[NBUF]
        gsems = rest[NBUF + 1:NBUF + 1 + NBUF]
        csem = rest[NBUF + 1 + NBUF]

    cid = lax.axis_index("c")
    sid = lax.axis_index("s")

    base = sid * ROWS_PER_TILE
    pltpu.sync_copy(z2d.at[pl.ds(base, ROWS_PER_TILE)],
                    S_sh.at[pl.ds(base, ROWS_PER_TILE)])

    if with_cnt:
        @pl.loop(0, CHUNK // 16)
        def _(i):
            ones1[pl.ds(i * 16, 16)] = jnp.ones((16,), jnp.float32)

        pltpu.sync_copy(z1d.at[pl.ds(base, ROWS_PER_TILE)],
                        cnt_sh.at[pl.ds(base, ROWS_PER_TILE)])

    plsc.subcore_barrier()

    def run_core(p_hbm, cnt_parity):
        do_cnt = cnt_parity is not None
        @pl.loop(0, NCHUNK // IDXB)
        def _(ob):
            pltpu.sync_copy(srcp.at[sid, pl.ds(ob * IDXB, IDXB)], src_v)
            pltpu.sync_copy(dstp.at[sid, pl.ds(ob * IDXB, IDXB)], dst_v)
            for b in range(NBUF):
                pltpu.async_copy(p_hbm.at[src_v.at[b]], gbufs[b], gsems[b])

            @pl.loop(0, IDXB // NBUF)
            def _(g):
                for b in range(NBUF):
                    j = g * NBUF + b
                    slot_cnt = do_cnt and (b % 2 == cnt_parity)
                    if slot_cnt:
                        @pl.when(j >= NBUF)
                        def _():
                            pltpu.make_async_copy(ones1, cnt_sh.at[dst_v.at[j - NBUF]], csem).wait()
                    pltpu.make_async_copy(p_hbm.at[src_v.at[j]], gbufs[b], gsems[b]).wait()
                    pltpu.sync_copy(gbufs[b], S_sh.at[dst_v.at[j]], add=True)
                    if slot_cnt:
                        pltpu.async_copy(ones1, cnt_sh.at[dst_v.at[j]], csem, add=True)

                    @pl.when(j + NBUF < IDXB)
                    def _():
                        pltpu.async_copy(p_hbm.at[src_v.at[j + NBUF]], gbufs[b], gsems[b])

            if do_cnt:
                for b in range(NBUF):
                    if b % 2 == cnt_parity:
                        pltpu.make_async_copy(ones1, cnt_sh.at[dst_v.at[IDXB - NBUF + b]], csem).wait()

    @pl.when(cid == 0)
    def _():
        run_core(pa, 0 if with_cnt else None)

    @pl.when(cid == 1)
    def _():
        run_core(pb, 1 if with_cnt else None)

    plsc.subcore_barrier()

    def copy_out(dst_hbm):
        @pl.when(sid < 15)
        def _():
            base = sid * ROWS_PER_TILE
            pltpu.sync_copy(S_sh.at[pl.ds(base, ROWS_PER_TILE)],
                            dst_hbm.at[pl.ds(base, ROWS_PER_TILE)])

        @pl.when(sid == 15)
        def _():
            pltpu.sync_copy(S_sh.at[pl.ds(15 * ROWS_PER_TILE, N - 15 * ROWS_PER_TILE)],
                            dst_hbm.at[pl.ds(15 * ROWS_PER_TILE, N - 15 * ROWS_PER_TILE)])

    @pl.when(cid == 0)
    def _():
        copy_out(sa)
        if with_cnt:
            pltpu.sync_copy(cnt_sh.at[pl.ds(base, ROWS_PER_TILE)],
                            cnt0.at[pl.ds(base, ROWS_PER_TILE)])

    @pl.when(cid == 1)
    def _():
        copy_out(sb)
        if with_cnt:
            pltpu.sync_copy(cnt_sh.at[pl.ds(base, ROWS_PER_TILE)],
                            cnt1.at[pl.ds(base, ROWS_PER_TILE)])


def _make_agg(with_cnt):
    mesh = plsc.VectorSubcoreMesh(core_axis_name="c", subcore_axis_name="s")
    outs = [jax.ShapeDtypeStruct((N, 128), jnp.float32),
            jax.ShapeDtypeStruct((N, 128), jnp.float32)]
    scratch = [
        pltpu.VMEM((IDXB, CHUNK), jnp.int32),
        pltpu.VMEM((IDXB, CHUNK), jnp.int32),
    ]
    for _ in range(NBUF):
        scratch.append(pltpu.VMEM((CHUNK, 128), jnp.float32))
    scratch.append(pltpu.VMEM_SHARED((NPAD, 128), jnp.float32))
    if with_cnt:
        outs.append(jax.ShapeDtypeStruct((NPAD,), jnp.float32))
        outs.append(jax.ShapeDtypeStruct((NPAD,), jnp.float32))
        scratch.append(pltpu.VMEM((CHUNK,), jnp.float32))
        scratch.append(pltpu.VMEM_SHARED((NPAD,), jnp.float32))
    for _ in range(NBUF + 1):
        scratch.append(pltpu.SemaphoreType.DMA)
    return pl.kernel(
        functools.partial(_agg_body, with_cnt),
        out_type=tuple(outs),
        mesh=mesh,
        scratch_types=scratch,
    )


def _mm_body(x_ref, w_ref, b_ref, oa_ref, ob_ref, or_ref):
    acc = jnp.dot(x_ref[...], w_ref[...],
                  preferred_element_type=jnp.float32) + b_ref[...]
    oa_ref[...] = acc[:, 0:128]
    ob_ref[...] = acc[:, 128:256]
    or_ref[...] = acc[:, 256:512]


def _mm_split(x, wcat, bcat, blk=1000):
    n = x.shape[0]
    k = x.shape[1]
    return pl.pallas_call(
        _mm_body,
        grid=(n // blk,),
        in_specs=[
            pl.BlockSpec((blk, k), lambda i: (i, 0)),
            pl.BlockSpec((k, 512), lambda i: (0, 0)),
            pl.BlockSpec((1, 512), lambda i: (0, 0)),
        ],
        out_specs=[
            pl.BlockSpec((blk, 128), lambda i: (i, 0)),
            pl.BlockSpec((blk, 128), lambda i: (i, 0)),
            pl.BlockSpec((blk, 256), lambda i: (i, 0)),
        ],
        out_shape=[
            jax.ShapeDtypeStruct((n, 128), jnp.float32),
            jax.ShapeDtypeStruct((n, 128), jnp.float32),
            jax.ShapeDtypeStruct((n, 256), jnp.float32),
        ],
    )(x, wcat, bcat)


def _combine_mm_body(sa_ref, sb_ref, cnt0_ref, cnt1_ref, r_ref, w_ref, b_ref,
                     oa_ref, ob_ref, or_ref):
    inv = 1.0 / jnp.maximum(cnt0_ref[...] + cnt1_ref[...], 1.0)
    h = jnp.concatenate([sa_ref[...] * inv, sb_ref[...] * inv], axis=1) + r_ref[...]
    h = jnp.maximum(h, 0.0)
    acc = jnp.dot(h, w_ref[...], preferred_element_type=jnp.float32) + b_ref[...]
    oa_ref[...] = acc[:, 0:128]
    ob_ref[...] = acc[:, 128:256]
    or_ref[...] = acc[:, 256:512]


def _combine_mm(sa, sb, cnt0, cnt1, r, wcat, bcat, blk=1000):
    n = sa.shape[0]
    return pl.pallas_call(
        _combine_mm_body,
        grid=(n // blk,),
        in_specs=[
            pl.BlockSpec((blk, 128), lambda i: (i, 0)),
            pl.BlockSpec((blk, 128), lambda i: (i, 0)),
            pl.BlockSpec((blk, 1), lambda i: (i, 0)),
            pl.BlockSpec((blk, 1), lambda i: (i, 0)),
            pl.BlockSpec((blk, 256), lambda i: (i, 0)),
            pl.BlockSpec((256, 512), lambda i: (0, 0)),
            pl.BlockSpec((1, 512), lambda i: (0, 0)),
        ],
        out_specs=[
            pl.BlockSpec((blk, 128), lambda i: (i, 0)),
            pl.BlockSpec((blk, 128), lambda i: (i, 0)),
            pl.BlockSpec((blk, 256), lambda i: (i, 0)),
        ],
        out_shape=[
            jax.ShapeDtypeStruct((n, 128), jnp.float32),
            jax.ShapeDtypeStruct((n, 128), jnp.float32),
            jax.ShapeDtypeStruct((n, 256), jnp.float32),
        ],
    )(sa, sb, cnt0, cnt1, r, wcat, bcat)


def _head_body(sa_ref, sb_ref, cnt0_ref, cnt1_ref, r_ref, w1_ref, b1_ref,
               w2_ref, b2_ref, o_ref):
    inv = 1.0 / jnp.maximum(cnt0_ref[...] + cnt1_ref[...], 1.0)
    h1 = jnp.concatenate([sa_ref[...] * inv, sb_ref[...] * inv], axis=1) + r_ref[...]
    t = jnp.dot(h1, w1_ref[...], preferred_element_type=jnp.float32) + b1_ref[...]
    t = jnp.maximum(t, 0.0)
    o_ref[...] = jnp.dot(t, w2_ref[...],
                         preferred_element_type=jnp.float32) + b2_ref[...]


def _head(sa, sb, cnt0, cnt1, r, w1t, b1, w2t, b2, blk=1000):
    n = sa.shape[0]
    return pl.pallas_call(
        _head_body,
        grid=(n // blk,),
        in_specs=[
            pl.BlockSpec((blk, 128), lambda i: (i, 0)),
            pl.BlockSpec((blk, 128), lambda i: (i, 0)),
            pl.BlockSpec((blk, 1), lambda i: (i, 0)),
            pl.BlockSpec((blk, 1), lambda i: (i, 0)),
            pl.BlockSpec((blk, 256), lambda i: (i, 0)),
            pl.BlockSpec((256, 128), lambda i: (0, 0)),
            pl.BlockSpec((1, 128), lambda i: (0, 0)),
            pl.BlockSpec((128, 64), lambda i: (0, 0)),
            pl.BlockSpec((1, 64), lambda i: (0, 0)),
        ],
        out_specs=pl.BlockSpec((blk, 64), lambda i: (i, 0)),
        out_shape=jax.ShapeDtypeStruct((n, 64), jnp.float32),
    )(sa, sb, cnt0, cnt1, r, w1t, b1, w2t, b2)


_agg_cnt = _make_agg(True)
_agg = _make_agg(False)


def kernel(x, edge_index, Wl0, bl0, Wr0, Wl1, bl1, Wr1, W_fc1, b_fc1, W_fc2, b_fc2):
    src = edge_index[0]
    dst = edge_index[1]
    pad = EPAD - E
    srcp = jnp.concatenate([src, jnp.zeros((pad,), jnp.int32)]).reshape(16, NCHUNK, CHUNK)
    dstp = jnp.concatenate([dst, jnp.full((pad,), PAD_DST, jnp.int32)]).reshape(16, NCHUNK, CHUNK)

    w0 = jnp.concatenate([Wl0.T, Wr0.T], axis=1)
    b0 = jnp.concatenate([jnp.zeros((256,), jnp.float32), bl0]).reshape(1, 512)
    w1 = jnp.concatenate([Wl1.T, Wr1.T], axis=1)
    b1 = jnp.concatenate([jnp.zeros((256,), jnp.float32), bl1]).reshape(1, 512)

    z2d = jnp.zeros((NPAD, 128), jnp.float32)
    z1d = jnp.zeros((NPAD,), jnp.float32)

    pa0, pb0, r0 = _mm_split(x, w0, b0)
    sa0, sb0, cnt0, cnt1 = _agg_cnt(pa0, pb0, srcp, dstp, z2d, z1d)
    c0 = cnt0[:N].reshape(N, 1)
    c1 = cnt1[:N].reshape(N, 1)
    pa1, pb1, r1 = _combine_mm(sa0, sb0, c0, c1, r0, w1, b1)
    sa1, sb1 = _agg(pa1, pb1, srcp, dstp, z2d)
    return _head(sa1, sb1, c0, c1, r1,
                 W_fc1.T, b_fc1.reshape(1, 128),
                 W_fc2.T, b_fc2.reshape(1, 64))

# --- scband reference (transcript-rebuilt; emitter-appended) ---
"""Pipeline reference for scband-graph-sage-65558380806315 (READ-ONLY COPY).

The authoritative reference and input builder live on the scoring server;
editing this copy changes nothing except your own understanding.
"""

import jax, jax.numpy as jnp
import numpy as np

N = 10000
E = 160000
D = 256
H0 = 256
H1 = 256
C = 64


def setup_inputs(seed: int = 0) -> dict:
    key = jax.random.key(seed)
    ks = jax.random.split(key, 14)
    x = jax.random.normal(ks[0], (N, D), dtype=jnp.float32)
    edge_index = jax.random.randint(ks[1], (2, E), 0, N, dtype=jnp.int32)
    s = lambda fan: 1.0 / np.sqrt(fan)
    # SAGEConv layer 0 (PyG-style): out = lin_l(mean_agg(x_j)) + lin_r(x_i)
    Wl0 = jax.random.normal(ks[2], (H0, D), dtype=jnp.float32) * s(D)
    bl0 = jnp.zeros((H0,), dtype=jnp.float32)
    Wr0 = jax.random.normal(ks[3], (H0, D), dtype=jnp.float32) * s(D)
    # SAGEConv layer 1
    Wl1 = jax.random.normal(ks[4], (H1, H0), dtype=jnp.float32) * s(H0)
    bl1 = jnp.zeros((H1,), dtype=jnp.float32)
    Wr1 = jax.random.normal(ks[5], (H1, H0), dtype=jnp.float32) * s(H0)
    # fc1: hidden_layers[-1] -> 128, fc2: 128 -> nclass
    W_fc1 = jax.random.normal(ks[6], (128, H1), dtype=jnp.float32) * s(H1)
    b_fc1 = jnp.zeros((128,), dtype=jnp.float32)
    W_fc2 = jax.random.normal(ks[7], (C, 128), dtype=jnp.float32) * s(128)
    b_fc2 = jnp.zeros((C,), dtype=jnp.float32)
    return {
        'x': x, 'edge_index': edge_index,
        'Wl0': Wl0, 'bl0': bl0, 'Wr0': Wr0,
        'Wl1': Wl1, 'bl1': bl1, 'Wr1': Wr1,
        'W_fc1': W_fc1, 'b_fc1': b_fc1,
        'W_fc2': W_fc2, 'b_fc2': b_fc2,
    }


def _sage_conv(h, edge_index, Wl, bl, Wr):
    src = edge_index[0]
    dst = edge_index[1]
    msg = jnp.take(h, src, axis=0)
    agg = jax.ops.segment_sum(msg, dst, num_segments=N)
    cnt = jax.ops.segment_sum(jnp.ones((msg.shape[0],), h.dtype), dst, num_segments=N)
    mean = agg / jnp.clip(cnt, 1.0)[:, None]
    return mean @ Wl.T + bl + h @ Wr.T


def reference(x, edge_index, Wl0, bl0, Wr0, Wl1, bl1, Wr1, W_fc1, b_fc1, W_fc2, b_fc2):
    # layer 0 + activation (dropout p=0.0 -> identity)
    h = _sage_conv(x, edge_index, Wl0, bl0, Wr0)
    h = jax.nn.relu(h)
    # layer 1 (last conv layer: no activation)
    h = _sage_conv(h, edge_index, Wl1, bl1, Wr1)
    # fc head
    h = jax.nn.relu(h @ W_fc1.T + b_fc1)
    out = h @ W_fc2.T + b_fc2
    return out

if __name__ == "__main__":
    import jax
    _d = setup_inputs()
    print(jax.jit(kernel)(*tuple(_d.values())))

</pallas_src>

<mosaic_0001>
#map = affine_map<(d0, d1) -> (0, 0)>
#map1 = affine_map<(d0, d1) -> (0, 0, 0)>
module attributes {stable_mosaic.version = 14 : i64} {
  func.func @_agg_body(%arg0: i32, %arg1: i32, %arg2: memref<10000x128xf32, #tpu.memory_space<hbm>>, %arg3: memref<10000x128xf32, #tpu.memory_space<hbm>>, %arg4: memref<16x160x64xi32, #tpu.memory_space<hbm>>, %arg5: memref<16x160x64xi32, #tpu.memory_space<hbm>>, %arg6: memref<10240x128xf32, #tpu.memory_space<hbm>>, %arg7: memref<10000x128xf32, #tpu.memory_space<hbm>>, %arg8: memref<10000x128xf32, #tpu.memory_space<hbm>>, %arg9: memref<32x64xi32, #tpu.memory_space<vmem>>, %arg10: memref<32x64xi32, #tpu.memory_space<vmem>>, %arg11: memref<64x128xf32, #tpu.memory_space<vmem>>, %arg12: memref<64x128xf32, #tpu.memory_space<vmem>>, %arg13: memref<64x128xf32, #tpu.memory_space<vmem>>, %arg14: memref<64x128xf32, #tpu.memory_space<vmem>>, %arg15: memref<10240x128xf32, #tpu.memory_space<vmem_shared>>, %arg16: memref<!tpu.dma_semaphore, #tpu.memory_space<semaphore_mem>>, %arg17: memref<!tpu.dma_semaphore, #tpu.memory_space<semaphore_mem>>, %arg18: memref<!tpu.dma_semaphore, #tpu.memory_space<semaphore_mem>>, %arg19: memref<!tpu.dma_semaphore, #tpu.memory_space<semaphore_mem>>, %arg20: memref<!tpu.dma_semaphore, #tpu.memory_space<semaphore_mem>>) attributes {dimension_semantics = [#tpu.dimension_semantics<core_parallel>, #tpu.dimension_semantics<subcore_parallel>], iteration_bounds = array<i64: 2, 16>, scalar_prefetch = 0 : i64, scratch_operands = 12 : i64, tpu.core_type = #tpu.core_type<sc_vector_subcore>, window_params = [{transform_indices = #map}, {transform_indices = #map}, {transform_indices = #map1}, {transform_indices = #map1}, {transform_indices = #map}, {transform_indices = #map}, {transform_indices = #map}]} {
    %mul3A = arith.constant 640 : i32
    %mul3A_0 = arith.muli %arg1, %mul3A : i32
    "tpu.region"() ({
      %run_scoped3A = tpu.sem_alloc : memref<!tpu.dma_semaphore, #tpu.memory_space<semaphore_mem>>
      %dma_start3A = arith.constant 0 : i32
      %dma_start3A_19 = tpu.memref_slice %arg15[%mul3A_0, %dma_start3A] : memref<10240x128xf32, #tpu.memory_space<vmem_shared>> -> memref<640x128xf32, #tpu.memory_space<vmem_shared>>
      %dma_start3A_20 = arith.constant 0 : i32
      %dma_start3A_21 = tpu.memref_slice %arg6[%mul3A_0, %dma_start3A_20] : memref<10240x128xf32, #tpu.memory_space<hbm>> -> memref<640x128xf32, #tpu.memory_space<hbm>>
      tpu.enqueue_dma source(%dma_start3A_21 : memref<640x128xf32, #tpu.memory_space<hbm>>) target(%dma_start3A_19 : memref<640x128xf32, #tpu.memory_space<vmem_shared>>) target_semaphore(%run_scoped3A : memref<!tpu.dma_semaphore, #tpu.memory_space<semaphore_mem>>)
      %dma_wait3A = arith.constant 0 : i32
      %dma_wait3A_22 = tpu.memref_slice %arg15[%mul3A_0, %dma_wait3A] : memref<10240x128xf32, #tpu.memory_space<vmem_shared>> -> memref<640x128xf32, #tpu.memory_space<vmem_shared>>
      %dma_wait3A_23 = arith.constant 0 : i32
      %dma_wait3A_24 = tpu.memref_slice %arg6[%mul3A_0, %dma_wait3A_23] : memref<10240x128xf32, #tpu.memory_space<hbm>> -> memref<640x128xf32, #tpu.memory_space<hbm>>
      tpu.wait_dma2 semaphore(%run_scoped3A : memref<!tpu.dma_semaphore, #tpu.memory_space<semaphore_mem>>) src(%dma_wait3A_24 : memref<640x128xf32, #tpu.memory_space<hbm>>) dst(%dma_wait3A_22 : memref<640x128xf32, #tpu.memory_space<vmem_shared>>)
      tpu.yield
    }) : () -> ()
    %barrier3A = arith.constant 0 : index
    tpu.barrier barrier_id(%barrier3A)
    %eq3A = arith.constant 0 : i32
    %eq3A_1 = arith.cmpi eq, %arg0, %eq3A : i32
    %convert_element_type3A = arith.extui %eq3A_1 : i1 to i32
    %cond3A = arith.constant 0 : i32
    %cond3A_2 = arith.cmpi ne, %convert_element_type3A, %cond3A : i32
    scf.if %cond3A_2 {
      %scan3A = arith.constant 0 : i32
      %scan3A_19 = arith.constant 5 : i32
      %scan3A_20 = arith.addi %scan3A, %scan3A_19 : i32
      %scan3A_21 = arith.constant 1 : i32
      scf.for %scan3A_23 = %scan3A to %scan3A_20 step %scan3A_21  : i32 {
        %mul3A_24 = arith.constant 1 : i32
        %mul3A_25 = arith.muli %scan3A_23, %mul3A_24 : i32
        %add3A = arith.constant 0 : i32
        %add3A_26 = arith.addi %add3A, %mul3A_25 : i32
        %mul3A_27 = arith.constant 32 : i32
        %mul3A_28 = arith.muli %add3A_26, %mul3A_27 : i32
        "tpu.region"() ({
          %run_scoped3A = tpu.sem_alloc : memref<!tpu.dma_semaphore, #tpu.memory_space<semaphore_mem>>
          %dma_start3A_63 = arith.constant 0 : i32
          %dma_start3A_64 = tpu.memref_slice %arg4[%arg1, %mul3A_28, %dma_start3A_63] : memref<16x160x64xi32, #tpu.memory_space<hbm>> -> memref<1x32x64xi32, #tpu.memory_space<hbm>>
          %dma_start3A_65 = tpu.memref_squeeze %dma_start3A_64 : memref<1x32x64xi32, #tpu.memory_space<hbm>> -> memref<32x64xi32, #tpu.memory_space<hbm>>
          %dma_start3A_66 = arith.constant 0 : i32
          %dma_start3A_67 = tpu.memref_slice %arg4[%arg1, %mul3A_28, %dma_start3A_66] : memref<16x160x64xi32, #tpu.memory_space<hbm>> -> memref<1x32x64xi32, #tpu.memory_space<hbm>>
          %dma_start3A_68 = tpu.memref_squeeze %dma_start3A_67 : memref<1x32x64xi32, #tpu.memory_space<hbm>> -> memref<32x64xi32, #tpu.memory_space<hbm>>
          tpu.enqueue_dma source(%dma_start3A_68 : memref<32x64xi32, #tpu.memory_space<hbm>>) target(%arg9 : memref<32x64xi32, #tpu.memory_space<vmem>>) target_semaphore(%run_scoped3A : memref<!tpu.dma_semaphore, #tpu.memory_space<semaphore_mem>>)
          %dma_wait3A = arith.constant 0 : i32
          %dma_wait3A_69 = tpu.memref_slice %arg4[%arg1, %mul3A_28, %dma_wait3A] : memref<16x160x64xi32, #tpu.memory_space<hbm>> -> memref<1x32x64xi32, #tpu.memory_space<hbm>>
          %dma_wait3A_70 = tpu.memref_squeeze %dma_wait3A_69 : memref<1x32x64xi32, #tpu.memory_space<hbm>> -> memref<32x64xi32, #tpu.memory_space<hbm>>
          %dma_wait3A_71 = arith.constant 0 : i32
          %dma_wait3A_72 = tpu.memref_slice %arg4[%arg1, %mul3A_28, %dma_wait3A_71] : memref<16x160x64xi32, #tpu.memory_space<hbm>> -> memref<1x32x64xi32, #tpu.memory_space<hbm>>
          %dma_wait3A_73 = tpu.memref_squeeze %dma_wait3A_72 : memref<1x32x64xi32, #tpu.memory_space<hbm>> -> memref<32x64xi32, #tpu.memory_space<hbm>>
          tpu.wait_dma2 semaphore(%run_scoped3A : memref<!tpu.dma_semaphore, #tpu.memory_space<semaphore_mem>>) src(%dma_wait3A_73 : memref<32x64xi32, #tpu.memory_space<hbm>>) dst(%arg9 : memref<32x64xi32, #tpu.memory_space<vmem>>)
          tpu.yield
        }) : () -> ()
        %mul3A_29 = arith.constant 32 : i32
        %mul3A_30 = arith.muli %add3A_26, %mul3A_29 : i32
        "tpu.region"() ({
          %run_scoped3A = tpu.sem_alloc : memref<!tpu.dma_semaphore, #tpu.memory_space<semaphore_mem>>
          %dma_start3A_63 = arith.constant 0 : i32
          %dma_start3A_64 = tpu.memref_slice %arg5[%arg1, %mul3A_30, %dma_start3A_63] : memref<16x160x64xi32, #tpu.memory_space<hbm>> -> memref<1x32x64xi32, #tpu.memory_space<hbm>>
          %dma_start3A_65 = tpu.memref_squeeze %dma_start3A_64 : memref<1x32x64xi32, #tpu.memory_space<hbm>> -> memref<32x64xi32, #tpu.memory_space<hbm>>
          %dma_start3A_66 = arith.constant 0 : i32
          %dma_start3A_67 = tpu.memref_slice %arg5[%arg1, %mul3A_30, %dma_start3A_66] : memref<16x160x64xi32, #tpu.memory_space<hbm>> -> memref<1x32x64xi32, #tpu.memory_space<hbm>>
          %dma_start3A_68 = tpu.memref_squeeze %dma_start3A_67 : memref<1x32x64xi32, #tpu.memory_space<hbm>> -> memref<32x64xi32, #tpu.memory_space<hbm>>
          tpu.enqueue_dma source(%dma_start3A_68 : memref<32x64xi32, #tpu.memory_space<hbm>>) target(%arg10 : memref<32x64xi32, #tpu.memory_space<vmem>>) target_semaphore(%run_scoped3A : memref<!tpu.dma_semaphore, #tpu.memory_space<semaphore_mem>>)
          %dma_wait3A = arith.constant 0 : i32
          %dma_wait3A_69 = tpu.memref_slice %arg5[%arg1, %mul3A_30, %dma_wait3A] : memref<16x160x64xi32, #tpu.memory_space<hbm>> -> memref<1x32x64xi32, #tpu.memory_space<hbm>>
          %dma_wait3A_70 = tpu.memref_squeeze %dma_wait3A_69 : memref<1x32x64xi32, #tpu.memory_space<hbm>> -> memref<32x64xi32, #tpu.memory_space<hbm>>
          %dma_wait3A_71 = arith.constant 0 : i32
          %dma_wait3A_72 = tpu.memref_slice %arg5[%arg1, %mul3A_30, %dma_wait3A_71] : memref<16x160x64xi32, #tpu.memory_space<hbm>> -> memref<1x32x64xi32, #tpu.memory_space<hbm>>
          %dma_wait3A_73 = tpu.memref_squeeze %dma_wait3A_72 : memref<1x32x64xi32, #tpu.memory_space<hbm>> -> memref<32x64xi32, #tpu.memory_space<hbm>>
          tpu.wait_dma2 semaphore(%run_scoped3A : memref<!tpu.dma_semaphore, #tpu.memory_space<semaphore_mem>>) src(%dma_wait3A_73 : memref<32x64xi32, #tpu.memory_space<hbm>>) dst(%arg10 : memref<32x64xi32, #tpu.memory_space<vmem>>)
          tpu.yield
        }) : () -> ()
        %dma_start3A = arith.constant 0 : i32
        %dma_start3A_31 = arith.constant 0 : i32
        %dma_start3A_32 = tpu.memref_slice %arg9[%dma_start3A, %dma_start3A_31] : memref<32x64xi32, #tpu.memory_space<vmem>> -> memref<1x64xi32, #tpu.memory_space<vmem>>
        %dma_start3A_33 = tpu.memref_squeeze %dma_start3A_32 : memref<1x64xi32, #tpu.memory_space<vmem>> -> memref<64xi32, #tpu.memory_space<vmem>>
        %dma_start3A_34 = arith.constant 0 : i32
        %dma_start3A_35 = arith.constant 0 : i32
        %dma_start3A_36 = tpu.memref_slice %arg2[%dma_start3A_34, %dma_start3A_35] : memref<10000x128xf32, #tpu.memory_space<hbm>> -> memref<10000x128xf32, #tpu.memory_space<hbm>>
        tpu.enqueue_indirect_dma source(%dma_start3A_36 : memref<10000x128xf32, #tpu.memory_space<hbm>>) target(%arg11 : memref<64x128xf32, #tpu.memory_space<vmem>>) offsets(%dma_start3A_33 : memref<64xi32, #tpu.memory_space<vmem>>) semaphore(%arg16 : memref<!tpu.dma_semaphore, #tpu.memory_space<semaphore_mem>>)
        %dma_start3A_37 = arith.constant 1 : i32
        %dma_start3A_38 = arith.constant 0 : i32
        %dma_start3A_39 = tpu.memref_slice %arg9[%dma_start3A_37, %dma_start3A_38] : memref<32x64xi32, #tpu.memory_space<vmem>> -> memref<1x64xi32, #tpu.memory_space<vmem>>
        %dma_start3A_40 = tpu.memref_squeeze %dma_start3A_39 : memref<1x64xi32, #tpu.memory_space<vmem>> -> memref<64xi32, #tpu.memory_space<vmem>>
        %dma_start3A_41 = arith.constant 0 : i32
        %dma_start3A_42 = arith.constant 0 : i32
        %dma_start3A_43 = tpu.memref_slice %arg2[%dma_start3A_41, %dma_start3A_42] : memref<10000x128xf32, #tpu.memory_space<hbm>> -> memref<10000x128xf32, #tpu.memory_space<hbm>>
        tpu.enqueue_indirect_dma source(%dma_start3A_43 : memref<10000x128xf32, #tpu.memory_space<hbm>>) target(%arg12 : memref<64x128xf32, #tpu.memory_space<vmem>>) offsets(%dma_start3A_40 : memref<64xi32, #tpu.memory_space<vmem>>) semaphore(%arg17 : memref<!tpu.dma_semaphore, #tpu.memory_space<semaphore_mem>>)
        %dma_start3A_44 = arith.constant 2 : i32
        %dma_start3A_45 = arith.constant 0 : i32
        %dma_start3A_46 = tpu.memref_slice %arg9[%dma_start3A_44, %dma_start3A_45] : memref<32x64xi32, #tpu.memory_space<vmem>> -> memref<1x64xi32, #tpu.memory_space<vmem>>
        %dma_start3A_47 = tpu.memref_squeeze %dma_start3A_46 : memref<1x64xi32, #tpu.memory_space<vmem>> -> memref<64xi32, #tpu.memory_space<vmem>>
        %dma_start3A_48 = arith.constant 0 : i32
        %dma_start3A_49 = arith.constant 0 : i32
        %dma_start3A_50 = tpu.memref_slice %arg2[%dma_start3A_48, %dma_start3A_49] : memref<10000x128xf32, #tpu.memory_space<hbm>> -> memref<10000x128xf32, #tpu.memory_space<hbm>>
        tpu.enqueue_indirect_dma source(%dma_start3A_50 : memref<10000x128xf32, #tpu.memory_space<hbm>>) target(%arg13 : memref<64x128xf32, #tpu.memory_space<vmem>>) offsets(%dma_start3A_47 : memref<64xi32, #tpu.memory_space<vmem>>) semaphore(%arg18 : memref<!tpu.dma_semaphore, #tpu.memory_space<semaphore_mem>>)
        %dma_start3A_51 = arith.constant 3 : i32
        %dma_start3A_52 = arith.constant 0 : i32
        %dma_start3A_53 = tpu.memref_slice %arg9[%dma_start3A_51, %dma_start3A_52] : memref<32x64xi32, #tpu.memory_space<vmem>> -> memref<1x64xi32, #tpu.memory_space<vmem>>
        %dma_start3A_54 = tpu.memref_squeeze %dma_start3A_53 : memref<1x64xi32, #tpu.memory_space<vmem>> -> memref<64xi32, #tpu.memory_space<vmem>>
        %dma_start3A_55 = arith.constant 0 : i32
        %dma_start3A_56 = arith.constant 0 : i32
        %dma_start3A_57 = tpu.memref_slice %arg2[%dma_start3A_55, %dma_start3A_56] : memref<10000x128xf32, #tpu.memory_space<hbm>> -> memref<10000x128xf32, #tpu.memory_space<hbm>>
        tpu.enqueue_indirect_dma source(%dma_start3A_57 : memref<10000x128xf32, #tpu.memory_space<hbm>>) target(%arg14 : memref<64x128xf32, #tpu.memory_space<vmem>>) offsets(%dma_start3A_54 : memref<64xi32, #tpu.memory_space<vmem>>) semaphore(%arg19 : memref<!tpu.dma_semaphore, #tpu.memory_space<semaphore_mem>>)
        %scan3A_58 = arith.constant 0 : i32
        %scan3A_59 = arith.constant 8 : i32
        %scan3A_60 = arith.addi %scan3A_58, %scan3A_59 : i32
        %scan3A_61 = arith.constant 1 : i32
        scf.for %scan3A_63 = %scan3A_58 to %scan3A_60 step %scan3A_61  : i32 {
          %mul3A_64 = arith.constant 1 : i32
          %mul3A_65 = arith.muli %scan3A_63, %mul3A_64 : i32
          %add3A_66 = arith.constant 0 : i32
          %add3A_67 = arith.addi %add3A_66, %mul3A_65 : i32
          %mul3A_68 = arith.constant 4 : i32
          %mul3A_69 = arith.muli %add3A_67, %mul3A_68 : i32
          %add3A_70 = arith.constant 0 : i32
          %add3A_71 = arith.addi %mul3A_69, %add3A_70 : i32
          %dma_wait3A = arith.constant 0 : i32
          %dma_wait3A_72 = tpu.memref_slice %arg9[%add3A_71, %dma_wait3A] : memref<32x64xi32, #tpu.memory_space<vmem>> -> memref<1x64xi32, #tpu.memory_space<vmem>>
          %dma_wait3A_73 = tpu.memref_squeeze %dma_wait3A_72 : memref<1x64xi32, #tpu.memory_space<vmem>> -> memref<64xi32, #tpu.memory_space<vmem>>
          %dma_wait3A_74 = arith.constant 0 : i32
          %dma_wait3A_75 = arith.constant 0 : i32
          %dma_wait3A_76 = tpu.memref_slice %arg2[%dma_wait3A_74, %dma_wait3A_75] : memref<10000x128xf32, #tpu.memory_space<hbm>> -> memref<10000x128xf32, #tpu.memory_space<hbm>>
          tpu.wait_indirect_dma semaphore(%arg16 : memref<!tpu.dma_semaphore, #tpu.memory_space<semaphore_mem>>) src(%dma_wait3A_76 : memref<10000x128xf32, #tpu.memory_space<hbm>>) dst(%arg11 : memref<64x128xf32, #tpu.memory_space<vmem>>)
          "tpu.region"() ({
            %run_scoped3A = tpu.sem_alloc : memref<!tpu.dma_semaphore, #tpu.memory_space<semaphore_mem>>
            %dma_start3A_134 = arith.constant 0 : i32
            %dma_start3A_135 = tpu.memref_slice %arg10[%add3A_71, %dma_start3A_134] : memref<32x64xi32, #tpu.memory_space<vmem>> -> memref<1x64xi32, #tpu.memory_space<vmem>>
            %dma_start3A_136 = tpu.memref_squeeze %dma_start3A_135 : memref<1x64xi32, #tpu.memory_space<vmem>> -> memref<64xi32, #tpu.memory_space<vmem>>
            %dma_start3A_137 = arith.constant 0 : i32
            %dma_start3A_138 = arith.constant 0 : i32
            %dma_start3A_139 = tpu.memref_slice %arg15[%dma_start3A_137, %dma_start3A_138] : memref<10240x128xf32, #tpu.memory_space<vmem_shared>> -> memref<10240x128xf32, #tpu.memory_space<vmem_shared>>
            tpu.enqueue_indirect_dma source(%arg11 : memref<64x128xf32, #tpu.memory_space<vmem>>) target(%dma_start3A_139 : memref<10240x128xf32, #tpu.memory_space<vmem_shared>>) offsets(%dma_start3A_136 : memref<64xi32, #tpu.memory_space<vmem>>) semaphore(%run_scoped3A : memref<!tpu.dma_semaphore, #tpu.memory_space<semaphore_mem>>) {add = true}
            %dma_wait3A_140 = arith.constant 0 : i32
            %dma_wait3A_141 = tpu.memref_slice %arg10[%add3A_71, %dma_wait3A_140] : memref<32x64xi32, #tpu.memory_space<vmem>> -> memref<1x64xi32, #tpu.memory_space<vmem>>
            %dma_wait3A_142 = tpu.memref_squeeze %dma_wait3A_141 : memref<1x64xi32, #tpu.memory_space<vmem>> -> memref<64xi32, #tpu.memory_space<vmem>>
            %dma_wait3A_143 = arith.constant 0 : i32
            %dma_wait3A_144 = arith.constant 0 : i32
            %dma_wait3A_145 = tpu.memref_slice %arg15[%dma_wait3A_143, %dma_wait3A_144] : memref<10240x128xf32, #tpu.memory_space<vmem_shared>> -> memref<10240x128xf32, #tpu.memory_space<vmem_shared>>
            tpu.wait_indirect_dma semaphore(%run_scoped3A : memref<!tpu.dma_semaphore, #tpu.memory_space<semaphore_mem>>) src(%arg11 : memref<64x128xf32, #tpu.memory_space<vmem>>) dst(%dma_wait3A_145 : memref<10240x128xf32, #tpu.memory_space<vmem_shared>>)
            tpu.yield
          }) : () -> ()
          %add3A_77 = arith.constant 4 : i32
          %add3A_78 = arith.addi %add3A_71, %add3A_77 : i32
          %lt3A = arith.constant 32 : i32
          %lt3A_79 = arith.cmpi slt, %add3A_78, %lt3A : i32
          %convert_element_type3A_80 = arith.extui %lt3A_79 : i1 to i32
          %cond3A_81 = arith.constant 0 : i32
          %cond3A_82 = arith.cmpi ne, %convert_element_type3A_80, %cond3A_81 : i32
          scf.if %cond3A_82 {
            %add3A_134 = arith.constant 4 : i32
            %add3A_135 = arith.addi %add3A_71, %add3A_134 : i32
            %dma_start3A_136 = arith.constant 0 : i32
            %dma_start3A_137 = tpu.memref_slice %arg9[%add3A_135, %dma_start3A_136] : memref<32x64xi32, #tpu.memory_space<vmem>> -> memref<1x64xi32, #tpu.memory_space<vmem>>
            %dma_start3A_138 = tpu.memref_squeeze %dma_start3A_137 : memref<1x64xi32, #tpu.memory_space<vmem>> -> memref<64xi32, #tpu.memory_space<vmem>>
            %dma_start3A_139 = arith.constant 0 : i32
            %dma_start3A_140 = arith.constant 0 : i32
            %dma_start3A_141 = tpu.memref_slice %arg2[%dma_start3A_139, %dma_start3A_140] : memref<10000x128xf32, #tpu.memory_space<hbm>> -> memref<10000x128xf32, #tpu.memory_space<hbm>>
            tpu.enqueue_indirect_dma source(%dma_start3A_141 : memref<10000x128xf32, #tpu.memory_space<hbm>>) target(%arg11 : memref<64x128xf32, #tpu.memory_space<vmem>>) offsets(%dma_start3A_138 : memref<64xi32, #tpu.memory_space<vmem>>) semaphore(%arg16 : memref<!tpu.dma_semaphore, #tpu.memory_space<semaphore_mem>>)
          } else {
          }
          %mul3A_83 = arith.constant 4 : i32
          %mul3A_84 = arith.muli %add3A_67, %mul3A_83 : i32
          %add3A_85 = arith.constant 1 : i32
          %add3A_86 = arith.addi %mul3A_84, %add3A_85 : i32
          %dma_wait3A_87 = arith.constant 0 : i32
          %dma_wait3A_88 = tpu.memref_slice %arg9[%add3A_86, %dma_wait3A_87] : memref<32x64xi32, #tpu.memory_space<vmem>> -> memref<1x64xi32, #tpu.memory_space<vmem>>
          %dma_wait3A_89 = tpu.memref_squeeze %dma_wait3A_88 : memref<1x64xi32, #tpu.memory_space<vmem>> -> memref<64xi32, #tpu.memory_space<vmem>>
          %dma_wait3A_90 = arith.constant 0 : i32
          %dma_wait3A_91 = arith.constant 0 : i32
          %dma_wait3A_92 = tpu.memref_slice %arg2[%dma_wait3A_90, %dma_wait3A_91] : memref<10000x128xf32, #tpu.memory_space<hbm>> -> memref<10000x128xf32, #tpu.memory_space<hbm>>
          tpu.wait_indirect_dma semaphore(%arg17 : memref<!tpu.dma_semaphore, #tpu.memory_space<semaphore_mem>>) src(%dma_wait3A_92 : memref<10000x128xf32, #tpu.memory_space<hbm>>) dst(%arg12 : memref<64x128xf32, #tpu.memory_space<vmem>>)
          "tpu.region"() ({
            %run_scoped3A = tpu.sem_alloc : memref<!tpu.dma_semaphore, #tpu.memory_space<semaphore_mem>>
            %dma_start3A_134 = arith.constant 0 : i32
            %dma_start3A_135 = tpu.memref_slice %arg10[%add3A_86, %dma_start3A_134] : memref<32x64xi32, #tpu.memory_space<vmem>> -> memref<1x64xi32, #tpu.memory_space<vmem>>
            %dma_start3A_136 = tpu.memref_squeeze %dma_start3A_135 : memref<1x64xi32, #tpu.memory_space<vmem>> -> memref<64xi32, #tpu.memory_space<vmem>>
            %dma_start3A_137 = arith.constant 0 : i32
            %dma_start3A_138 = arith.constant 0 : i32
            %dma_start3A_139 = tpu.memref_slice %arg15[%dma_start3A_137, %dma_start3A_138] : memref<10240x128xf32, #tpu.memory_space<vmem_shared>> -> memref<10240x128xf32, #tpu.memory_space<vmem_shared>>
            tpu.enqueue_indirect_dma source(%arg12 : memref<64x128xf32, #tpu.memory_space<vmem>>) target(%dma_start3A_139 : memref<10240x128xf32, #tpu.memory_space<vmem_shared>>) offsets(%dma_start3A_136 : memref<64xi32, #tpu.memory_space<vmem>>) semaphore(%run_scoped3A : memref<!tpu.dma_semaphore, #tpu.memory_space<semaphore_mem>>) {add = true}
            %dma_wait3A_140 = arith.constant 0 : i32
            %dma_wait3A_141 = tpu.memref_slice %arg10[%add3A_86, %dma_wait3A_140] : memref<32x64xi32, #tpu.memory_space<vmem>> -> memref<1x64xi32, #tpu.memory_space<vmem>>
            %dma_wait3A_142 = tpu.memref_squeeze %dma_wait3A_141 : memref<1x64xi32, #tpu.memory_space<vmem>> -> memref<64xi32, #tpu.memory_space<vmem>>
            %dma_wait3A_143 = arith.constant 0 : i32
            %dma_wait3A_144 = arith.constant 0 : i32
            %dma_wait3A_145 = tpu.memref_slice %arg15[%dma_wait3A_143, %dma_wait3A_144] : memref<10240x128xf32, #tpu.memory_space<vmem_shared>> -> memref<10240x128xf32, #tpu.memory_space<vmem_shared>>
            tpu.wait_indirect_dma semaphore(%run_scoped3A : memref<!tpu.dma_semaphore, #tpu.memory_space<semaphore_mem>>) src(%arg12 : memref<64x128xf32, #tpu.memory_space<vmem>>) dst(%dma_wait3A_145 : memref<10240x128xf32, #tpu.memory_space<vmem_shared>>)
            tpu.yield
          }) : () -> ()
          %add3A_93 = arith.constant 4 : i32
          %add3A_94 = arith.addi %add3A_86, %add3A_93 : i32
          %lt3A_95 = arith.constant 32 : i32
          %lt3A_96 = arith.cmpi slt, %add3A_94, %lt3A_95 : i32
          %convert_element_type3A_97 = arith.extui %lt3A_96 : i1 to i32
          %cond3A_98 = arith.constant 0 : i32
          %cond3A_99 = arith.cmpi ne, %convert_element_type3A_97, %cond3A_98 : i32
          scf.if %cond3A_99 {
            %add3A_134 = arith.constant 4 : i32
            %add3A_135 = arith.addi %add3A_86, %add3A_134 : i32
            %dma_start3A_136 = arith.constant 0 : i32
            %dma_start3A_137 = tpu.memref_slice %arg9[%add3A_135, %dma_start3A_136] : memref<32x64xi32, #tpu.memory_space<vmem>> -> memref<1x64xi32, #tpu.memory_space<vmem>>
            %dma_start3A_138 = tpu.memref_squeeze %dma_start3A_137 : memref<1x64xi32, #tpu.memory_space<vmem>> -> memref<64xi32, #tpu.memory_space<vmem>>
            %dma_start3A_139 = arith.constant 0 : i32
            %dma_start3A_140 = arith.constant 0 : i32
            %dma_start3A_141 = tpu.memref_slice %arg2[%dma_start3A_139, %dma_start3A_140] : memref<10000x128xf32, #tpu.memory_space<hbm>> -> memref<10000x128xf32, #tpu.memory_space<hbm>>
            tpu.enqueue_indirect_dma source(%dma_start3A_141 : memref<10000x128xf32, #tpu.memory_space<hbm>>) target(%arg12 : memref<64x128xf32, #tpu.memory_space<vmem>>) offsets(%dma_start3A_138 : memref<64xi32, #tpu.memory_space<vmem>>) semaphore(%arg17 : memref<!tpu.dma_semaphore, #tpu.memory_space<semaphore_mem>>)
          } else {
          }
          %mul3A_100 = arith.constant 4 : i32
          %mul3A_101 = arith.muli %add3A_67, %mul3A_100 : i32
          %add3A_102 = arith.constant 2 : i32
          %add3A_103 = arith.addi %mul3A_101, %add3A_102 : i32
          %dma_wait3A_104 = arith.constant 0 : i32
          %dma_wait3A_105 = tpu.memref_slice %arg9[%add3A_103, %dma_wait3A_104] : memref<32x64xi32, #tpu.memory_space<vmem>> -> memref<1x64xi32, #tpu.memory_space<vmem>>
          %dma_wait3A_106 = tpu.memref_squeeze %dma_wait3A_105 : memref<1x64xi32, #tpu.memory_space<vmem>> -> memref<64xi32, #tpu.memory_space<vmem>>
          %dma_wait3A_107 = arith.constant 0 : i32
          %dma_wait3A_108 = arith.constant 0 : i32
          %dma_wait3A_109 = tpu.memref_slice %arg2[%dma_wait3A_107, %dma_wait3A_108] : memref<10000x128xf32, #tpu.memory_space<hbm>> -> memref<10000x128xf32, #tpu.memory_space<hbm>>
          tpu.wait_indirect_dma semaphore(%arg18 : memref<!tpu.dma_semaphore, #tpu.memory_space<semaphore_mem>>) src(%dma_wait3A_109 : memref<10000x128xf32, #tpu.memory_space<hbm>>) dst(%arg13 : memref<64x128xf32, #tpu.memory_space<vmem>>)
          "tpu.region"() ({
            %run_scoped3A = tpu.sem_alloc : memref<!tpu.dma_semaphore, #tpu.memory_space<semaphore_mem>>
            %dma_start3A_134 = arith.constant 0 : i32
            %dma_start3A_135 = tpu.memref_slice %arg10[%add3A_103, %dma_start3A_134] : memref<32x64xi32, #tpu.memory_space<vmem>> -> memref<1x64xi32, #tpu.memory_space<vmem>>
            %dma_start3A_136 = tpu.memref_squeeze %dma_start3A_135 : memref<1x64xi32, #tpu.memory_space<vmem>> -> memref<64xi32, #tpu.memory_space<vmem>>
            %dma_start3A_137 = arith.constant 0 : i32
            %dma_start3A_138 = arith.constant 0 : i32
            %dma_start3A_139 = tpu.memref_slice %arg15[%dma_start3A_137, %dma_start3A_138] : memref<10240x128xf32, #tpu.memory_space<vmem_shared>> -> memref<10240x128xf32, #tpu.memory_space<vmem_shared>>
            tpu.enqueue_indirect_dma source(%arg13 : memref<64x128xf32, #tpu.memory_space<vmem>>) target(%dma_start3A_139 : memref<10240x128xf32, #tpu.memory_space<vmem_shared>>) offsets(%dma_start3A_136 : memref<64xi32, #tpu.memory_space<vmem>>) semaphore(%run_scoped3A : memref<!tpu.dma_semaphore, #tpu.memory_space<semaphore_mem>>) {add = true}
            %dma_wait3A_140 = arith.constant 0 : i32
            %dma_wait3A_141 = tpu.memref_slice %arg10[%add3A_103, %dma_wait3A_140] : memref<32x64xi32, #tpu.memory_space<vmem>> -> memref<1x64xi32, #tpu.memory_space<vmem>>
            %dma_wait3A_142 = tpu.memref_squeeze %dma_wait3A_141 : memref<1x64xi32, #tpu.memory_space<vmem>> -> memref<64xi32, #tpu.memory_space<vmem>>
            %dma_wait3A_143 = arith.constant 0 : i32
            %dma_wait3A_144 = arith.constant 0 : i32
            %dma_wait3A_145 = tpu.memref_slice %arg15[%dma_wait3A_143, %dma_wait3A_144] : memref<10240x128xf32, #tpu.memory_space<vmem_shared>> -> memref<10240x128xf32, #tpu.memory_space<vmem_shared>>
            tpu.wait_indirect_dma semaphore(%run_scoped3A : memref<!tpu.dma_semaphore, #tpu.memory_space<semaphore_mem>>) src(%arg13 : memref<64x128xf32, #tpu.memory_space<vmem>>) dst(%dma_wait3A_145 : memref<10240x128xf32, #tpu.memory_space<vmem_shared>>)
            tpu.yield
          }) : () -> ()
          %add3A_110 = arith.constant 4 : i32
          %add3A_111 = arith.addi %add3A_103, %add3A_110 : i32
          %lt3A_112 = arith.constant 32 : i32
          %lt3A_113 = arith.cmpi slt, %add3A_111, %lt3A_112 : i32
          %convert_element_type3A_114 = arith.extui %lt3A_113 : i1 to i32
          %cond3A_115 = arith.constant 0 : i32
          %cond3A_116 = arith.cmpi ne, %convert_element_type3A_114, %cond3A_115 : i32
          scf.if %cond3A_116 {
            %add3A_134 = arith.constant 4 : i32
            %add3A_135 = arith.addi %add3A_103, %add3A_134 : i32
            %dma_start3A_136 = arith.constant 0 : i32
            %dma_start3A_137 = tpu.memref_slice %arg9[%add3A_135, %dma_start3A_136] : memref<32x64xi32, #tpu.memory_space<vmem>> -> memref<1x64xi32, #tpu.memory_space<vmem>>
            %dma_start3A_138 = tpu.memref_squeeze %dma_start3A_137 : memref<1x64xi32, #tpu.memory_space<vmem>> -> memref<64xi32, #tpu.memory_space<vmem>>
            %dma_start3A_139 = arith.constant 0 : i32
            %dma_start3A_140 = arith.constant 0 : i32
            %dma_start3A_141 = tpu.memref_slice %arg2[%dma_start3A_139, %dma_start3A_140] : memref<10000x128xf32, #tpu.memory_space<hbm>> -> memref<10000x128xf32, #tpu.memory_space<hbm>>
            tpu.enqueue_indirect_dma source(%dma_start3A_141 : memref<10000x128xf32, #tpu.memory_space<hbm>>) target(%arg13 : memref<64x128xf32, #tpu.memory_space<vmem>>) offsets(%dma_start3A_138 : memref<64xi32, #tpu.memory_space<vmem>>) semaphore(%arg18 : memref<!tpu.dma_semaphore, #tpu.memory_space<semaphore_mem>>)
          } else {
          }
          %mul3A_117 = arith.constant 4 : i32
          %mul3A_118 = arith.muli %add3A_67, %mul3A_117 : i32
          %add3A_119 = arith.constant 3 : i32
          %add3A_120 = arith.addi %mul3A_118, %add3A_119 : i32
          %dma_wait3A_121 = arith.constant 0 : i32
          %dma_wait3A_122 = tpu.memref_slice %arg9[%add3A_120, %dma_wait3A_121] : memref<32x64xi32, #tpu.memory_space<vmem>> -> memref<1x64xi32, #tpu.memory_space<vmem>>
          %dma_wait3A_123 = tpu.memref_squeeze %dma_wait3A_122 : memref<1x64xi32, #tpu.memory_space<vmem>> -> memref<64xi32, #tpu.memory_space<vmem>>
          %dma_wait3A_124 = arith.constant 0 : i32
          %dma_wait3A_125 = arith.constant 0 : i32
          %dma_wait3A_126 = tpu.memref_slice %arg2[%dma_wait3A_124, %dma_wait3A_125] : memref<10000x128xf32, #tpu.memory_space<hbm>> -> memref<10000x128xf32, #tpu.memory_space<hbm>>
          tpu.wait_indirect_dma semaphore(%arg19 : memref<!tpu.dma_semaphore, #tpu.memory_space<semaphore_mem>>) src(%dma_wait3A_126 : memref<10000x128xf32, #tpu.memory_space<hbm>>) dst(%arg14 : memref<64x128xf32, #tpu.memory_space<vmem>>)
          "tpu.region"() ({
            %run_scoped3A = tpu.sem_alloc : memref<!tpu.dma_semaphore, #tpu.memory_space<semaphore_mem>>
            %dma_start3A_134 = arith.constant 0 : i32
            %dma_start3A_135 = tpu.memref_slice %arg10[%add3A_120, %dma_start3A_134] : memref<32x64xi32, #tpu.memory_space<vmem>> -> memref<1x64xi32, #tpu.memory_space<vmem>>
            %dma_start3A_136 = tpu.memref_squeeze %dma_start3A_135 : memref<1x64xi32, #tpu.memory_space<vmem>> -> memref<64xi32, #tpu.memory_space<vmem>>
            %dma_start3A_137 = arith.constant 0 : i32
            %dma_start3A_138 = arith.constant 0 : i32
            %dma_start3A_139 = tpu.memref_slice %arg15[%dma_start3A_137, %dma_start3A_138] : memref<10240x128xf32, #tpu.memory_space<vmem_shared>> -> memref<10240x128xf32, #tpu.memory_space<vmem_shared>>
            tpu.enqueue_indirect_dma source(%arg14 : memref<64x128xf32, #tpu.memory_space<vmem>>) target(%dma_start3A_139 : memref<10240x128xf32, #tpu.memory_space<vmem_shared>>) offsets(%dma_start3A_136 : memref<64xi32, #tpu.memory_space<vmem>>) semaphore(%run_scoped3A : memref<!tpu.dma_semaphore, #tpu.memory_space<semaphore_mem>>) {add = true}
            %dma_wait3A_140 = arith.constant 0 : i32
            %dma_wait3A_141 = tpu.memref_slice %arg10[%add3A_120, %dma_wait3A_140] : memref<32x64xi32, #tpu.memory_space<vmem>> -> memref<1x64xi32, #tpu.memory_space<vmem>>
            %dma_wait3A_142 = tpu.memref_squeeze %dma_wait3A_141 : memref<1x64xi32, #tpu.memory_space<vmem>> -> memref<64xi32, #tpu.memory_space<vmem>>
            %dma_wait3A_143 = arith.constant 0 : i32
            %dma_wait3A_144 = arith.constant 0 : i32
            %dma_wait3A_145 = tpu.memref_slice %arg15[%dma_wait3A_143, %dma_wait3A_144] : memref<10240x128xf32, #tpu.memory_space<vmem_shared>> -> memref<10240x128xf32, #tpu.memory_space<vmem_shared>>
            tpu.wait_indirect_dma semaphore(%run_scoped3A : memref<!tpu.dma_semaphore, #tpu.memory_space<semaphore_mem>>) src(%arg14 : memref<64x128xf32, #tpu.memory_space<vmem>>) dst(%dma_wait3A_145 : memref<10240x128xf32, #tpu.memory_space<vmem_shared>>)
            tpu.yield
          }) : () -> ()
          %add3A_127 = arith.constant 4 : i32
          %add3A_128 = arith.addi %add3A_120, %add3A_127 : i32
          %lt3A_129 = arith.constant 32 : i32
          %lt3A_130 = arith.cmpi slt, %add3A_128, %lt3A_129 : i32
          %convert_element_type3A_131 = arith.extui %lt3A_130 : i1 to i32
          %cond3A_132 = arith.constant 0 : i32
          %cond3A_133 = arith.cmpi ne, %convert_element_type3A_131, %cond3A_132 : i32
          scf.if %cond3A_133 {
            %add3A_134 = arith.constant 4 : i32
            %add3A_135 = arith.addi %add3A_120, %add3A_134 : i32
            %dma_start3A_136 = arith.constant 0 : i32
            %dma_start3A_137 = tpu.memref_slice %arg9[%add3A_135, %dma_start3A_136] : memref<32x64xi32, #tpu.memory_space<vmem>> -> memref<1x64xi32, #tpu.memory_space<vmem>>
            %dma_start3A_138 = tpu.memref_squeeze %dma_start3A_137 : memref<1x64xi32, #tpu.memory_space<vmem>> -> memref<64xi32, #tpu.memory_space<vmem>>
            %dma_start3A_139 = arith.constant 0 : i32
            %dma_start3A_140 = arith.constant 0 : i32
            %dma_start3A_141 = tpu.memref_slice %arg2[%dma_start3A_139, %dma_start3A_140] : memref<10000x128xf32, #tpu.memory_space<hbm>> -> memref<10000x128xf32, #tpu.memory_space<hbm>>
            tpu.enqueue_indirect_dma source(%dma_start3A_141 : memref<10000x128xf32, #tpu.memory_space<hbm>>) target(%arg14 : memref<64x128xf32, #tpu.memory_space<vmem>>) offsets(%dma_start3A_138 : memref<64xi32, #tpu.memory_space<vmem>>) semaphore(%arg19 : memref<!tpu.dma_semaphore, #tpu.memory_space<semaphore_mem>>)
          } else {
          }
        }
        %scan3A_62 = arith.constant 8 : i32
      }
      %scan3A_22 = arith.constant 5 : i32
    } else {
    }
    %eq3A_3 = arith.constant 1 : i32
    %eq3A_4 = arith.cmpi eq, %arg0, %eq3A_3 : i32
    %convert_element_type3A_5 = arith.extui %eq3A_4 : i1 to i32
    %cond3A_6 = arith.constant 0 : i32
    %cond3A_7 = arith.cmpi ne, %convert_element_type3A_5, %cond3A_6 : i32
    scf.if %cond3A_7 {
      %scan3A = arith.constant 0 : i32
      %scan3A_19 = arith.constant 5 : i32
      %scan3A_20 = arith.addi %scan3A, %scan3A_19 : i32
      %scan3A_21 = arith.constant 1 : i32
      scf.for %scan3A_23 = %scan3A to %scan3A_20 step %scan3A_21  : i32 {
        %mul3A_24 = arith.constant 1 : i32
        %mul3A_25 = arith.muli %scan3A_23, %mul3A_24 : i32
        %add3A = arith.constant 0 : i32
        %add3A_26 = arith.addi %add3A, %mul3A_25 : i32
        %mul3A_27 = arith.constant 32 : i32
        %mul3A_28 = arith.muli %add3A_26, %mul3A_27 : i32
        "tpu.region"() ({
          %run_scoped3A = tpu.sem_alloc : memref<!tpu.dma_semaphore, #tpu.memory_space<semaphore_mem>>
          %dma_start3A_63 = arith.constant 0 : i32
          %dma_start3A_64 = tpu.memref_slice %arg4[%arg1, %mul3A_28, %dma_start3A_63] : memref<16x160x64xi32, #tpu.memory_space<hbm>> -> memref<1x32x64xi32, #tpu.memory_space<hbm>>
          %dma_start3A_65 = tpu.memref_squeeze %dma_start3A_64 : memref<1x32x64xi32, #tpu.memory_space<hbm>> -> memref<32x64xi32, #tpu.memory_space<hbm>>
          %dma_start3A_66 = arith.constant 0 : i32
          %dma_start3A_67 = tpu.memref_slice %arg4[%arg1, %mul3A_28, %dma_start3A_66] : memref<16x160x64xi32, #tpu.memory_space<hbm>> -> memref<1x32x64xi32, #tpu.memory_space<hbm>>
          %dma_start3A_68 = tpu.memref_squeeze %dma_start3A_67 : memref<1x32x64xi32, #tpu.memory_space<hbm>> -> memref<32x64xi32, #tpu.memory_space<hbm>>
          tpu.enqueue_dma source(%dma_start3A_68 : memref<32x64xi32, #tpu.memory_space<hbm>>) target(%arg9 : memref<32x64xi32, #tpu.memory_space<vmem>>) target_semaphore(%run_scoped3A : memref<!tpu.dma_semaphore, #tpu.memory_space<semaphore_mem>>)
          %dma_wait3A = arith.constant 0 : i32
          %dma_wait3A_69 = tpu.memref_slice %arg4[%arg1, %mul3A_28, %dma_wait3A] : memref<16x160x64xi32, #tpu.memory_space<hbm>> -> memref<1x32x64xi32, #tpu.memory_space<hbm>>
          %dma_wait3A_70 = tpu.memref_squeeze %dma_wait3A_69 : memref<1x32x64xi32, #tpu.memory_space<hbm>> -> memref<32x64xi32, #tpu.memory_space<hbm>>
          %dma_wait3A_71 = arith.constant 0 : i32
          %dma_wait3A_72 = tpu.memref_slice %arg4[%arg1, %mul3A_28, %dma_wait3A_71] : memref<16x160x64xi32, #tpu.memory_space<hbm>> -> memref<1x32x64xi32, #tpu.memory_space<hbm>>
          %dma_wait3A_73 = tpu.memref_squeeze %dma_wait3A_72 : memref<1x32x64xi32, #tpu.memory_space<hbm>> -> memref<32x64xi32, #tpu.memory_space<hbm>>
          tpu.wait_dma2 semaphore(%run_scoped3A : memref<!tpu.dma_semaphore, #tpu.memory_space<semaphore_mem>>) src(%dma_wait3A_73 : memref<32x64xi32, #tpu.memory_space<hbm>>) dst(%arg9 : memref<32x64xi32, #tpu.memory_space<vmem>>)
          tpu.yield
        }) : () -> ()
        %mul3A_29 = arith.constant 32 : i32
        %mul3A_30 = arith.muli %add3A_26, %mul3A_29 : i32
        "tpu.region"() ({
          %run_scoped3A = tpu.sem_alloc : memref<!tpu.dma_semaphore, #tpu.memory_space<semaphore_mem>>
          %dma_start3A_63 = arith.constant 0 : i32
          %dma_start3A_64 = tpu.memref_slice %arg5[%arg1, %mul3A_30, %dma_start3A_63] : memref<16x160x64xi32, #tpu.memory_space<hbm>> -> memref<1x32x64xi32, #tpu.memory_space<hbm>>
          %dma_start3A_65 = tpu.memref_squeeze %dma_start3A_64 : memref<1x32x64xi32, #tpu.memory_space<hbm>> -> memref<32x64xi32, #tpu.memory_space<hbm>>
          %dma_start3A_66 = arith.constant 0 : i32
          %dma_start3A_67 = tpu.memref_slice %arg5[%arg1, %mul3A_30, %dma_start3A_66] : memref<16x160x64xi32, #tpu.memory_space<hbm>> -> memref<1x32x64xi32, #tpu.memory_space<hbm>>
          %dma_start3A_68 = tpu.memref_squeeze %dma_start3A_67 : memref<1x32x64xi32, #tpu.memory_space<hbm>> -> memref<32x64xi32, #tpu.memory_space<hbm>>
          tpu.enqueue_dma source(%dma_start3A_68 : memref<32x64xi32, #tpu.memory_space<hbm>>) target(%arg10 : memref<32x64xi32, #tpu.memory_space<vmem>>) target_semaphore(%run_scoped3A : memref<!tpu.dma_semaphore, #tpu.memory_space<semaphore_mem>>)
          %dma_wait3A = arith.constant 0 : i32
          %dma_wait3A_69 = tpu.memref_slice %arg5[%arg1, %mul3A_30, %dma_wait3A] : memref<16x160x64xi32, #tpu.memory_space<hbm>> -> memref<1x32x64xi32, #tpu.memory_space<hbm>>
          %dma_wait3A_70 = tpu.memref_squeeze %dma_wait3A_69 : memref<1x32x64xi32, #tpu.memory_space<hbm>> -> memref<32x64xi32, #tpu.memory_space<hbm>>
          %dma_wait3A_71 = arith.constant 0 : i32
          %dma_wait3A_72 = tpu.memref_slice %arg5[%arg1, %mul3A_30, %dma_wait3A_71] : memref<16x160x64xi32, #tpu.memory_space<hbm>> -> memref<1x32x64xi32, #tpu.memory_space<hbm>>
          %dma_wait3A_73 = tpu.memref_squeeze %dma_wait3A_72 : memref<1x32x64xi32, #tpu.memory_space<hbm>> -> memref<32x64xi32, #tpu.memory_space<hbm>>
          tpu.wait_dma2 semaphore(%run_scoped3A : memref<!tpu.dma_semaphore, #tpu.memory_space<semaphore_mem>>) src(%dma_wait3A_73 : memref<32x64xi32, #tpu.memory_space<hbm>>) dst(%arg10 : memref<32x64xi32, #tpu.memory_space<vmem>>)
          tpu.yield
        }) : () -> ()
        %dma_start3A = arith.constant 0 : i32
        %dma_start3A_31 = arith.constant 0 : i32
        %dma_start3A_32 = tpu.memref_slice %arg9[%dma_start3A, %dma_start3A_31] : memref<32x64xi32, #tpu.memory_space<vmem>> -> memref<1x64xi32, #tpu.memory_space<vmem>>
        %dma_start3A_33 = tpu.memref_squeeze %dma_start3A_32 : memref<1x64xi32, #tpu.memory_space<vmem>> -> memref<64xi32, #tpu.memory_space<vmem>>
        %dma_start3A_34 = arith.constant 0 : i32
        %dma_start3A_35 = arith.constant 0 : i32
        %dma_start3A_36 = tpu.memref_slice %arg3[%dma_start3A_34, %dma_start3A_35] : memref<10000x128xf32, #tpu.memory_space<hbm>> -> memref<10000x128xf32, #tpu.memory_space<hbm>>
        tpu.enqueue_indirect_dma source(%dma_start3A_36 : memref<10000x128xf32, #tpu.memory_space<hbm>>) target(%arg11 : memref<64x128xf32, #tpu.memory_space<vmem>>) offsets(%dma_start3A_33 : memref<64xi32, #tpu.memory_space<vmem>>) semaphore(%arg16 : memref<!tpu.dma_semaphore, #tpu.memory_space<semaphore_mem>>)
        %dma_start3A_37 = arith.constant 1 : i32
        %dma_start3A_38 = arith.constant 0 : i32
        %dma_start3A_39 = tpu.memref_slice %arg9[%dma_start3A_37, %dma_start3A_38] : memref<32x64xi32, #tpu.memory_space<vmem>> -> memref<1x64xi32, #tpu.memory_space<vmem>>
        %dma_start3A_40 = tpu.memref_squeeze %dma_start3A_39 : memref<1x64xi32, #tpu.memory_space<vmem>> -> memref<64xi32, #tpu.memory_space<vmem>>
        %dma_start3A_41 = arith.constant 0 : i32
        %dma_start3A_42 = arith.constant 0 : i32
        %dma_start3A_43 = tpu.memref_slice %arg3[%dma_start3A_41, %dma_start3A_42] : memref<10000x128xf32, #tpu.memory_space<hbm>> -> memref<10000x128xf32, #tpu.memory_space<hbm>>
        tpu.enqueue_indirect_dma source(%dma_start3A_43 : memref<10000x128xf32, #tpu.memory_space<hbm>>) target(%arg12 : memref<64x128xf32, #tpu.memory_space<vmem>>) offsets(%dma_start3A_40 : memref<64xi32, #tpu.memory_space<vmem>>) semaphore(%arg17 : memref<!tpu.dma_semaphore, #tpu.memory_space<semaphore_mem>>)
        %dma_start3A_44 = arith.constant 2 : i32
        %dma_start3A_45 = arith.constant 0 : i32
        %dma_start3A_46 = tpu.memref_slice %arg9[%dma_start3A_44, %dma_start3A_45] : memref<32x64xi32, #tpu.memory_space<vmem>> -> memref<1x64xi32, #tpu.memory_space<vmem>>
        %dma_start3A_47 = tpu.memref_squeeze %dma_start3A_46 : memref<1x64xi32, #tpu.memory_space<vmem>> -> memref<64xi32, #tpu.memory_space<vmem>>
        %dma_start3A_48 = arith.constant 0 : i32
        %dma_start3A_49 = arith.constant 0 : i32
        %dma_start3A_50 = tpu.memref_slice %arg3[%dma_start3A_48, %dma_start3A_49] : memref<10000x128xf32, #tpu.memory_space<hbm>> -> memref<10000x128xf32, #tpu.memory_space<hbm>>
        tpu.enqueue_indirect_dma source(%dma_start3A_50 : memref<10000x128xf32, #tpu.memory_space<hbm>>) target(%arg13 : memref<64x128xf32, #tpu.memory_space<vmem>>) offsets(%dma_start3A_47 : memref<64xi32, #tpu.memory_space<vmem>>) semaphore(%arg18 : memref<!tpu.dma_semaphore, #tpu.memory_space<semaphore_mem>>)
        %dma_start3A_51 = arith.constant 3 : i32
        %dma_start3A_52 = arith.constant 0 : i32
        %dma_start3A_53 = tpu.memref_slice %arg9[%dma_start3A_51, %dma_start3A_52] : memref<32x64xi32, #tpu.memory_space<vmem>> -> memref<1x64xi32, #tpu.memory_space<vmem>>
        %dma_start3A_54 = tpu.memref_squeeze %dma_start3A_53 : memref<1x64xi32, #tpu.memory_space<vmem>> -> memref<64xi32, #tpu.memory_space<vmem>>
        %dma_start3A_55 = arith.constant 0 : i32
        %dma_start3A_56 = arith.constant 0 : i32
        %dma_start3A_57 = tpu.memref_slice %arg3[%dma_start3A_55, %dma_start3A_56] : memref<10000x128xf32, #tpu.memory_space<hbm>> -> memref<10000x128xf32, #tpu.memory_space<hbm>>
        tpu.enqueue_indirect_dma source(%dma_start3A_57 : memref<10000x128xf32, #tpu.memory_space<hbm>>) target(%arg14 : memref<64x128xf32, #tpu.memory_space<vmem>>) offsets(%dma_start3A_54 : memref<64xi32, #tpu.memory_space<vmem>>) semaphore(%arg19 : memref<!tpu.dma_semaphore, #tpu.memory_space<semaphore_mem>>)
        %scan3A_58 = arith.constant 0 : i32
        %scan3A_59 = arith.constant 8 : i32
        %scan3A_60 = arith.addi %scan3A_58, %scan3A_59 : i32
        %scan3A_61 = arith.constant 1 : i32
        scf.for %scan3A_63 = %scan3A_58 to %scan3A_60 step %scan3A_61  : i32 {
          %mul3A_64 = arith.constant 1 : i32
          %mul3A_65 = arith.muli %scan3A_63, %mul3A_64 : i32
          %add3A_66 = arith.constant 0 : i32
          %add3A_67 = arith.addi %add3A_66, %mul3A_65 : i32
          %mul3A_68 = arith.constant 4 : i32
          %mul3A_69 = arith.muli %add3A_67, %mul3A_68 : i32
          %add3A_70 = arith.constant 0 : i32
          %add3A_71 = arith.addi %mul3A_69, %add3A_70 : i32
          %dma_wait3A = arith.constant 0 : i32
          %dma_wait3A_72 = tpu.memref_slice %arg9[%add3A_71, %dma_wait3A] : memref<32x64xi32, #tpu.memory_space<vmem>> -> memref<1x64xi32, #tpu.memory_space<vmem>>
          %dma_wait3A_73 = tpu.memref_squeeze %dma_wait3A_72 : memref<1x64xi32, #tpu.memory_space<vmem>> -> memref<64xi32, #tpu.memory_space<vmem>>
          %dma_wait3A_74 = arith.constant 0 : i32
          %dma_wait3A_75 = arith.constant 0 : i32
          %dma_wait3A_76 = tpu.memref_slice %arg3[%dma_wait3A_74, %dma_wait3A_75] : memref<10000x128xf32, #tpu.memory_space<hbm>> -> memref<10000x128xf32, #tpu.memory_space<hbm>>
          tpu.wait_indirect_dma semaphore(%arg16 : memref<!tpu.dma_semaphore, #tpu.memory_space<semaphore_mem>>) src(%dma_wait3A_76 : memref<10000x128xf32, #tpu.memory_space<hbm>>) dst(%arg11 : memref<64x128xf32, #tpu.memory_space<vmem>>)
          "tpu.region"() ({
            %run_scoped3A = tpu.sem_alloc : memref<!tpu.dma_semaphore, #tpu.memory_space<semaphore_mem>>
            %dma_start3A_134 = arith.constant 0 : i32
            %dma_start3A_135 = tpu.memref_slice %arg10[%add3A_71, %dma_start3A_134] : memref<32x64xi32, #tpu.memory_space<vmem>> -> memref<1x64xi32, #tpu.memory_space<vmem>>
            %dma_start3A_136 = tpu.memref_squeeze %dma_start3A_135 : memref<1x64xi32, #tpu.memory_space<vmem>> -> memref<64xi32, #tpu.memory_space<vmem>>
            %dma_start3A_137 = arith.constant 0 : i32
            %dma_start3A_138 = arith.constant 0 : i32
            %dma_start3A_139 = tpu.memref_slice %arg15[%dma_start3A_137, %dma_start3A_138] : memref<10240x128xf32, #tpu.memory_space<vmem_shared>> -> memref<10240x128xf32, #tpu.memory_space<vmem_shared>>
            tpu.enqueue_indirect_dma source(%arg11 : memref<64x128xf32, #tpu.memory_space<vmem>>) target(%dma_start3A_139 : memref<10240x128xf32, #tpu.memory_space<vmem_shared>>) offsets(%dma_start3A_136 : memref<64xi32, #tpu.memory_space<vmem>>) semaphore(%run_scoped3A : memref<!tpu.dma_semaphore, #tpu.memory_space<semaphore_mem>>) {add = true}
            %dma_wait3A_140 = arith.constant 0 : i32
            %dma_wait3A_141 = tpu.memref_slice %arg10[%add3A_71, %dma_wait3A_140] : memref<32x64xi32, #tpu.memory_space<vmem>> -> memref<1x64xi32, #tpu.memory_space<vmem>>
            %dma_wait3A_142 = tpu.memref_squeeze %dma_wait3A_141 : memref<1x64xi32, #tpu.memory_space<vmem>> -> memref<64xi32, #tpu.memory_space<vmem>>
            %dma_wait3A_143 = arith.constant 0 : i32
            %dma_wait3A_144 = arith.constant 0 : i32
            %dma_wait3A_145 = tpu.memref_slice %arg15[%dma_wait3A_143, %dma_wait3A_144] : memref<10240x128xf32, #tpu.memory_space<vmem_shared>> -> memref<10240x128xf32, #tpu.memory_space<vmem_shared>>
            tpu.wait_indirect_dma semaphore(%run_scoped3A : memref<!tpu.dma_semaphore, #tpu.memory_space<semaphore_mem>>) src(%arg11 : memref<64x128xf32, #tpu.memory_space<vmem>>) dst(%dma_wait3A_145 : memref<10240x128xf32, #tpu.memory_space<vmem_shared>>)
            tpu.yield
          }) : () -> ()
          %add3A_77 = arith.constant 4 : i32
          %add3A_78 = arith.addi %add3A_71, %add3A_77 : i32
          %lt3A = arith.constant 32 : i32
          %lt3A_79 = arith.cmpi slt, %add3A_78, %lt3A : i32
          %convert_element_type3A_80 = arith.extui %lt3A_79 : i1 to i32
          %cond3A_81 = arith.constant 0 : i32
          %cond3A_82 = arith.cmpi ne, %convert_element_type3A_80, %cond3A_81 : i32
          scf.if %cond3A_82 {
            %add3A_134 = arith.constant 4 : i32
            %add3A_135 = arith.addi %add3A_71, %add3A_134 : i32
            %dma_start3A_136 = arith.constant 0 : i32
            %dma_start3A_137 = tpu.memref_slice %arg9[%add3A_135, %dma_start3A_136] : memref<32x64xi32, #tpu.memory_space<vmem>> -> memref<1x64xi32, #tpu.memory_space<vmem>>
            %dma_start3A_138 = tpu.memref_squeeze %dma_start3A_137 : memref<1x64xi32, #tpu.memory_space<vmem>> -> memref<64xi32, #tpu.memory_space<vmem>>
            %dma_start3A_139 = arith.constant 0 : i32
            %dma_start3A_140 = arith.constant 0 : i32
            %dma_start3A_141 = tpu.memref_slice %arg3[%dma_start3A_139, %dma_start3A_140] : memref<10000x128xf32, #tpu.memory_space<hbm>> -> memref<10000x128xf32, #tpu.memory_space<hbm>>
            tpu.enqueue_indirect_dma source(%dma_start3A_141 : memref<10000x128xf32, #tpu.memory_space<hbm>>) target(%arg11 : memref<64x128xf32, #tpu.memory_space<vmem>>) offsets(%dma_start3A_138 : memref<64xi32, #tpu.memory_space<vmem>>) semaphore(%arg16 : memref<!tpu.dma_semaphore, #tpu.memory_space<semaphore_mem>>)
          } else {
          }
          %mul3A_83 = arith.constant 4 : i32
          %mul3A_84 = arith.muli %add3A_67, %mul3A_83 : i32
          %add3A_85 = arith.constant 1 : i32
          %add3A_86 = arith.addi %mul3A_84, %add3A_85 : i32
          %dma_wait3A_87 = arith.constant 0 : i32
          %dma_wait3A_88 = tpu.memref_slice %arg9[%add3A_86, %dma_wait3A_87] : memref<32x64xi32, #tpu.memory_space<vmem>> -> memref<1x64xi32, #tpu.memory_space<vmem>>
          %dma_wait3A_89 = tpu.memref_squeeze %dma_wait3A_88 : memref<1x64xi32, #tpu.memory_space<vmem>> -> memref<64xi32, #tpu.memory_space<vmem>>
          %dma_wait3A_90 = arith.constant 0 : i32
          %dma_wait3A_91 = arith.constant 0 : i32
          %dma_wait3A_92 = tpu.memref_slice %arg3[%dma_wait3A_90, %dma_wait3A_91] : memref<10000x128xf32, #tpu.memory_space<hbm>> -> memref<10000x128xf32, #tpu.memory_space<hbm>>
          tpu.wait_indirect_dma semaphore(%arg17 : memref<!tpu.dma_semaphore, #tpu.memory_space<semaphore_mem>>) src(%dma_wait3A_92 : memref<10000x128xf32, #tpu.memory_space<hbm>>) dst(%arg12 : memref<64x128xf32, #tpu.memory_space<vmem>>)
          "tpu.region"() ({
            %run_scoped3A = tpu.sem_alloc : memref<!tpu.dma_semaphore, #tpu.memory_space<semaphore_mem>>
            %dma_start3A_134 = arith.constant 0 : i32
            %dma_start3A_135 = tpu.memref_slice %arg10[%add3A_86, %dma_start3A_134] : memref<32x64xi32, #tpu.memory_space<vmem>> -> memref<1x64xi32, #tpu.memory_space<vmem>>
            %dma_start3A_136 = tpu.memref_squeeze %dma_start3A_135 : memref<1x64xi32, #tpu.memory_space<vmem>> -> memref<64xi32, #tpu.memory_space<vmem>>
            %dma_start3A_137 = arith.constant 0 : i32
            %dma_start3A_138 = arith.constant 0 : i32
            %dma_start3A_139 = tpu.memref_slice %arg15[%dma_start3A_137, %dma_start3A_138] : memref<10240x128xf32, #tpu.memory_space<vmem_shared>> -> memref<10240x128xf32, #tpu.memory_space<vmem_shared>>
            tpu.enqueue_indirect_dma source(%arg12 : memref<64x128xf32, #tpu.memory_space<vmem>>) target(%dma_start3A_139 : memref<10240x128xf32, #tpu.memory_space<vmem_shared>>) offsets(%dma_start3A_136 : memref<64xi32, #tpu.memory_space<vmem>>) semaphore(%run_scoped3A : memref<!tpu.dma_semaphore, #tpu.memory_space<semaphore_mem>>) {add = true}
            %dma_wait3A_140 = arith.constant 0 : i32
            %dma_wait3A_141 = tpu.memref_slice %arg10[%add3A_86, %dma_wait3A_140] : memref<32x64xi32, #tpu.memory_space<vmem>> -> memref<1x64xi32, #tpu.memory_space<vmem>>
            %dma_wait3A_142 = tpu.memref_squeeze %dma_wait3A_141 : memref<1x64xi32, #tpu.memory_space<vmem>> -> memref<64xi32, #tpu.memory_space<vmem>>
            %dma_wait3A_143 = arith.constant 0 : i32
            %dma_wait3A_144 = arith.constant 0 : i32
            %dma_wait3A_145 = tpu.memref_slice %arg15[%dma_wait3A_143, %dma_wait3A_144] : memref<10240x128xf32, #tpu.memory_space<vmem_shared>> -> memref<10240x128xf32, #tpu.memory_space<vmem_shared>>
            tpu.wait_indirect_dma semaphore(%run_scoped3A : memref<!tpu.dma_semaphore, #tpu.memory_space<semaphore_mem>>) src(%arg12 : memref<64x128xf32, #tpu.memory_space<vmem>>) dst(%dma_wait3A_145 : memref<10240x128xf32, #tpu.memory_space<vmem_shared>>)
            tpu.yield
          }) : () -> ()
          %add3A_93 = arith.constant 4 : i32
          %add3A_94 = arith.addi %add3A_86, %add3A_93 : i32
          %lt3A_95 = arith.constant 32 : i32
          %lt3A_96 = arith.cmpi slt, %add3A_94, %lt3A_95 : i32
          %convert_element_type3A_97 = arith.extui %lt3A_96 : i1 to i32
          %cond3A_98 = arith.constant 0 : i32
          %cond3A_99 = arith.cmpi ne, %convert_element_type3A_97, %cond3A_98 : i32
          scf.if %cond3A_99 {
            %add3A_134 = arith.constant 4 : i32
            %add3A_135 = arith.addi %add3A_86, %add3A_134 : i32
            %dma_start3A_136 = arith.constant 0 : i32
            %dma_start3A_137 = tpu.memref_slice %arg9[%add3A_135, %dma_start3A_136] : memref<32x64xi32, #tpu.memory_space<vmem>> -> memref<1x64xi32, #tpu.memory_space<vmem>>
            %dma_start3A_138 = tpu.memref_squeeze %dma_start3A_137 : memref<1x64xi32, #tpu.memory_space<vmem>> -> memref<64xi32, #tpu.memory_space<vmem>>
            %dma_start3A_139 = arith.constant 0 : i32
            %dma_start3A_140 = arith.constant 0 : i32
            %dma_start3A_141 = tpu.memref_slice %arg3[%dma_start3A_139, %dma_start3A_140] : memref<10000x128xf32, #tpu.memory_space<hbm>> -> memref<10000x128xf32, #tpu.memory_space<hbm>>
            tpu.enqueue_indirect_dma source(%dma_start3A_141 : memref<10000x128xf32, #tpu.memory_space<hbm>>) target(%arg12 : memref<64x128xf32, #tpu.memory_space<vmem>>) offsets(%dma_start3A_138 : memref<64xi32, #tpu.memory_space<vmem>>) semaphore(%arg17 : memref<!tpu.dma_semaphore, #tpu.memory_space<semaphore_mem>>)
          } else {
          }
          %mul3A_100 = arith.constant 4 : i32
          %mul3A_101 = arith.muli %add3A_67, %mul3A_100 : i32
          %add3A_102 = arith.constant 2 : i32
          %add3A_103 = arith.addi %mul3A_101, %add3A_102 : i32
          %dma_wait3A_104 = arith.constant 0 : i32
          %dma_wait3A_105 = tpu.memref_slice %arg9[%add3A_103, %dma_wait3A_104] : memref<32x64xi32, #tpu.memory_space<vmem>> -> memref<1x64xi32, #tpu.memory_space<vmem>>
          %dma_wait3A_106 = tpu.memref_squeeze %dma_wait3A_105 : memref<1x64xi32, #tpu.memory_space<vmem>> -> memref<64xi32, #tpu.memory_space<vmem>>
          %dma_wait3A_107 = arith.constant 0 : i32
          %dma_wait3A_108 = arith.constant 0 : i32
          %dma_wait3A_109 = tpu.memref_slice %arg3[%dma_wait3A_107, %dma_wait3A_108] : memref<10000x128xf32, #tpu.memory_space<hbm>> -> memref<10000x128xf32, #tpu.memory_space<hbm>>
          tpu.wait_indirect_dma semaphore(%arg18 : memref<!tpu.dma_semaphore, #tpu.memory_space<semaphore_mem>>) src(%dma_wait3A_109 : memref<10000x128xf32, #tpu.memory_space<hbm>>) dst(%arg13 : memref<64x128xf32, #tpu.memory_space<vmem>>)
          "tpu.region"() ({
            %run_scoped3A = tpu.sem_alloc : memref<!tpu.dma_semaphore, #tpu.memory_space<semaphore_mem>>
            %dma_start3A_134 = arith.constant 0 : i32
            %dma_start3A_135 = tpu.memref_slice %arg10[%add3A_103, %dma_start3A_134] : memref<32x64xi32, #tpu.memory_space<vmem>> -> memref<1x64xi32, #tpu.memory_space<vmem>>
            %dma_start3A_136 = tpu.memref_squeeze %dma_start3A_135 : memref<1x64xi32, #tpu.memory_space<vmem>> -> memref<64xi32, #tpu.memory_space<vmem>>
            %dma_start3A_137 = arith.constant 0 : i32
            %dma_start3A_138 = arith.constant 0 : i32
            %dma_start3A_139 = tpu.memref_slice %arg15[%dma_start3A_137, %dma_start3A_138] : memref<10240x128xf32, #tpu.memory_space<vmem_shared>> -> memref<10240x128xf32, #tpu.memory_space<vmem_shared>>
            tpu.enqueue_indirect_dma source(%arg13 : memref<64x128xf32, #tpu.memory_space<vmem>>) target(%dma_start3A_139 : memref<10240x128xf32, #tpu.memory_space<vmem_shared>>) offsets(%dma_start3A_136 : memref<64xi32, #tpu.memory_space<vmem>>) semaphore(%run_scoped3A : memref<!tpu.dma_semaphore, #tpu.memory_space<semaphore_mem>>) {add = true}
            %dma_wait3A_140 = arith.constant 0 : i32
            %dma_wait3A_141 = tpu.memref_slice %arg10[%add3A_103, %dma_wait3A_140] : memref<32x64xi32, #tpu.memory_space<vmem>> -> memref<1x64xi32, #tpu.memory_space<vmem>>
            %dma_wait3A_142 = tpu.memref_squeeze %dma_wait3A_141 : memref<1x64xi32, #tpu.memory_space<vmem>> -> memref<64xi32, #tpu.memory_space<vmem>>
            %dma_wait3A_143 = arith.constant 0 : i32
            %dma_wait3A_144 = arith.constant 0 : i32
            %dma_wait3A_145 = tpu.memref_slice %arg15[%dma_wait3A_143, %dma_wait3A_144] : memref<10240x128xf32, #tpu.memory_space<vmem_shared>> -> memref<10240x128xf32, #tpu.memory_space<vmem_shared>>
            tpu.wait_indirect_dma semaphore(%run_scoped3A : memref<!tpu.dma_semaphore, #tpu.memory_space<semaphore_mem>>) src(%arg13 : memref<64x128xf32, #tpu.memory_space<vmem>>) dst(%dma_wait3A_145 : memref<10240x128xf32, #tpu.memory_space<vmem_shared>>)
            tpu.yield
          }) : () -> ()
          %add3A_110 = arith.constant 4 : i32
          %add3A_111 = arith.addi %add3A_103, %add3A_110 : i32
          %lt3A_112 = arith.constant 32 : i32
          %lt3A_113 = arith.cmpi slt, %add3A_111, %lt3A_112 : i32
          %convert_element_type3A_114 = arith.extui %lt3A_113 : i1 to i32
          %cond3A_115 = arith.constant 0 : i32
          %cond3A_116 = arith.cmpi ne, %convert_element_type3A_114, %cond3A_115 : i32
          scf.if %cond3A_116 {
            %add3A_134 = arith.constant 4 : i32
            %add3A_135 = arith.addi %add3A_103, %add3A_134 : i32
            %dma_start3A_136 = arith.constant 0 : i32
            %dma_start3A_137 = tpu.memref_slice %arg9[%add3A_135, %dma_start3A_136] : memref<32x64xi32, #tpu.memory_space<vmem>> -> memref<1x64xi32, #tpu.memory_space<vmem>>
            %dma_start3A_138 = tpu.memref_squeeze %dma_start3A_137 : memref<1x64xi32, #tpu.memory_space<vmem>> -> memref<64xi32, #tpu.memory_space<vmem>>
            %dma_start3A_139 = arith.constant 0 : i32
            %dma_start3A_140 = arith.constant 0 : i32
            %dma_start3A_141 = tpu.memref_slice %arg3[%dma_start3A_139, %dma_start3A_140] : memref<10000x128xf32, #tpu.memory_space<hbm>> -> memref<10000x128xf32, #tpu.memory_space<hbm>>
            tpu.enqueue_indirect_dma source(%dma_start3A_141 : memref<10000x128xf32, #tpu.memory_space<hbm>>) target(%arg13 : memref<64x128xf32, #tpu.memory_space<vmem>>) offsets(%dma_start3A_138 : memref<64xi32, #tpu.memory_space<vmem>>) semaphore(%arg18 : memref<!tpu.dma_semaphore, #tpu.memory_space<semaphore_mem>>)
          } else {
          }
          %mul3A_117 = arith.constant 4 : i32
          %mul3A_118 = arith.muli %add3A_67, %mul3A_117 : i32
          %add3A_119 = arith.constant 3 : i32
          %add3A_120 = arith.addi %mul3A_118, %add3A_119 : i32
          %dma_wait3A_121 = arith.constant 0 : i32
          %dma_wait3A_122 = tpu.memref_slice %arg9[%add3A_120, %dma_wait3A_121] : memref<32x64xi32, #tpu.memory_space<vmem>> -> memref<1x64xi32, #tpu.memory_space<vmem>>
          %dma_wait3A_123 = tpu.memref_squeeze %dma_wait3A_122 : memref<1x64xi32, #tpu.memory_space<vmem>> -> memref<64xi32, #tpu.memory_space<vmem>>
          %dma_wait3A_124 = arith.constant 0 : i32
          %dma_wait3A_125 = arith.constant 0 : i32
          %dma_wait3A_126 = tpu.memref_slice %arg3[%dma_wait3A_124, %dma_wait3A_125] : memref<10000x128xf32, #tpu.memory_space<hbm>> -> memref<10000x128xf32, #tpu.memory_space<hbm>>
          tpu.wait_indirect_dma semaphore(%arg19 : memref<!tpu.dma_semaphore, #tpu.memory_space<semaphore_mem>>) src(%dma_wait3A_126 : memref<10000x128xf32, #tpu.memory_space<hbm>>) dst(%arg14 : memref<64x128xf32, #tpu.memory_space<vmem>>)
          "tpu.region"() ({
            %run_scoped3A = tpu.sem_alloc : memref<!tpu.dma_semaphore, #tpu.memory_space<semaphore_mem>>
            %dma_start3A_134 = arith.constant 0 : i32
            %dma_start3A_135 = tpu.memref_slice %arg10[%add3A_120, %dma_start3A_134] : memref<32x64xi32, #tpu.memory_space<vmem>> -> memref<1x64xi32, #tpu.memory_space<vmem>>
            %dma_start3A_136 = tpu.memref_squeeze %dma_start3A_135 : memref<1x64xi32, #tpu.memory_space<vmem>> -> memref<64xi32, #tpu.memory_space<vmem>>
            %dma_start3A_137 = arith.constant 0 : i32
            %dma_start3A_138 = arith.constant 0 : i32
            %dma_start3A_139 = tpu.memref_slice %arg15[%dma_start3A_137, %dma_start3A_138] : memref<10240x128xf32, #tpu.memory_space<vmem_shared>> -> memref<10240x128xf32, #tpu.memory_space<vmem_shared>>
            tpu.enqueue_indirect_dma source(%arg14 : memref<64x128xf32, #tpu.memory_space<vmem>>) target(%dma_start3A_139 : memref<10240x128xf32, #tpu.memory_space<vmem_shared>>) offsets(%dma_start3A_136 : memref<64xi32, #tpu.memory_space<vmem>>) semaphore(%run_scoped3A : memref<!tpu.dma_semaphore, #tpu.memory_space<semaphore_mem>>) {add = true}
            %dma_wait3A_140 = arith.constant 0 : i32
            %dma_wait3A_141 = tpu.memref_slice %arg10[%add3A_120, %dma_wait3A_140] : memref<32x64xi32, #tpu.memory_space<vmem>> -> memref<1x64xi32, #tpu.memory_space<vmem>>
            %dma_wait3A_142 = tpu.memref_squeeze %dma_wait3A_141 : memref<1x64xi32, #tpu.memory_space<vmem>> -> memref<64xi32, #tpu.memory_space<vmem>>
            %dma_wait3A_143 = arith.constant 0 : i32
            %dma_wait3A_144 = arith.constant 0 : i32
            %dma_wait3A_145 = tpu.memref_slice %arg15[%dma_wait3A_143, %dma_wait3A_144] : memref<10240x128xf32, #tpu.memory_space<vmem_shared>> -> memref<10240x128xf32, #tpu.memory_space<vmem_shared>>
            tpu.wait_indirect_dma semaphore(%run_scoped3A : memref<!tpu.dma_semaphore, #tpu.memory_space<semaphore_mem>>) src(%arg14 : memref<64x128xf32, #tpu.memory_space<vmem>>) dst(%dma_wait3A_145 : memref<10240x128xf32, #tpu.memory_space<vmem_shared>>)
            tpu.yield
          }) : () -> ()
          %add3A_127 = arith.constant 4 : i32
          %add3A_128 = arith.addi %add3A_120, %add3A_127 : i32
          %lt3A_129 = arith.constant 32 : i32
          %lt3A_130 = arith.cmpi slt, %add3A_128, %lt3A_129 : i32
          %convert_element_type3A_131 = arith.extui %lt3A_130 : i1 to i32
          %cond3A_132 = arith.constant 0 : i32
          %cond3A_133 = arith.cmpi ne, %convert_element_type3A_131, %cond3A_132 : i32
          scf.if %cond3A_133 {
            %add3A_134 = arith.constant 4 : i32
            %add3A_135 = arith.addi %add3A_120, %add3A_134 : i32
            %dma_start3A_136 = arith.constant 0 : i32
            %dma_start3A_137 = tpu.memref_slice %arg9[%add3A_135, %dma_start3A_136] : memref<32x64xi32, #tpu.memory_space<vmem>> -> memref<1x64xi32, #tpu.memory_space<vmem>>
            %dma_start3A_138 = tpu.memref_squeeze %dma_start3A_137 : memref<1x64xi32, #tpu.memory_space<vmem>> -> memref<64xi32, #tpu.memory_space<vmem>>
            %dma_start3A_139 = arith.constant 0 : i32
            %dma_start3A_140 = arith.constant 0 : i32
            %dma_start3A_141 = tpu.memref_slice %arg3[%dma_start3A_139, %dma_start3A_140] : memref<10000x128xf32, #tpu.memory_space<hbm>> -> memref<10000x128xf32, #tpu.memory_space<hbm>>
            tpu.enqueue_indirect_dma source(%dma_start3A_141 : memref<10000x128xf32, #tpu.memory_space<hbm>>) target(%arg14 : memref<64x128xf32, #tpu.memory_space<vmem>>) offsets(%dma_start3A_138 : memref<64xi32, #tpu.memory_space<vmem>>) semaphore(%arg19 : memref<!tpu.dma_semaphore, #tpu.memory_space<semaphore_mem>>)
          } else {
          }
        }
        %scan3A_62 = arith.constant 8 : i32
      }
      %scan3A_22 = arith.constant 5 : i32
    } else {
    }
    %barrier3A_8 = arith.constant 0 : index
    tpu.barrier barrier_id(%barrier3A_8)
    %eq3A_9 = arith.constant 0 : i32
    %eq3A_10 = arith.cmpi eq, %arg0, %eq3A_9 : i32
    %convert_element_type3A_11 = arith.extui %eq3A_10 : i1 to i32
    %cond3A_12 = arith.constant 0 : i32
    %cond3A_13 = arith.cmpi ne, %convert_element_type3A_11, %cond3A_12 : i32
    scf.if %cond3A_13 {
      %lt3A = arith.constant 15 : i32
      %lt3A_19 = arith.cmpi slt, %arg1, %lt3A : i32
      %convert_element_type3A_20 = arith.extui %lt3A_19 : i1 to i32
      %cond3A_21 = arith.constant 0 : i32
      %cond3A_22 = arith.cmpi ne, %convert_element_type3A_20, %cond3A_21 : i32
      scf.if %cond3A_22 {
        %mul3A_28 = arith.constant 640 : i32
        %mul3A_29 = arith.muli %arg1, %mul3A_28 : i32
        "tpu.region"() ({
          %run_scoped3A = tpu.sem_alloc : memref<!tpu.dma_semaphore, #tpu.memory_space<semaphore_mem>>
          %dma_start3A = arith.constant 0 : i32
          %dma_start3A_30 = tpu.memref_slice %arg7[%mul3A_29, %dma_start3A] : memref<10000x128xf32, #tpu.memory_space<hbm>> -> memref<640x128xf32, #tpu.memory_space<hbm>>
          %dma_start3A_31 = arith.constant 0 : i32
          %dma_start3A_32 = tpu.memref_slice %arg15[%mul3A_29, %dma_start3A_31] : memref<10240x128xf32, #tpu.memory_space<vmem_shared>> -> memref<640x128xf32, #tpu.memory_space<vmem_shared>>
          tpu.enqueue_dma source(%dma_start3A_32 : memref<640x128xf32, #tpu.memory_space<vmem_shared>>) target(%dma_start3A_30 : memref<640x128xf32, #tpu.memory_space<hbm>>) target_semaphore(%run_scoped3A : memref<!tpu.dma_semaphore, #tpu.memory_space<semaphore_mem>>)
          %dma_wait3A = arith.constant 0 : i32
          %dma_wait3A_33 = tpu.memref_slice %arg7[%mul3A_29, %dma_wait3A] : memref<10000x128xf32, #tpu.memory_space<hbm>> -> memref<640x128xf32, #tpu.memory_space<hbm>>
          %dma_wait3A_34 = arith.constant 0 : i32
          %dma_wait3A_35 = tpu.memref_slice %arg15[%mul3A_29, %dma_wait3A_34] : memref<10240x128xf32, #tpu.memory_space<vmem_shared>> -> memref<640x128xf32, #tpu.memory_space<vmem_shared>>
          tpu.wait_dma2 semaphore(%run_scoped3A : memref<!tpu.dma_semaphore, #tpu.memory_space<semaphore_mem>>) src(%dma_wait3A_35 : memref<640x128xf32, #tpu.memory_space<vmem_shared>>) dst(%dma_wait3A_33 : memref<640x128xf32, #tpu.memory_space<hbm>>)
          tpu.yield
        }) : () -> ()
      } else {
      }
      %eq3A_23 = arith.constant 15 : i32
      %eq3A_24 = arith.cmpi eq, %arg1, %eq3A_23 : i32
      %convert_element_type3A_25 = arith.extui %eq3A_24 : i1 to i32
      %cond3A_26 = arith.constant 0 : i32
      %cond3A_27 = arith.cmpi ne, %convert_element_type3A_25, %cond3A_26 : i32
      scf.if %cond3A_27 {
        "tpu.region"() ({
          %run_scoped3A = tpu.sem_alloc : memref<!tpu.dma_semaphore, #tpu.memory_space<semaphore_mem>>
          %dma_start3A = arith.constant 9600 : i32
          %dma_start3A_28 = arith.constant 0 : i32
          %dma_start3A_29 = tpu.memref_slice %arg7[%dma_start3A, %dma_start3A_28] : memref<10000x128xf32, #tpu.memory_space<hbm>> -> memref<400x128xf32, #tpu.memory_space<hbm>>
          %dma_start3A_30 = arith.constant 9600 : i32
          %dma_start3A_31 = arith.constant 0 : i32
          %dma_start3A_32 = tpu.memref_slice %arg15[%dma_start3A_30, %dma_start3A_31] : memref<10240x128xf32, #tpu.memory_space<vmem_shared>> -> memref<400x128xf32, #tpu.memory_space<vmem_shared>>
          tpu.enqueue_dma source(%dma_start3A_32 : memref<400x128xf32, #tpu.memory_space<vmem_shared>>) target(%dma_start3A_29 : memref<400x128xf32, #tpu.memory_space<hbm>>) target_semaphore(%run_scoped3A : memref<!tpu.dma_semaphore, #tpu.memory_space<semaphore_mem>>)
          %dma_wait3A = arith.constant 9600 : i32
          %dma_wait3A_33 = arith.constant 0 : i32
          %dma_wait3A_34 = tpu.memref_slice %arg7[%dma_wait3A, %dma_wait3A_33] : memref<10000x128xf32, #tpu.memory_space<hbm>> -> memref<400x128xf32, #tpu.memory_space<hbm>>
          %dma_wait3A_35 = arith.constant 9600 : i32
          %dma_wait3A_36 = arith.constant 0 : i32
          %dma_wait3A_37 = tpu.memref_slice %arg15[%dma_wait3A_35, %dma_wait3A_36] : memref<10240x128xf32, #tpu.memory_space<vmem_shared>> -> memref<400x128xf32, #tpu.memory_space<vmem_shared>>
          tpu.wait_dma2 semaphore(%run_scoped3A : memref<!tpu.dma_semaphore, #tpu.memory_space<semaphore_mem>>) src(%dma_wait3A_37 : memref<400x128xf32, #tpu.memory_space<vmem_shared>>) dst(%dma_wait3A_34 : memref<400x128xf32, #tpu.memory_space<hbm>>)
          tpu.yield
        }) : () -> ()
      } else {
      }
    } else {
    }
    %eq3A_14 = arith.constant 1 : i32
    %eq3A_15 = arith.cmpi eq, %arg0, %eq3A_14 : i32
    %convert_element_type3A_16 = arith.extui %eq3A_15 : i1 to i32
    %cond3A_17 = arith.constant 0 : i32
    %cond3A_18 = arith.cmpi ne, %convert_element_type3A_16, %cond3A_17 : i32
    scf.if %cond3A_18 {
      %lt3A = arith.constant 15 : i32
      %lt3A_19 = arith.cmpi slt, %arg1, %lt3A : i32
      %convert_element_type3A_20 = arith.extui %lt3A_19 : i1 to i32
      %cond3A_21 = arith.constant 0 : i32
      %cond3A_22 = arith.cmpi ne, %convert_element_type3A_20, %cond3A_21 : i32
      scf.if %cond3A_22 {
        %mul3A_28 = arith.constant 640 : i32
        %mul3A_29 = arith.muli %arg1, %mul3A_28 : i32
        "tpu.region"() ({
          %run_scoped3A = tpu.sem_alloc : memref<!tpu.dma_semaphore, #tpu.memory_space<semaphore_mem>>
          %dma_start3A = arith.constant 0 : i32
          %dma_start3A_30 = tpu.memref_slice %arg8[%mul3A_29, %dma_start3A] : memref<10000x128xf32, #tpu.memory_space<hbm>> -> memref<640x128xf32, #tpu.memory_space<hbm>>
          %dma_start3A_31 = arith.constant 0 : i32
          %dma_start3A_32 = tpu.memref_slice %arg15[%mul3A_29, %dma_start3A_31] : memref<10240x128xf32, #tpu.memory_space<vmem_shared>> -> memref<640x128xf32, #tpu.memory_space<vmem_shared>>
          tpu.enqueue_dma source(%dma_start3A_32 : memref<640x128xf32, #tpu.memory_space<vmem_shared>>) target(%dma_start3A_30 : memref<640x128xf32, #tpu.memory_space<hbm>>) target_semaphore(%run_scoped3A : memref<!tpu.dma_semaphore, #tpu.memory_space<semaphore_mem>>)
          %dma_wait3A = arith.constant 0 : i32
          %dma_wait3A_33 = tpu.memref_slice %arg8[%mul3A_29, %dma_wait3A] : memref<10000x128xf32, #tpu.memory_space<hbm>> -> memref<640x128xf32, #tpu.memory_space<hbm>>
          %dma_wait3A_34 = arith.constant 0 : i32
          %dma_wait3A_35 = tpu.memref_slice %arg15[%mul3A_29, %dma_wait3A_34] : memref<10240x128xf32, #tpu.memory_space<vmem_shared>> -> memref<640x128xf32, #tpu.memory_space<vmem_shared>>
          tpu.wait_dma2 semaphore(%run_scoped3A : memref<!tpu.dma_semaphore, #tpu.memory_space<semaphore_mem>>) src(%dma_wait3A_35 : memref<640x128xf32, #tpu.memory_space<vmem_shared>>) dst(%dma_wait3A_33 : memref<640x128xf32, #tpu.memory_space<hbm>>)
          tpu.yield
        }) : () -> ()
      } else {
      }
      %eq3A_23 = arith.constant 15 : i32
      %eq3A_24 = arith.cmpi eq, %arg1, %eq3A_23 : i32
      %convert_element_type3A_25 = arith.extui %eq3A_24 : i1 to i32
      %cond3A_26 = arith.constant 0 : i32
      %cond3A_27 = arith.cmpi ne, %convert_element_type3A_25, %cond3A_26 : i32
      scf.if %cond3A_27 {
        "tpu.region"() ({
          %run_scoped3A = tpu.sem_alloc : memref<!tpu.dma_semaphore, #tpu.memory_space<semaphore_mem>>
          %dma_start3A = arith.constant 9600 : i32
          %dma_start3A_28 = arith.constant 0 : i32
          %dma_start3A_29 = tpu.memref_slice %arg8[%dma_start3A, %dma_start3A_28] : memref<10000x128xf32, #tpu.memory_space<hbm>> -> memref<400x128xf32, #tpu.memory_space<hbm>>
          %dma_start3A_30 = arith.constant 9600 : i32
          %dma_start3A_31 = arith.constant 0 : i32
          %dma_start3A_32 = tpu.memref_slice %arg15[%dma_start3A_30, %dma_start3A_31] : memref<10240x128xf32, #tpu.memory_space<vmem_shared>> -> memref<400x128xf32, #tpu.memory_space<vmem_shared>>
          tpu.enqueue_dma source(%dma_start3A_32 : memref<400x128xf32, #tpu.memory_space<vmem_shared>>) target(%dma_start3A_29 : memref<400x128xf32, #tpu.memory_space<hbm>>) target_semaphore(%run_scoped3A : memref<!tpu.dma_semaphore, #tpu.memory_space<semaphore_mem>>)
          %dma_wait3A = arith.constant 9600 : i32
          %dma_wait3A_33 = arith.constant 0 : i32
          %dma_wait3A_34 = tpu.memref_slice %arg8[%dma_wait3A, %dma_wait3A_33] : memref<10000x128xf32, #tpu.memory_space<hbm>> -> memref<400x128xf32, #tpu.memory_space<hbm>>
          %dma_wait3A_35 = arith.constant 9600 : i32
          %dma_wait3A_36 = arith.constant 0 : i32
          %dma_wait3A_37 = tpu.memref_slice %arg15[%dma_wait3A_35, %dma_wait3A_36] : memref<10240x128xf32, #tpu.memory_space<vmem_shared>> -> memref<400x128xf32, #tpu.memory_space<vmem_shared>>
          tpu.wait_dma2 semaphore(%run_scoped3A : memref<!tpu.dma_semaphore, #tpu.memory_space<semaphore_mem>>) src(%dma_wait3A_37 : memref<400x128xf32, #tpu.memory_space<vmem_shared>>) dst(%dma_wait3A_34 : memref<400x128xf32, #tpu.memory_space<hbm>>)
          tpu.yield
        }) : () -> ()
      } else {
      }
    } else {
    }
    return
  }
}

#map = affine_map<(d0, d1) -> (0, 0)>
#map1 = affine_map<(d0, d1) -> (0, 0, 0)>
#map2 = affine_map<(d0, d1) -> (0)>
module attributes {stable_mosaic.version = 14 : i64} {
  func.func @_agg_body(%arg0: i32, %arg1: i32, %arg2: memref<10000x128xf32, #tpu.memory_space<hbm>>, %arg3: memref<10000x128xf32, #tpu.memory_space<hbm>>, %arg4: memref<16x160x64xi32, #tpu.memory_space<hbm>>, %arg5: memref<16x160x64xi32, #tpu.memory_space<hbm>>, %arg6: memref<10240x128xf32, #tpu.memory_space<hbm>>, %arg7: memref<10240xf32, #tpu.memory_space<hbm>>, %arg8: memref<10000x128xf32, #tpu.memory_space<hbm>>, %arg9: memref<10000x128xf32, #tpu.memory_space<hbm>>, %arg10: memref<10240xf32, #tpu.memory_space<hbm>>, %arg11: memref<10240xf32, #tpu.memory_space<hbm>>, %arg12: memref<32x64xi32, #tpu.memory_space<vmem>>, %arg13: memref<32x64xi32, #tpu.memory_space<vmem>>, %arg14: memref<64x128xf32, #tpu.memory_space<vmem>>, %arg15: memref<64x128xf32, #tpu.memory_space<vmem>>, %arg16: memref<64x128xf32, #tpu.memory_space<vmem>>, %arg17: memref<64x128xf32, #tpu.memory_space<vmem>>, %arg18: memref<10240x128xf32, #tpu.memory_space<vmem_shared>>, %arg19: memref<64xf32, #tpu.memory_space<vmem>>, %arg20: memref<10240xf32, #tpu.memory_space<vmem_shared>>, %arg21: memref<!tpu.dma_semaphore, #tpu.memory_space<semaphore_mem>>, %arg22: memref<!tpu.dma_semaphore, #tpu.memory_space<semaphore_mem>>, %arg23: memref<!tpu.dma_semaphore, #tpu.memory_space<semaphore_mem>>, %arg24: memref<!tpu.dma_semaphore, #tpu.memory_space<semaphore_mem>>, %arg25: memref<!tpu.dma_semaphore, #tpu.memory_space<semaphore_mem>>) attributes {dimension_semantics = [#tpu.dimension_semantics<core_parallel>, #tpu.dimension_semantics<subcore_parallel>], iteration_bounds = array<i64: 2, 16>, scalar_prefetch = 0 : i64, scratch_operands = 14 : i64, tpu.core_type = #tpu.core_type<sc_vector_subcore>, window_params = [{transform_indices = #map}, {transform_indices = #map}, {transform_indices = #map1}, {transform_indices = #map1}, {transform_indices = #map}, {transform_indices = #map2}, {transform_indices = #map}, {transform_indices = #map}, {transform_indices = #map2}, {transform_indices = #map2}]} {
    %mul3A = arith.constant 640 : i32
    %mul3A_0 = arith.muli %arg1, %mul3A : i32
    "tpu.region"() ({
      %run_scoped3A = tpu.sem_alloc : memref<!tpu.dma_semaphore, #tpu.memory_space<semaphore_mem>>
      %dma_start3A = arith.constant 0 : i32
      %dma_start3A_23 = tpu.memref_slice %arg18[%mul3A_0, %dma_start3A] : memref<10240x128xf32, #tpu.memory_space<vmem_shared>> -> memref<640x128xf32, #tpu.memory_space<vmem_shared>>
      %dma_start3A_24 = arith.constant 0 : i32
      %dma_start3A_25 = tpu.memref_slice %arg6[%mul3A_0, %dma_start3A_24] : memref<10240x128xf32, #tpu.memory_space<hbm>> -> memref<640x128xf32, #tpu.memory_space<hbm>>
      tpu.enqueue_dma source(%dma_start3A_25 : memref<640x128xf32, #tpu.memory_space<hbm>>) target(%dma_start3A_23 : memref<640x128xf32, #tpu.memory_space<vmem_shared>>) target_semaphore(%run_scoped3A : memref<!tpu.dma_semaphore, #tpu.memory_space<semaphore_mem>>)
      %dma_wait3A = arith.constant 0 : i32
      %dma_wait3A_26 = tpu.memref_slice %arg18[%mul3A_0, %dma_wait3A] : memref<10240x128xf32, #tpu.memory_space<vmem_shared>> -> memref<640x128xf32, #tpu.memory_space<vmem_shared>>
      %dma_wait3A_27 = arith.constant 0 : i32
      %dma_wait3A_28 = tpu.memref_slice %arg6[%mul3A_0, %dma_wait3A_27] : memref<10240x128xf32, #tpu.memory_space<hbm>> -> memref<640x128xf32, #tpu.memory_space<hbm>>
      tpu.wait_dma2 semaphore(%run_scoped3A : memref<!tpu.dma_semaphore, #tpu.memory_space<semaphore_mem>>) src(%dma_wait3A_28 : memref<640x128xf32, #tpu.memory_space<hbm>>) dst(%dma_wait3A_26 : memref<640x128xf32, #tpu.memory_space<vmem_shared>>)
      tpu.yield
    }) : () -> ()
    %scan3A = arith.constant 0 : i32
    %scan3A_1 = arith.constant 4 : i32
    %scan3A_2 = arith.addi %scan3A, %scan3A_1 : i32
    %scan3A_3 = arith.constant 1 : i32
    scf.for %scan3A_23 = %scan3A to %scan3A_2 step %scan3A_3  : i32 {
      %mul3A_24 = arith.constant 1 : i32
      %mul3A_25 = arith.muli %scan3A_23, %mul3A_24 : i32
      %add3A = arith.constant 0 : i32
      %add3A_26 = arith.addi %add3A, %mul3A_25 : i32
      %broadcast_in_dim3A = arith.constant 1.000000e+00 : f32
      %broadcast_in_dim3A_27 = vector.broadcast %broadcast_in_dim3A : f32 to vector<16xf32>
      %mul3A_28 = arith.constant 16 : i32
      %mul3A_29 = arith.muli %add3A_26, %mul3A_28 : i32
      %swap3A = arith.index_cast %mul3A_29 : i32 to index
      %swap3A_30 = tpu.vector_load %arg19[%swap3A] {strides = array<i32>} : memref<64xf32, #tpu.memory_space<vmem>>, vector<16xf32>,
      %swap3A_31 = vector.shape_cast %swap3A_30 : vector<16xf32> to vector<16xf32>
      %swap3A_32 = vector.shape_cast %broadcast_in_dim3A_27 : vector<16xf32> to vector<16xf32>
      tpu.vector_store %arg19[%swap3A], %swap3A_32 {strides = array<i32>} : memref<64xf32, #tpu.memory_space<vmem>>, vector<16xf32>,
    }
    %scan3A_4 = arith.constant 4 : i32
    "tpu.region"() ({
      %run_scoped3A = tpu.sem_alloc : memref<!tpu.dma_semaphore, #tpu.memory_space<semaphore_mem>>
      %dma_start3A = tpu.memref_slice %arg20[%mul3A_0] : memref<10240xf32, #tpu.memory_space<vmem_shared>> -> memref<640xf32, #tpu.memory_space<vmem_shared>>
      %dma_start3A_23 = tpu.memref_slice %arg7[%mul3A_0] : memref<10240xf32, #tpu.memory_space<hbm>> -> memref<640xf32, #tpu.memory_space<hbm>>
      tpu.enqueue_dma source(%dma_start3A_23 : memref<640xf32, #tpu.memory_space<hbm>>) target(%dma_start3A : memref<640xf32, #tpu.memory_space<vmem_shared>>) target_semaphore(%run_scoped3A : memref<!tpu.dma_semaphore, #tpu.memory_space<semaphore_mem>>)
      %dma_wait3A = tpu.memref_slice %arg20[%mul3A_0] : memref<10240xf32, #tpu.memory_space<vmem_shared>> -> memref<640xf32, #tpu.memory_space<vmem_shared>>
      %dma_wait3A_24 = tpu.memref_slice %arg7[%mul3A_0] : memref<10240xf32, #tpu.memory_space<hbm>> -> memref<640xf32, #tpu.memory_space<hbm>>
      tpu.wait_dma2 semaphore(%run_scoped3A : memref<!tpu.dma_semaphore, #tpu.memory_space<semaphore_mem>>) src(%dma_wait3A_24 : memref<640xf32, #tpu.memory_space<hbm>>) dst(%dma_wait3A : memref<640xf32, #tpu.memory_space<vmem_shared>>)
      tpu.yield
    }) : () -> ()
    %barrier3A = arith.constant 0 : index
    tpu.barrier barrier_id(%barrier3A)
    %eq3A = arith.constant 0 : i32
    %eq3A_5 = arith.cmpi eq, %arg0, %eq3A : i32
    %convert_element_type3A = arith.extui %eq3A_5 : i1 to i32
    %cond3A = arith.constant 0 : i32
    %cond3A_6 = arith.cmpi ne, %convert_element_type3A, %cond3A : i32
    scf.if %cond3A_6 {
      %scan3A_23 = arith.constant 0 : i32
      %scan3A_24 = arith.constant 5 : i32
      %scan3A_25 = arith.addi %scan3A_23, %scan3A_24 : i32
      %scan3A_26 = arith.constant 1 : i32
      scf.for %scan3A_28 = %scan3A_23 to %scan3A_25 step %scan3A_26  : i32 {
        %mul3A_29 = arith.constant 1 : i32
        %mul3A_30 = arith.muli %scan3A_28, %mul3A_29 : i32
        %add3A = arith.constant 0 : i32
        %add3A_31 = arith.addi %add3A, %mul3A_30 : i32
        %mul3A_32 = arith.constant 32 : i32
        %mul3A_33 = arith.muli %add3A_31, %mul3A_32 : i32
        "tpu.region"() ({
          %run_scoped3A = tpu.sem_alloc : memref<!tpu.dma_semaphore, #tpu.memory_space<semaphore_mem>>
          %dma_start3A_79 = arith.constant 0 : i32
          %dma_start3A_80 = tpu.memref_slice %arg4[%arg1, %mul3A_33, %dma_start3A_79] : memref<16x160x64xi32, #tpu.memory_space<hbm>> -> memref<1x32x64xi32, #tpu.memory_space<hbm>>
          %dma_start3A_81 = tpu.memref_squeeze %dma_start3A_80 : memref<1x32x64xi32, #tpu.memory_space<hbm>> -> memref<32x64xi32, #tpu.memory_space<hbm>>
          %dma_start3A_82 = arith.constant 0 : i32
          %dma_start3A_83 = tpu.memref_slice %arg4[%arg1, %mul3A_33, %dma_start3A_82] : memref<16x160x64xi32, #tpu.memory_space<hbm>> -> memref<1x32x64xi32, #tpu.memory_space<hbm>>
          %dma_start3A_84 = tpu.memref_squeeze %dma_start3A_83 : memref<1x32x64xi32, #tpu.memory_space<hbm>> -> memref<32x64xi32, #tpu.memory_space<hbm>>
          tpu.enqueue_dma source(%dma_start3A_84 : memref<32x64xi32, #tpu.memory_space<hbm>>) target(%arg12 : memref<32x64xi32, #tpu.memory_space<vmem>>) target_semaphore(%run_scoped3A : memref<!tpu.dma_semaphore, #tpu.memory_space<semaphore_mem>>)
          %dma_wait3A_85 = arith.constant 0 : i32
          %dma_wait3A_86 = tpu.memref_slice %arg4[%arg1, %mul3A_33, %dma_wait3A_85] : memref<16x160x64xi32, #tpu.memory_space<hbm>> -> memref<1x32x64xi32, #tpu.memory_space<hbm>>
          %dma_wait3A_87 = tpu.memref_squeeze %dma_wait3A_86 : memref<1x32x64xi32, #tpu.memory_space<hbm>> -> memref<32x64xi32, #tpu.memory_space<hbm>>
          %dma_wait3A_88 = arith.constant 0 : i32
          %dma_wait3A_89 = tpu.memref_slice %arg4[%arg1, %mul3A_33, %dma_wait3A_88] : memref<16x160x64xi32, #tpu.memory_space<hbm>> -> memref<1x32x64xi32, #tpu.memory_space<hbm>>
          %dma_wait3A_90 = tpu.memref_squeeze %dma_wait3A_89 : memref<1x32x64xi32, #tpu.memory_space<hbm>> -> memref<32x64xi32, #tpu.memory_space<hbm>>
          tpu.wait_dma2 semaphore(%run_scoped3A : memref<!tpu.dma_semaphore, #tpu.memory_space<semaphore_mem>>) src(%dma_wait3A_90 : memref<32x64xi32, #tpu.memory_space<hbm>>) dst(%arg12 : memref<32x64xi32, #tpu.memory_space<vmem>>)
          tpu.yield
        }) : () -> ()
        %mul3A_34 = arith.constant 32 : i32
        %mul3A_35 = arith.muli %add3A_31, %mul3A_34 : i32
        "tpu.region"() ({
          %run_scoped3A = tpu.sem_alloc : memref<!tpu.dma_semaphore, #tpu.memory_space<semaphore_mem>>
          %dma_start3A_79 = arith.constant 0 : i32
          %dma_start3A_80 = tpu.memref_slice %arg5[%arg1, %mul3A_35, %dma_start3A_79] : memref<16x160x64xi32, #tpu.memory_space<hbm>> -> memref<1x32x64xi32, #tpu.memory_space<hbm>>
          %dma_start3A_81 = tpu.memref_squeeze %dma_start3A_80 : memref<1x32x64xi32, #tpu.memory_space<hbm>> -> memref<32x64xi32, #tpu.memory_space<hbm>>
          %dma_start3A_82 = arith.constant 0 : i32
          %dma_start3A_83 = tpu.memref_slice %arg5[%arg1, %mul3A_35, %dma_start3A_82] : memref<16x160x64xi32, #tpu.memory_space<hbm>> -> memref<1x32x64xi32, #tpu.memory_space<hbm>>
          %dma_start3A_84 = tpu.memref_squeeze %dma_start3A_83 : memref<1x32x64xi32, #tpu.memory_space<hbm>> -> memref<32x64xi32, #tpu.memory_space<hbm>>
          tpu.enqueue_dma source(%dma_start3A_84 : memref<32x64xi32, #tpu.memory_space<hbm>>) target(%arg13 : memref<32x64xi32, #tpu.memory_space<vmem>>) target_semaphore(%run_scoped3A : memref<!tpu.dma_semaphore, #tpu.memory_space<semaphore_mem>>)
          %dma_wait3A_85 = arith.constant 0 : i32
          %dma_wait3A_86 = tpu.memref_slice %arg5[%arg1, %mul3A_35, %dma_wait3A_85] : memref<16x160x64xi32, #tpu.memory_space<hbm>> -> memref<1x32x64xi32, #tpu.memory_space<hbm>>
          %dma_wait3A_87 = tpu.memref_squeeze %dma_wait3A_86 : memref<1x32x64xi32, #tpu.memory_space<hbm>> -> memref<32x64xi32, #tpu.memory_space<hbm>>
          %dma_wait3A_88 = arith.constant 0 : i32
          %dma_wait3A_89 = tpu.memref_slice %arg5[%arg1, %mul3A_35, %dma_wait3A_88] : memref<16x160x64xi32, #tpu.memory_space<hbm>> -> memref<1x32x64xi32, #tpu.memory_space<hbm>>
          %dma_wait3A_90 = tpu.memref_squeeze %dma_wait3A_89 : memref<1x32x64xi32, #tpu.memory_space<hbm>> -> memref<32x64xi32, #tpu.memory_space<hbm>>
          tpu.wait_dma2 semaphore(%run_scoped3A : memref<!tpu.dma_semaphore, #tpu.memory_space<semaphore_mem>>) src(%dma_wait3A_90 : memref<32x64xi32, #tpu.memory_space<hbm>>) dst(%arg13 : memref<32x64xi32, #tpu.memory_space<vmem>>)
          tpu.yield
        }) : () -> ()
        %dma_start3A = arith.constant 0 : i32
        %dma_start3A_36 = arith.constant 0 : i32
        %dma_start3A_37 = tpu.memref_slice %arg12[%dma_start3A, %dma_start3A_36] : memref<32x64xi32, #tpu.memory_space<vmem>> -> memref<1x64xi32, #tpu.memory_space<vmem>>
        %dma_start3A_38 = tpu.memref_squeeze %dma_start3A_37 : memref<1x64xi32, #tpu.memory_space<vmem>> -> memref<64xi32, #tpu.memory_space<vmem>>
        %dma_start3A_39 = arith.constant 0 : i32
        %dma_start3A_40 = arith.constant 0 : i32
        %dma_start3A_41 = tpu.memref_slice %arg2[%dma_start3A_39, %dma_start3A_40] : memref<10000x128xf32, #tpu.memory_space<hbm>> -> memref<10000x128xf32, #tpu.memory_space<hbm>>
        tpu.enqueue_indirect_dma source(%dma_start3A_41 : memref<10000x128xf32, #tpu.memory_space<hbm>>) target(%arg14 : memref<64x128xf32, #tpu.memory_space<vmem>>) offsets(%dma_start3A_38 : memref<64xi32, #tpu.memory_space<vmem>>) semaphore(%arg21 : memref<!tpu.dma_semaphore, #tpu.memory_space<semaphore_mem>>)
        %dma_start3A_42 = arith.constant 1 : i32
        %dma_start3A_43 = arith.constant 0 : i32
        %dma_start3A_44 = tpu.memref_slice %arg12[%dma_start3A_42, %dma_start3A_43] : memref<32x64xi32, #tpu.memory_space<vmem>> -> memref<1x64xi32, #tpu.memory_space<vmem>>
        %dma_start3A_45 = tpu.memref_squeeze %dma_start3A_44 : memref<1x64xi32, #tpu.memory_space<vmem>> -> memref<64xi32, #tpu.memory_space<vmem>>
        %dma_start3A_46 = arith.constant 0 : i32
        %dma_start3A_47 = arith.constant 0 : i32
        %dma_start3A_48 = tpu.memref_slice %arg2[%dma_start3A_46, %dma_start3A_47] : memref<10000x128xf32, #tpu.memory_space<hbm>> -> memref<10000x128xf32, #tpu.memory_space<hbm>>
        tpu.enqueue_indirect_dma source(%dma_start3A_48 : memref<10000x128xf32, #tpu.memory_space<hbm>>) target(%arg15 : memref<64x128xf32, #tpu.memory_space<vmem>>) offsets(%dma_start3A_45 : memref<64xi32, #tpu.memory_space<vmem>>) semaphore(%arg22 : memref<!tpu.dma_semaphore, #tpu.memory_space<semaphore_mem>>)
        %dma_start3A_49 = arith.constant 2 : i32
        %dma_start3A_50 = arith.constant 0 : i32
        %dma_start3A_51 = tpu.memref_slice %arg12[%dma_start3A_49, %dma_start3A_50] : memref<32x64xi32, #tpu.memory_space<vmem>> -> memref<1x64xi32, #tpu.memory_space<vmem>>
        %dma_start3A_52 = tpu.memref_squeeze %dma_start3A_51 : memref<1x64xi32, #tpu.memory_space<vmem>> -> memref<64xi32, #tpu.memory_space<vmem>>
        %dma_start3A_53 = arith.constant 0 : i32
        %dma_start3A_54 = arith.constant 0 : i32
        %dma_start3A_55 = tpu.memref_slice %arg2[%dma_start3A_53, %dma_start3A_54] : memref<10000x128xf32, #tpu.memory_space<hbm>> -> memref<10000x128xf32, #tpu.memory_space<hbm>>
        tpu.enqueue_indirect_dma source(%dma_start3A_55 : memref<10000x128xf32, #tpu.memory_space<hbm>>) target(%arg16 : memref<64x128xf32, #tpu.memory_space<vmem>>) offsets(%dma_start3A_52 : memref<64xi32, #tpu.memory_space<vmem>>) semaphore(%arg23 : memref<!tpu.dma_semaphore, #tpu.memory_space<semaphore_mem>>)
        %dma_start3A_56 = arith.constant 3 : i32
        %dma_start3A_57 = arith.constant 0 : i32
        %dma_start3A_58 = tpu.memref_slice %arg12[%dma_start3A_56, %dma_start3A_57] : memref<32x64xi32, #tpu.memory_space<vmem>> -> memref<1x64xi32, #tpu.memory_space<vmem>>
        %dma_start3A_59 = tpu.memref_squeeze %dma_start3A_58 : memref<1x64xi32, #tpu.memory_space<vmem>> -> memref<64xi32, #tpu.memory_space<vmem>>
        %dma_start3A_60 = arith.constant 0 : i32
        %dma_start3A_61 = arith.constant 0 : i32
        %dma_start3A_62 = tpu.memref_slice %arg2[%dma_start3A_60, %dma_start3A_61] : memref<10000x128xf32, #tpu.memory_space<hbm>> -> memref<10000x128xf32, #tpu.memory_space<hbm>>
        tpu.enqueue_indirect_dma source(%dma_start3A_62 : memref<10000x128xf32, #tpu.memory_space<hbm>>) target(%arg17 : memref<64x128xf32, #tpu.memory_space<vmem>>) offsets(%dma_start3A_59 : memref<64xi32, #tpu.memory_space<vmem>>) semaphore(%arg24 : memref<!tpu.dma_semaphore, #tpu.memory_space<semaphore_mem>>)
        %scan3A_63 = arith.constant 0 : i32
        %scan3A_64 = arith.constant 8 : i32
        %scan3A_65 = arith.addi %scan3A_63, %scan3A_64 : i32
        %scan3A_66 = arith.constant 1 : i32
        scf.for %scan3A_79 = %scan3A_63 to %scan3A_65 step %scan3A_66  : i32 {
          %mul3A_80 = arith.constant 1 : i32
          %mul3A_81 = arith.muli %scan3A_79, %mul3A_80 : i32
          %add3A_82 = arith.constant 0 : i32
          %add3A_83 = arith.addi %add3A_82, %mul3A_81 : i32
          %mul3A_84 = arith.constant 4 : i32
          %mul3A_85 = arith.muli %add3A_83, %mul3A_84 : i32
          %add3A_86 = arith.constant 0 : i32
          %add3A_87 = arith.addi %mul3A_85, %add3A_86 : i32
          %ge3A = arith.constant 4 : i32
          %ge3A_88 = arith.cmpi sge, %add3A_87, %ge3A : i32
          %convert_element_type3A_89 = arith.extui %ge3A_88 : i1 to i32
          %cond3A_90 = arith.constant 0 : i32
          %cond3A_91 = arith.cmpi ne, %convert_element_type3A_89, %cond3A_90 : i32
          scf.if %cond3A_91 {
            %sub3A = arith.constant 4 : i32
            %sub3A_170 = arith.subi %add3A_87, %sub3A : i32
            %dma_wait3A_171 = arith.constant 0 : i32
            %dma_wait3A_172 = tpu.memref_slice %arg13[%sub3A_170, %dma_wait3A_171] : memref<32x64xi32, #tpu.memory_space<vmem>> -> memref<1x64xi32, #tpu.memory_space<vmem>>
            %dma_wait3A_173 = tpu.memref_squeeze %dma_wait3A_172 : memref<1x64xi32, #tpu.memory_space<vmem>> -> memref<64xi32, #tpu.memory_space<vmem>>
            %dma_wait3A_174 = arith.constant 0 : i32
            %dma_wait3A_175 = tpu.memref_slice %arg20[%dma_wait3A_174] : memref<10240xf32, #tpu.memory_space<vmem_shared>> -> memref<10240xf32, #tpu.memory_space<vmem_shared>>
            tpu.wait_indirect_dma semaphore(%arg25 : memref<!tpu.dma_semaphore, #tpu.memory_space<semaphore_mem>>) src(%arg19 : memref<64xf32, #tpu.memory_space<vmem>>) dst(%dma_wait3A_175 : memref<10240xf32, #tpu.memory_space<vmem_shared>>)
          } else {
          }
          %dma_wait3A_92 = arith.constant 0 : i32
          %dma_wait3A_93 = tpu.memref_slice %arg12[%add3A_87, %dma_wait3A_92] : memref<32x64xi32, #tpu.memory_space<vmem>> -> memref<1x64xi32, #tpu.memory_space<vmem>>
          %dma_wait3A_94 = tpu.memref_squeeze %dma_wait3A_93 : memref<1x64xi32, #tpu.memory_space<vmem>> -> memref<64xi32, #tpu.memory_space<vmem>>
          %dma_wait3A_95 = arith.constant 0 : i32
          %dma_wait3A_96 = arith.constant 0 : i32
          %dma_wait3A_97 = tpu.memref_slice %arg2[%dma_wait3A_95, %dma_wait3A_96] : memref<10000x128xf32, #tpu.memory_space<hbm>> -> memref<10000x128xf32, #tpu.memory_space<hbm>>
          tpu.wait_indirect_dma semaphore(%arg21 : memref<!tpu.dma_semaphore, #tpu.memory_space<semaphore_mem>>) src(%dma_wait3A_97 : memref<10000x128xf32, #tpu.memory_space<hbm>>) dst(%arg14 : memref<64x128xf32, #tpu.memory_space<vmem>>)
          "tpu.region"() ({
            %run_scoped3A = tpu.sem_alloc : memref<!tpu.dma_semaphore, #tpu.memory_space<semaphore_mem>>
            %dma_start3A_170 = arith.constant 0 : i32
            %dma_start3A_171 = tpu.memref_slice %arg13[%add3A_87, %dma_start3A_170] : memref<32x64xi32, #tpu.memory_space<vmem>> -> memref<1x64xi32, #tpu.memory_space<vmem>>
            %dma_start3A_172 = tpu.memref_squeeze %dma_start3A_171 : memref<1x64xi32, #tpu.memory_space<vmem>> -> memref<64xi32, #tpu.memory_space<vmem>>
            %dma_start3A_173 = arith.constant 0 : i32
            %dma_start3A_174 = arith.constant 0 : i32
            %dma_start3A_175 = tpu.memref_slice %arg18[%dma_start3A_173, %dma_start3A_174] : memref<10240x128xf32, #tpu.memory_space<vmem_shared>> -> memref<10240x128xf32, #tpu.memory_space<vmem_shared>>
            tpu.enqueue_indirect_dma source(%arg14 : memref<64x128xf32, #tpu.memory_space<vmem>>) target(%dma_start3A_175 : memref<10240x128xf32, #tpu.memory_space<vmem_shared>>) offsets(%dma_start3A_172 : memref<64xi32, #tpu.memory_space<vmem>>) semaphore(%run_scoped3A : memref<!tpu.dma_semaphore, #tpu.memory_space<semaphore_mem>>) {add = true}
            %dma_wait3A_176 = arith.constant 0 : i32
            %dma_wait3A_177 = tpu.memref_slice %arg13[%add3A_87, %dma_wait3A_176] : memref<32x64xi32, #tpu.memory_space<vmem>> -> memref<1x64xi32, #tpu.memory_space<vmem>>
            %dma_wait3A_178 = tpu.memref_squeeze %dma_wait3A_177 : memref<1x64xi32, #tpu.memory_space<vmem>> -> memref<64xi32, #tpu.memory_space<vmem>>
            %dma_wait3A_179 = arith.constant 0 : i32
            %dma_wait3A_180 = arith.constant 0 : i32
            %dma_wait3A_181 = tpu.memref_slice %arg18[%dma_wait3A_179, %dma_wait3A_180] : memref<10240x128xf32, #tpu.memory_space<vmem_shared>> -> memref<10240x128xf32, #tpu.memory_space<vmem_shared>>
            tpu.wait_indirect_dma semaphore(%run_scoped3A : memref<!tpu.dma_semaphore, #tpu.memory_space<semaphore_mem>>) src(%arg14 : memref<64x128xf32, #tpu.memory_space<vmem>>) dst(%dma_wait3A_181 : memref<10240x128xf32, #tpu.memory_space<vmem_shared>>)
            tpu.yield
          }) : () -> ()
          %dma_start3A_98 = arith.constant 0 : i32
          %dma_start3A_99 = tpu.memref_slice %arg13[%add3A_87, %dma_start3A_98] : memref<32x64xi32, #tpu.memory_space<vmem>> -> memref<1x64xi32, #tpu.memory_space<vmem>>
          %dma_start3A_100 = tpu.memref_squeeze %dma_start3A_99 : memref<1x64xi32, #tpu.memory_space<vmem>> -> memref<64xi32, #tpu.memory_space<vmem>>
          %dma_start3A_101 = arith.constant 0 : i32
          %dma_start3A_102 = tpu.memref_slice %arg20[%dma_start3A_101] : memref<10240xf32, #tpu.memory_space<vmem_shared>> -> memref<10240xf32, #tpu.memory_space<vmem_shared>>
          tpu.enqueue_indirect_dma source(%arg19 : memref<64xf32, #tpu.memory_space<vmem>>) target(%dma_start3A_102 : memref<10240xf32, #tpu.memory_space<vmem_shared>>) offsets(%dma_start3A_100 : memref<64xi32, #tpu.memory_space<vmem>>) semaphore(%arg25 : memref<!tpu.dma_semaphore, #tpu.memory_space<semaphore_mem>>) {add = true}
          %add3A_103 = arith.constant 4 : i32
          %add3A_104 = arith.addi %add3A_87, %add3A_103 : i32
          %lt3A = arith.constant 32 : i32
          %lt3A_105 = arith.cmpi slt, %add3A_104, %lt3A : i32
          %convert_element_type3A_106 = arith.extui %lt3A_105 : i1 to i32
          %cond3A_107 = arith.constant 0 : i32
          %cond3A_108 = arith.cmpi ne, %convert_element_type3A_106, %cond3A_107 : i32
          scf.if %cond3A_108 {
            %add3A_170 = arith.constant 4 : i32
            %add3A_171 = arith.addi %add3A_87, %add3A_170 : i32
            %dma_start3A_172 = arith.constant 0 : i32
            %dma_start3A_173 = tpu.memref_slice %arg12[%add3A_171, %dma_start3A_172] : memref<32x64xi32, #tpu.memory_space<vmem>> -> memref<1x64xi32, #tpu.memory_space<vmem>>
            %dma_start3A_174 = tpu.memref_squeeze %dma_start3A_173 : memref<1x64xi32, #tpu.memory_space<vmem>> -> memref<64xi32, #tpu.memory_space<vmem>>
            %dma_start3A_175 = arith.constant 0 : i32
            %dma_start3A_176 = arith.constant 0 : i32
            %dma_start3A_177 = tpu.memref_slice %arg2[%dma_start3A_175, %dma_start3A_176] : memref<10000x128xf32, #tpu.memory_space<hbm>> -> memref<10000x128xf32, #tpu.memory_space<hbm>>
            tpu.enqueue_indirect_dma source(%dma_start3A_177 : memref<10000x128xf32, #tpu.memory_space<hbm>>) target(%arg14 : memref<64x128xf32, #tpu.memory_space<vmem>>) offsets(%dma_start3A_174 : memref<64xi32, #tpu.memory_space<vmem>>) semaphore(%arg21 : memref<!tpu.dma_semaphore, #tpu.memory_space<semaphore_mem>>)
          } else {
          }
          %mul3A_109 = arith.constant 4 : i32
          %mul3A_110 = arith.muli %add3A_83, %mul3A_109 : i32
          %add3A_111 = arith.constant 1 : i32
          %add3A_112 = arith.addi %mul3A_110, %add3A_111 : i32
          %dma_wait3A_113 = arith.constant 0 : i32
          %dma_wait3A_114 = tpu.memref_slice %arg12[%add3A_112, %dma_wait3A_113] : memref<32x64xi32, #tpu.memory_space<vmem>> -> memref<1x64xi32, #tpu.memory_space<vmem>>
          %dma_wait3A_115 = tpu.memref_squeeze %dma_wait3A_114 : memref<1x64xi32, #tpu.memory_space<vmem>> -> memref<64xi32, #tpu.memory_space<vmem>>
          %dma_wait3A_116 = arith.constant 0 : i32
          %dma_wait3A_117 = arith.constant 0 : i32
          %dma_wait3A_118 = tpu.memref_slice %arg2[%dma_wait3A_116, %dma_wait3A_117] : memref<10000x128xf32, #tpu.memory_space<hbm>> -> memref<10000x128xf32, #tpu.memory_space<hbm>>
          tpu.wait_indirect_dma semaphore(%arg22 : memref<!tpu.dma_semaphore, #tpu.memory_space<semaphore_mem>>) src(%dma_wait3A_118 : memref<10000x128xf32, #tpu.memory_space<hbm>>) dst(%arg15 : memref<64x128xf32, #tpu.memory_space<vmem>>)
          "tpu.region"() ({
            %run_scoped3A = tpu.sem_alloc : memref<!tpu.dma_semaphore, #tpu.memory_space<semaphore_mem>>
            %dma_start3A_170 = arith.constant 0 : i32
            %dma_start3A_171 = tpu.memref_slice %arg13[%add3A_112, %dma_start3A_170] : memref<32x64xi32, #tpu.memory_space<vmem>> -> memref<1x64xi32, #tpu.memory_space<vmem>>
            %dma_start3A_172 = tpu.memref_squeeze %dma_start3A_171 : memref<1x64xi32, #tpu.memory_space<vmem>> -> memref<64xi32, #tpu.memory_space<vmem>>
            %dma_start3A_173 = arith.constant 0 : i32
            %dma_start3A_174 = arith.constant 0 : i32
            %dma_start3A_175 = tpu.memref_slice %arg18[%dma_start3A_173, %dma_start3A_174] : memref<10240x128xf32, #tpu.memory_space<vmem_shared>> -> memref<10240x128xf32, #tpu.memory_space<vmem_shared>>
            tpu.enqueue_indirect_dma source(%arg15 : memref<64x128xf32, #tpu.memory_space<vmem>>) target(%dma_start3A_175 : memref<10240x128xf32, #tpu.memory_space<vmem_shared>>) offsets(%dma_start3A_172 : memref<64xi32, #tpu.memory_space<vmem>>) semaphore(%run_scoped3A : memref<!tpu.dma_semaphore, #tpu.memory_space<semaphore_mem>>) {add = true}
            %dma_wait3A_176 = arith.constant 0 : i32
            %dma_wait3A_177 = tpu.memref_slice %arg13[%add3A_112, %dma_wait3A_176] : memref<32x64xi32, #tpu.memory_space<vmem>> -> memref<1x64xi32, #tpu.memory_space<vmem>>
            %dma_wait3A_178 = tpu.memref_squeeze %dma_wait3A_177 : memref<1x64xi32, #tpu.memory_space<vmem>> -> memref<64xi32, #tpu.memory_space<vmem>>
            %dma_wait3A_179 = arith.constant 0 : i32
            %dma_wait3A_180 = arith.constant 0 : i32
            %dma_wait3A_181 = tpu.memref_slice %arg18[%dma_wait3A_179, %dma_wait3A_180] : memref<10240x128xf32, #tpu.memory_space<vmem_shared>> -> memref<10240x128xf32, #tpu.memory_space<vmem_shared>>
            tpu.wait_indirect_dma semaphore(%run_scoped3A : memref<!tpu.dma_semaphore, #tpu.memory_space<semaphore_mem>>) src(%arg15 : memref<64x128xf32, #tpu.memory_space<vmem>>) dst(%dma_wait3A_181 : memref<10240x128xf32, #tpu.memory_space<vmem_shared>>)
            tpu.yield
          }) : () -> ()
          %add3A_119 = arith.constant 4 : i32
          %add3A_120 = arith.addi %add3A_112, %add3A_119 : i32
          %lt3A_121 = arith.constant 32 : i32
          %lt3A_122 = arith.cmpi slt, %add3A_120, %lt3A_121 : i32
          %convert_element_type3A_123 = arith.extui %lt3A_122 : i1 to i32
          %cond3A_124 = arith.constant 0 : i32
          %cond3A_125 = arith.cmpi ne, %convert_element_type3A_123, %cond3A_124 : i32
          scf.if %cond3A_125 {
            %add3A_170 = arith.constant 4 : i32
            %add3A_171 = arith.addi %add3A_112, %add3A_170 : i32
            %dma_start3A_172 = arith.constant 0 : i32
            %dma_start3A_173 = tpu.memref_slice %arg12[%add3A_171, %dma_start3A_172] : memref<32x64xi32, #tpu.memory_space<vmem>> -> memref<1x64xi32, #tpu.memory_space<vmem>>
            %dma_start3A_174 = tpu.memref_squeeze %dma_start3A_173 : memref<1x64xi32, #tpu.memory_space<vmem>> -> memref<64xi32, #tpu.memory_space<vmem>>
            %dma_start3A_175 = arith.constant 0 : i32
            %dma_start3A_176 = arith.constant 0 : i32
            %dma_start3A_177 = tpu.memref_slice %arg2[%dma_start3A_175, %dma_start3A_176] : memref<10000x128xf32, #tpu.memory_space<hbm>> -> memref<10000x128xf32, #tpu.memory_space<hbm>>
            tpu.enqueue_indirect_dma source(%dma_start3A_177 : memref<10000x128xf32, #tpu.memory_space<hbm>>) target(%arg15 : memref<64x128xf32, #tpu.memory_space<vmem>>) offsets(%dma_start3A_174 : memref<64xi32, #tpu.memory_space<vmem>>) semaphore(%arg22 : memref<!tpu.dma_semaphore, #tpu.memory_space<semaphore_mem>>)
          } else {
          }
          %mul3A_126 = arith.constant 4 : i32
          %mul3A_127 = arith.muli %add3A_83, %mul3A_126 : i32
          %add3A_128 = arith.constant 2 : i32
          %add3A_129 = arith.addi %mul3A_127, %add3A_128 : i32
          %ge3A_130 = arith.constant 4 : i32
          %ge3A_131 = arith.cmpi sge, %add3A_129, %ge3A_130 : i32
          %convert_element_type3A_132 = arith.extui %ge3A_131 : i1 to i32
          %cond3A_133 = arith.constant 0 : i32
          %cond3A_134 = arith.cmpi ne, %convert_element_type3A_132, %cond3A_133 : i32
          scf.if %cond3A_134 {
            %sub3A = arith.constant 4 : i32
            %sub3A_170 = arith.subi %add3A_129, %sub3A : i32
            %dma_wait3A_171 = arith.constant 0 : i32
            %dma_wait3A_172 = tpu.memref_slice %arg13[%sub3A_170, %dma_wait3A_171] : memref<32x64xi32, #tpu.memory_space<vmem>> -> memref<1x64xi32, #tpu.memory_space<vmem>>
            %dma_wait3A_173 = tpu.memref_squeeze %dma_wait3A_172 : memref<1x64xi32, #tpu.memory_space<vmem>> -> memref<64xi32, #tpu.memory_space<vmem>>
            %dma_wait3A_174 = arith.constant 0 : i32
            %dma_wait3A_175 = tpu.memref_slice %arg20[%dma_wait3A_174] : memref<10240xf32, #tpu.memory_space<vmem_shared>> -> memref<10240xf32, #tpu.memory_space<vmem_shared>>
            tpu.wait_indirect_dma semaphore(%arg25 : memref<!tpu.dma_semaphore, #tpu.memory_space<semaphore_mem>>) src(%arg19 : memref<64xf32, #tpu.memory_space<vmem>>) dst(%dma_wait3A_175 : memref<10240xf32, #tpu.memory_space<vmem_shared>>)
          } else {
          }
          %dma_wait3A_135 = arith.constant 0 : i32
          %dma_wait3A_136 = tpu.memref_slice %arg12[%add3A_129, %dma_wait3A_135] : memref<32x64xi32, #tpu.memory_space<vmem>> -> memref<1x64xi32, #tpu.memory_space<vmem>>
          %dma_wait3A_137 = tpu.memref_squeeze %dma_wait3A_136 : memref<1x64xi32, #tpu.memory_space<vmem>> -> memref<64xi32, #tpu.memory_space<vmem>>
          %dma_wait3A_138 = arith.constant 0 : i32
          %dma_wait3A_139 = arith.constant 0 : i32
          %dma_wait3A_140 = tpu.memref_slice %arg2[%dma_wait3A_138, %dma_wait3A_139] : memref<10000x128xf32, #tpu.memory_space<hbm>> -> memref<10000x128xf32, #tpu.memory_space<hbm>>
          tpu.wait_indirect_dma semaphore(%arg23 : memref<!tpu.dma_semaphore, #tpu.memory_space<semaphore_mem>>) src(%dma_wait3A_140 : memref<10000x128xf32, #tpu.memory_space<hbm>>) dst(%arg16 : memref<64x128xf32, #tpu.memory_space<vmem>>)
          "tpu.region"() ({
            %run_scoped3A = tpu.sem_alloc : memref<!tpu.dma_semaphore, #tpu.memory_space<semaphore_mem>>
            %dma_start3A_170 = arith.constant 0 : i32
            %dma_start3A_171 = tpu.memref_slice %arg13[%add3A_129, %dma_start3A_170] : memref<32x64xi32, #tpu.memory_space<vmem>> -> memref<1x64xi32, #tpu.memory_space<vmem>>
            %dma_start3A_172 = tpu.memref_squeeze %dma_start3A_171 : memref<1x64xi32, #tpu.memory_space<vmem>> -> memref<64xi32, #tpu.memory_space<vmem>>
            %dma_start3A_173 = arith.constant 0 : i32
            %dma_start3A_174 = arith.constant 0 : i32
            %dma_start3A_175 = tpu.memref_slice %arg18[%dma_start3A_173, %dma_start3A_174] : memref<10240x128xf32, #tpu.memory_space<vmem_shared>> -> memref<10240x128xf32, #tpu.memory_space<vmem_shared>>
            tpu.enqueue_indirect_dma source(%arg16 : memref<64x128xf32, #tpu.memory_space<vmem>>) target(%dma_start3A_175 : memref<10240x128xf32, #tpu.memory_space<vmem_shared>>) offsets(%dma_start3A_172 : memref<64xi32, #tpu.memory_space<vmem>>) semaphore(%run_scoped3A : memref<!tpu.dma_semaphore, #tpu.memory_space<semaphore_mem>>) {add = true}
            %dma_wait3A_176 = arith.constant 0 : i32
            %dma_wait3A_177 = tpu.memref_slice %arg13[%add3A_129, %dma_wait3A_176] : memref<32x64xi32, #tpu.memory_space<vmem>> -> memref<1x64xi32, #tpu.memory_space<vmem>>
            %dma_wait3A_178 = tpu.memref_squeeze %dma_wait3A_177 : memref<1x64xi32, #tpu.memory_space<vmem>> -> memref<64xi32, #tpu.memory_space<vmem>>
            %dma_wait3A_179 = arith.constant 0 : i32
            %dma_wait3A_180 = arith.constant 0 : i32
            %dma_wait3A_181 = tpu.memref_slice %arg18[%dma_wait3A_179, %dma_wait3A_180] : memref<10240x128xf32, #tpu.memory_space<vmem_shared>> -> memref<10240x128xf32, #tpu.memory_space<vmem_shared>>
            tpu.wait_indirect_dma semaphore(%run_scoped3A : memref<!tpu.dma_semaphore, #tpu.memory_space<semaphore_mem>>) src(%arg16 : memref<64x128xf32, #tpu.memory_space<vmem>>) dst(%dma_wait3A_181 : memref<10240x128xf32, #tpu.memory_space<vmem_shared>>)
            tpu.yield
          }) : () -> ()
          %dma_start3A_141 = arith.constant 0 : i32
          %dma_start3A_142 = tpu.memref_slice %arg13[%add3A_129, %dma_start3A_141] : memref<32x64xi32, #tpu.memory_space<vmem>> -> memref<1x64xi32, #tpu.memory_space<vmem>>
          %dma_start3A_143 = tpu.memref_squeeze %dma_start3A_142 : memref<1x64xi32, #tpu.memory_space<vmem>> -> memref<64xi32, #tpu.memory_space<vmem>>
          %dma_start3A_144 = arith.constant 0 : i32
          %dma_start3A_145 = tpu.memref_slice %arg20[%dma_start3A_144] : memref<10240xf32, #tpu.memory_space<vmem_shared>> -> memref<10240xf32, #tpu.memory_space<vmem_shared>>
          tpu.enqueue_indirect_dma source(%arg19 : memref<64xf32, #tpu.memory_space<vmem>>) target(%dma_start3A_145 : memref<10240xf32, #tpu.memory_space<vmem_shared>>) offsets(%dma_start3A_143 : memref<64xi32, #tpu.memory_space<vmem>>) semaphore(%arg25 : memref<!tpu.dma_semaphore, #tpu.memory_space<semaphore_mem>>) {add = true}
          %add3A_146 = arith.constant 4 : i32
          %add3A_147 = arith.addi %add3A_129, %add3A_146 : i32
          %lt3A_148 = arith.constant 32 : i32
          %lt3A_149 = arith.cmpi slt, %add3A_147, %lt3A_148 : i32
          %convert_element_type3A_150 = arith.extui %lt3A_149 : i1 to i32
          %cond3A_151 = arith.constant 0 : i32
          %cond3A_152 = arith.cmpi ne, %convert_element_type3A_150, %cond3A_151 : i32
          scf.if %cond3A_152 {
            %add3A_170 = arith.constant 4 : i32
            %add3A_171 = arith.addi %add3A_129, %add3A_170 : i32
            %dma_start3A_172 = arith.constant 0 : i32
            %dma_start3A_173 = tpu.memref_slice %arg12[%add3A_171, %dma_start3A_172] : memref<32x64xi32, #tpu.memory_space<vmem>> -> memref<1x64xi32, #tpu.memory_space<vmem>>
            %dma_start3A_174 = tpu.memref_squeeze %dma_start3A_173 : memref<1x64xi32, #tpu.memory_space<vmem>> -> memref<64xi32, #tpu.memory_space<vmem>>
            %dma_start3A_175 = arith.constant 0 : i32
            %dma_start3A_176 = arith.constant 0 : i32
            %dma_start3A_177 = tpu.memref_slice %arg2[%dma_start3A_175, %dma_start3A_176] : memref<10000x128xf32, #tpu.memory_space<hbm>> -> memref<10000x128xf32, #tpu.memory_space<hbm>>
            tpu.enqueue_indirect_dma source(%dma_start3A_177 : memref<10000x128xf32, #tpu.memory_space<hbm>>) target(%arg16 : memref<64x128xf32, #tpu.memory_space<vmem>>) offsets(%dma_start3A_174 : memref<64xi32, #tpu.memory_space<vmem>>) semaphore(%arg23 : memref<!tpu.dma_semaphore, #tpu.memory_space<semaphore_mem>>)
          } else {
          }
          %mul3A_153 = arith.constant 4 : i32
          %mul3A_154 = arith.muli %add3A_83, %mul3A_153 : i32
          %add3A_155 = arith.constant 3 : i32
          %add3A_156 = arith.addi %mul3A_154, %add3A_155 : i32
          %dma_wait3A_157 = arith.constant 0 : i32
          %dma_wait3A_158 = tpu.memref_slice %arg12[%add3A_156, %dma_wait3A_157] : memref<32x64xi32, #tpu.memory_space<vmem>> -> memref<1x64xi32, #tpu.memory_space<vmem>>
          %dma_wait3A_159 = tpu.memref_squeeze %dma_wait3A_158 : memref<1x64xi32, #tpu.memory_space<vmem>> -> memref<64xi32, #tpu.memory_space<vmem>>
          %dma_wait3A_160 = arith.constant 0 : i32
          %dma_wait3A_161 = arith.constant 0 : i32
          %dma_wait3A_162 = tpu.memref_slice %arg2[%dma_wait3A_160, %dma_wait3A_161] : memref<10000x128xf32, #tpu.memory_space<hbm>> -> memref<10000x128xf32, #tpu.memory_space<hbm>>
          tpu.wait_indirect_dma semaphore(%arg24 : memref<!tpu.dma_semaphore, #tpu.memory_space<semaphore_mem>>) src(%dma_wait3A_162 : memref<10000x128xf32, #tpu.memory_space<hbm>>) dst(%arg17 : memref<64x128xf32, #tpu.memory_space<vmem>>)
          "tpu.region"() ({
            %run_scoped3A = tpu.sem_alloc : memref<!tpu.dma_semaphore, #tpu.memory_space<semaphore_mem>>
            %dma_start3A_170 = arith.constant 0 : i32
            %dma_start3A_171 = tpu.memref_slice %arg13[%add3A_156, %dma_start3A_170] : memref<32x64xi32, #tpu.memory_space<vmem>> -> memref<1x64xi32, #tpu.memory_space<vmem>>
            %dma_start3A_172 = tpu.memref_squeeze %dma_start3A_171 : memref<1x64xi32, #tpu.memory_space<vmem>> -> memref<64xi32, #tpu.memory_space<vmem>>
            %dma_start3A_173 = arith.constant 0 : i32
            %dma_start3A_174 = arith.constant 0 : i32
            %dma_start3A_175 = tpu.memref_slice %arg18[%dma_start3A_173, %dma_start3A_174] : memref<10240x128xf32, #tpu.memory_space<vmem_shared>> -> memref<10240x128xf32, #tpu.memory_space<vmem_shared>>
            tpu.enqueue_indirect_dma source(%arg17 : memref<64x128xf32, #tpu.memory_space<vmem>>) target(%dma_start3A_175 : memref<10240x128xf32, #tpu.memory_space<vmem_shared>>) offsets(%dma_start3A_172 : memref<64xi32, #tpu.memory_space<vmem>>) semaphore(%run_scoped3A : memref<!tpu.dma_semaphore, #tpu.memory_space<semaphore_mem>>) {add = true}
            %dma_wait3A_176 = arith.constant 0 : i32
            %dma_wait3A_177 = tpu.memref_slice %arg13[%add3A_156, %dma_wait3A_176] : memref<32x64xi32, #tpu.memory_space<vmem>> -> memref<1x64xi32, #tpu.memory_space<vmem>>
            %dma_wait3A_178 = tpu.memref_squeeze %dma_wait3A_177 : memref<1x64xi32, #tpu.memory_space<vmem>> -> memref<64xi32, #tpu.memory_space<vmem>>
            %dma_wait3A_179 = arith.constant 0 : i32
            %dma_wait3A_180 = arith.constant 0 : i32
            %dma_wait3A_181 = tpu.memref_slice %arg18[%dma_wait3A_179, %dma_wait3A_180] : memref<10240x128xf32, #tpu.memory_space<vmem_shared>> -> memref<10240x128xf32, #tpu.memory_space<vmem_shared>>
            tpu.wait_indirect_dma semaphore(%run_scoped3A : memref<!tpu.dma_semaphore, #tpu.memory_space<semaphore_mem>>) src(%arg17 : memref<64x128xf32, #tpu.memory_space<vmem>>) dst(%dma_wait3A_181 : memref<10240x128xf32, #tpu.memory_space<vmem_shared>>)
            tpu.yield
          }) : () -> ()
          %add3A_163 = arith.constant 4 : i32
          %add3A_164 = arith.addi %add3A_156, %add3A_163 : i32
          %lt3A_165 = arith.constant 32 : i32
          %lt3A_166 = arith.cmpi slt, %add3A_164, %lt3A_165 : i32
          %convert_element_type3A_167 = arith.extui %lt3A_166 : i1 to i32
          %cond3A_168 = arith.constant 0 : i32
          %cond3A_169 = arith.cmpi ne, %convert_element_type3A_167, %cond3A_168 : i32
          scf.if %cond3A_169 {
            %add3A_170 = arith.constant 4 : i32
            %add3A_171 = arith.addi %add3A_156, %add3A_170 : i32
            %dma_start3A_172 = arith.constant 0 : i32
            %dma_start3A_173 = tpu.memref_slice %arg12[%add3A_171, %dma_start3A_172] : memref<32x64xi32, #tpu.memory_space<vmem>> -> memref<1x64xi32, #tpu.memory_space<vmem>>
            %dma_start3A_174 = tpu.memref_squeeze %dma_start3A_173 : memref<1x64xi32, #tpu.memory_space<vmem>> -> memref<64xi32, #tpu.memory_space<vmem>>
            %dma_start3A_175 = arith.constant 0 : i32
            %dma_start3A_176 = arith.constant 0 : i32
            %dma_start3A_177 = tpu.memref_slice %arg2[%dma_start3A_175, %dma_start3A_176] : memref<10000x128xf32, #tpu.memory_space<hbm>> -> memref<10000x128xf32, #tpu.memory_space<hbm>>
            tpu.enqueue_indirect_dma source(%dma_start3A_177 : memref<10000x128xf32, #tpu.memory_space<hbm>>) target(%arg17 : memref<64x128xf32, #tpu.memory_space<vmem>>) offsets(%dma_start3A_174 : memref<64xi32, #tpu.memory_space<vmem>>) semaphore(%arg24 : memref<!tpu.dma_semaphore, #tpu.memory_space<semaphore_mem>>)
          } else {
          }
        }
        %scan3A_67 = arith.constant 8 : i32
        %dma_wait3A = arith.constant 28 : i32
        %dma_wait3A_68 = arith.constant 0 : i32
        %dma_wait3A_69 = tpu.memref_slice %arg13[%dma_wait3A, %dma_wait3A_68] : memref<32x64xi32, #tpu.memory_space<vmem>> -> memref<1x64xi32, #tpu.memory_space<vmem>>
        %dma_wait3A_70 = tpu.memref_squeeze %dma_wait3A_69 : memref<1x64xi32, #tpu.memory_space<vmem>> -> memref<64xi32, #tpu.memory_space<vmem>>
        %dma_wait3A_71 = arith.constant 0 : i32
        %dma_wait3A_72 = tpu.memref_slice %arg20[%dma_wait3A_71] : memref<10240xf32, #tpu.memory_space<vmem_shared>> -> memref<10240xf32, #tpu.memory_space<vmem_shared>>
        tpu.wait_indirect_dma semaphore(%arg25 : memref<!tpu.dma_semaphore, #tpu.memory_space<semaphore_mem>>) src(%arg19 : memref<64xf32, #tpu.memory_space<vmem>>) dst(%dma_wait3A_72 : memref<10240xf32, #tpu.memory_space<vmem_shared>>)
        %dma_wait3A_73 = arith.constant 30 : i32
        %dma_wait3A_74 = arith.constant 0 : i32
        %dma_wait3A_75 = tpu.memref_slice %arg13[%dma_wait3A_73, %dma_wait3A_74] : memref<32x64xi32, #tpu.memory_space<vmem>> -> memref<1x64xi32, #tpu.memory_space<vmem>>
        %dma_wait3A_76 = tpu.memref_squeeze %dma_wait3A_75 : memref<1x64xi32, #tpu.memory_space<vmem>> -> memref<64xi32, #tpu.memory_space<vmem>>
        %dma_wait3A_77 = arith.constant 0 : i32
        %dma_wait3A_78 = tpu.memref_slice %arg20[%dma_wait3A_77] : memref<10240xf32, #tpu.memory_space<vmem_shared>> -> memref<10240xf32, #tpu.memory_space<vmem_shared>>
        tpu.wait_indirect_dma semaphore(%arg25 : memref<!tpu.dma_semaphore, #tpu.memory_space<semaphore_mem>>) src(%arg19 : memref<64xf32, #tpu.memory_space<vmem>>) dst(%dma_wait3A_78 : memref<10240xf32, #tpu.memory_space<vmem_shared>>)
      }
      %scan3A_27 = arith.constant 5 : i32
    } else {
    }
    %eq3A_7 = arith.constant 1 : i32
    %eq3A_8 = arith.cmpi eq, %arg0, %eq3A_7 : i32
    %convert_element_type3A_9 = arith.extui %eq3A_8 : i1 to i32
    %cond3A_10 = arith.constant 0 : i32
    %cond3A_11 = arith.cmpi ne, %convert_element_type3A_9, %cond3A_10 : i32
    scf.if %cond3A_11 {
      %scan3A_23 = arith.constant 0 : i32
      %scan3A_24 = arith.constant 5 : i32
      %scan3A_25 = arith.addi %scan3A_23, %scan3A_24 : i32
      %scan3A_26 = arith.constant 1 : i32
      scf.for %scan3A_28 = %scan3A_23 to %scan3A_25 step %scan3A_26  : i32 {
        %mul3A_29 = arith.constant 1 : i32
        %mul3A_30 = arith.muli %scan3A_28, %mul3A_29 : i32
        %add3A = arith.constant 0 : i32
        %add3A_31 = arith.addi %add3A, %mul3A_30 : i32
        %mul3A_32 = arith.constant 32 : i32
        %mul3A_33 = arith.muli %add3A_31, %mul3A_32 : i32
        "tpu.region"() ({
          %run_scoped3A = tpu.sem_alloc : memref<!tpu.dma_semaphore, #tpu.memory_space<semaphore_mem>>
          %dma_start3A_79 = arith.constant 0 : i32
          %dma_start3A_80 = tpu.memref_slice %arg4[%arg1, %mul3A_33, %dma_start3A_79] : memref<16x160x64xi32, #tpu.memory_space<hbm>> -> memref<1x32x64xi32, #tpu.memory_space<hbm>>
          %dma_start3A_81 = tpu.memref_squeeze %dma_start3A_80 : memref<1x32x64xi32, #tpu.memory_space<hbm>> -> memref<32x64xi32, #tpu.memory_space<hbm>>
          %dma_start3A_82 = arith.constant 0 : i32
          %dma_start3A_83 = tpu.memref_slice %arg4[%arg1, %mul3A_33, %dma_start3A_82] : memref<16x160x64xi32, #tpu.memory_space<hbm>> -> memref<1x32x64xi32, #tpu.memory_space<hbm>>
          %dma_start3A_84 = tpu.memref_squeeze %dma_start3A_83 : memref<1x32x64xi32, #tpu.memory_space<hbm>> -> memref<32x64xi32, #tpu.memory_space<hbm>>
          tpu.enqueue_dma source(%dma_start3A_84 : memref<32x64xi32, #tpu.memory_space<hbm>>) target(%arg12 : memref<32x64xi32, #tpu.memory_space<vmem>>) target_semaphore(%run_scoped3A : memref<!tpu.dma_semaphore, #tpu.memory_space<semaphore_mem>>)
          %dma_wait3A_85 = arith.constant 0 : i32
          %dma_wait3A_86 = tpu.memref_slice %arg4[%arg1, %mul3A_33, %dma_wait3A_85] : memref<16x160x64xi32, #tpu.memory_space<hbm>> -> memref<1x32x64xi32, #tpu.memory_space<hbm>>
          %dma_wait3A_87 = tpu.memref_squeeze %dma_wait3A_86 : memref<1x32x64xi32, #tpu.memory_space<hbm>> -> memref<32x64xi32, #tpu.memory_space<hbm>>
          %dma_wait3A_88 = arith.constant 0 : i32
          %dma_wait3A_89 = tpu.memref_slice %arg4[%arg1, %mul3A_33, %dma_wait3A_88] : memref<16x160x64xi32, #tpu.memory_space<hbm>> -> memref<1x32x64xi32, #tpu.memory_space<hbm>>
          %dma_wait3A_90 = tpu.memref_squeeze %dma_wait3A_89 : memref<1x32x64xi32, #tpu.memory_space<hbm>> -> memref<32x64xi32, #tpu.memory_space<hbm>>
          tpu.wait_dma2 semaphore(%run_scoped3A : memref<!tpu.dma_semaphore, #tpu.memory_space<semaphore_mem>>) src(%dma_wait3A_90 : memref<32x64xi32, #tpu.memory_space<hbm>>) dst(%arg12 : memref<32x64xi32, #tpu.memory_space<vmem>>)
          tpu.yield
        }) : () -> ()
        %mul3A_34 = arith.constant 32 : i32
        %mul3A_35 = arith.muli %add3A_31, %mul3A_34 : i32
        "tpu.region"() ({
          %run_scoped3A = tpu.sem_alloc : memref<!tpu.dma_semaphore, #tpu.memory_space<semaphore_mem>>
          %dma_start3A_79 = arith.constant 0 : i32
          %dma_start3A_80 = tpu.memref_slice %arg5[%arg1, %mul3A_35, %dma_start3A_79] : memref<16x160x64xi32, #tpu.memory_space<hbm>> -> memref<1x32x64xi32, #tpu.memory_space<hbm>>
          %dma_start3A_81 = tpu.memref_squeeze %dma_start3A_80 : memref<1x32x64xi32, #tpu.memory_space<hbm>> -> memref<32x64xi32, #tpu.memory_space<hbm>>
          %dma_start3A_82 = arith.constant 0 : i32
          %dma_start3A_83 = tpu.memref_slice %arg5[%arg1, %mul3A_35, %dma_start3A_82] : memref<16x160x64xi32, #tpu.memory_space<hbm>> -> memref<1x32x64xi32, #tpu.memory_space<hbm>>
          %dma_start3A_84 = tpu.memref_squeeze %dma_start3A_83 : memref<1x32x64xi32, #tpu.memory_space<hbm>> -> memref<32x64xi32, #tpu.memory_space<hbm>>
          tpu.enqueue_dma source(%dma_start3A_84 : memref<32x64xi32, #tpu.memory_space<hbm>>) target(%arg13 : memref<32x64xi32, #tpu.memory_space<vmem>>) target_semaphore(%run_scoped3A : memref<!tpu.dma_semaphore, #tpu.memory_space<semaphore_mem>>)
          %dma_wait3A_85 = arith.constant 0 : i32
          %dma_wait3A_86 = tpu.memref_slice %arg5[%arg1, %mul3A_35, %dma_wait3A_85] : memref<16x160x64xi32, #tpu.memory_space<hbm>> -> memref<1x32x64xi32, #tpu.memory_space<hbm>>
          %dma_wait3A_87 = tpu.memref_squeeze %dma_wait3A_86 : memref<1x32x64xi32, #tpu.memory_space<hbm>> -> memref<32x64xi32, #tpu.memory_space<hbm>>
          %dma_wait3A_88 = arith.constant 0 : i32
          %dma_wait3A_89 = tpu.memref_slice %arg5[%arg1, %mul3A_35, %dma_wait3A_88] : memref<16x160x64xi32, #tpu.memory_space<hbm>> -> memref<1x32x64xi32, #tpu.memory_space<hbm>>
          %dma_wait3A_90 = tpu.memref_squeeze %dma_wait3A_89 : memref<1x32x64xi32, #tpu.memory_space<hbm>> -> memref<32x64xi32, #tpu.memory_space<hbm>>
          tpu.wait_dma2 semaphore(%run_scoped3A : memref<!tpu.dma_semaphore, #tpu.memory_space<semaphore_mem>>) src(%dma_wait3A_90 : memref<32x64xi32, #tpu.memory_space<hbm>>) dst(%arg13 : memref<32x64xi32, #tpu.memory_space<vmem>>)
          tpu.yield
        }) : () -> ()
        %dma_start3A = arith.constant 0 : i32
        %dma_start3A_36 = arith.constant 0 : i32
        %dma_start3A_37 = tpu.memref_slice %arg12[%dma_start3A, %dma_start3A_36] : memref<32x64xi32, #tpu.memory_space<vmem>> -> memref<1x64xi32, #tpu.memory_space<vmem>>
        %dma_start3A_38 = tpu.memref_squeeze %dma_start3A_37 : memref<1x64xi32, #tpu.memory_space<vmem>> -> memref<64xi32, #tpu.memory_space<vmem>>
        %dma_start3A_39 = arith.constant 0 : i32
        %dma_start3A_40 = arith.constant 0 : i32
        %dma_start3A_41 = tpu.memref_slice %arg3[%dma_start3A_39, %dma_start3A_40] : memref<10000x128xf32, #tpu.memory_space<hbm>> -> memref<10000x128xf32, #tpu.memory_space<hbm>>
        tpu.enqueue_indirect_dma source(%dma_start3A_41 : memref<10000x128xf32, #tpu.memory_space<hbm>>) target(%arg14 : memref<64x128xf32, #tpu.memory_space<vmem>>) offsets(%dma_start3A_38 : memref<64xi32, #tpu.memory_space<vmem>>) semaphore(%arg21 : memref<!tpu.dma_semaphore, #tpu.memory_space<semaphore_mem>>)
        %dma_start3A_42 = arith.constant 1 : i32
        %dma_start3A_43 = arith.constant 0 : i32
        %dma_start3A_44 = tpu.memref_slice %arg12[%dma_start3A_42, %dma_start3A_43] : memref<32x64xi32, #tpu.memory_space<vmem>> -> memref<1x64xi32, #tpu.memory_space<vmem>>
        %dma_start3A_45 = tpu.memref_squeeze %dma_start3A_44 : memref<1x64xi32, #tpu.memory_space<vmem>> -> memref<64xi32, #tpu.memory_space<vmem>>
        %dma_start3A_46 = arith.constant 0 : i32
        %dma_start3A_47 = arith.constant 0 : i32
        %dma_start3A_48 = tpu.memref_slice %arg3[%dma_start3A_46, %dma_start3A_47] : memref<10000x128xf32, #tpu.memory_space<hbm>> -> memref<10000x128xf32, #tpu.memory_space<hbm>>
        tpu.enqueue_indirect_dma source(%dma_start3A_48 : memref<10000x128xf32, #tpu.memory_space<hbm>>) target(%arg15 : memref<64x128xf32, #tpu.memory_space<vmem>>) offsets(%dma_start3A_45 : memref<64xi32, #tpu.memory_space<vmem>>) semaphore(%arg22 : memref<!tpu.dma_semaphore, #tpu.memory_space<semaphore_mem>>)
        %dma_start3A_49 = arith.constant 2 : i32
        %dma_start3A_50 = arith.constant 0 : i32
        %dma_start3A_51 = tpu.memref_slice %arg12[%dma_start3A_49, %dma_start3A_50] : memref<32x64xi32, #tpu.memory_space<vmem>> -> memref<1x64xi32, #tpu.memory_space<vmem>>
        %dma_start3A_52 = tpu.memref_squeeze %dma_start3A_51 : memref<1x64xi32, #tpu.memory_space<vmem>> -> memref<64xi32, #tpu.memory_space<vmem>>
        %dma_start3A_53 = arith.constant 0 : i32
        %dma_start3A_54 = arith.constant 0 : i32
        %dma_start3A_55 = tpu.memref_slice %arg3[%dma_start3A_53, %dma_start3A_54] : memref<10000x128xf32, #tpu.memory_space<hbm>> -> memref<10000x128xf32, #tpu.memory_space<hbm>>
        tpu.enqueue_indirect_dma source(%dma_start3A_55 : memref<10000x128xf32, #tpu.memory_space<hbm>>) target(%arg16 : memref<64x128xf32, #tpu.memory_space<vmem>>) offsets(%dma_start3A_52 : memref<64xi32, #tpu.memory_space<vmem>>) semaphore(%arg23 : memref<!tpu.dma_semaphore, #tpu.memory_space<semaphore_mem>>)
        %dma_start3A_56 = arith.constant 3 : i32
        %dma_start3A_57 = arith.constant 0 : i32
        %dma_start3A_58 = tpu.memref_slice %arg12[%dma_start3A_56, %dma_start3A_57] : memref<32x64xi32, #tpu.memory_space<vmem>> -> memref<1x64xi32, #tpu.memory_space<vmem>>
        %dma_start3A_59 = tpu.memref_squeeze %dma_start3A_58 : memref<1x64xi32, #tpu.memory_space<vmem>> -> memref<64xi32, #tpu.memory_space<vmem>>
        %dma_start3A_60 = arith.constant 0 : i32
        %dma_start3A_61 = arith.constant 0 : i32
        %dma_start3A_62 = tpu.memref_slice %arg3[%dma_start3A_60, %dma_start3A_61] : memref<10000x128xf32, #tpu.memory_space<hbm>> -> memref<10000x128xf32, #tpu.memory_space<hbm>>
        tpu.enqueue_indirect_dma source(%dma_start3A_62 : memref<10000x128xf32, #tpu.memory_space<hbm>>) target(%arg17 : memref<64x128xf32, #tpu.memory_space<vmem>>) offsets(%dma_start3A_59 : memref<64xi32, #tpu.memory_space<vmem>>) semaphore(%arg24 : memref<!tpu.dma_semaphore, #tpu.memory_space<semaphore_mem>>)
        %scan3A_63 = arith.constant 0 : i32
        %scan3A_64 = arith.constant 8 : i32
        %scan3A_65 = arith.addi %scan3A_63, %scan3A_64 : i32
        %scan3A_66 = arith.constant 1 : i32
        scf.for %scan3A_79 = %scan3A_63 to %scan3A_65 step %scan3A_66  : i32 {
          %mul3A_80 = arith.constant 1 : i32
          %mul3A_81 = arith.muli %scan3A_79, %mul3A_80 : i32
          %add3A_82 = arith.constant 0 : i32
          %add3A_83 = arith.addi %add3A_82, %mul3A_81 : i32
          %mul3A_84 = arith.constant 4 : i32
          %mul3A_85 = arith.muli %add3A_83, %mul3A_84 : i32
          %add3A_86 = arith.constant 0 : i32
          %add3A_87 = arith.addi %mul3A_85, %add3A_86 : i32
          %dma_wait3A_88 = arith.constant 0 : i32
          %dma_wait3A_89 = tpu.memref_slice %arg12[%add3A_87, %dma_wait3A_88] : memref<32x64xi32, #tpu.memory_space<vmem>> -> memref<1x64xi32, #tpu.memory_space<vmem>>
          %dma_wait3A_90 = tpu.memref_squeeze %dma_wait3A_89 : memref<1x64xi32, #tpu.memory_space<vmem>> -> memref<64xi32, #tpu.memory_space<vmem>>
          %dma_wait3A_91 = arith.constant 0 : i32
          %dma_wait3A_92 = arith.constant 0 : i32
          %dma_wait3A_93 = tpu.memref_slice %arg3[%dma_wait3A_91, %dma_wait3A_92] : memref<10000x128xf32, #tpu.memory_space<hbm>> -> memref<10000x128xf32, #tpu.memory_space<hbm>>
          tpu.wait_indirect_dma semaphore(%arg21 : memref<!tpu.dma_semaphore, #tpu.memory_space<semaphore_mem>>) src(%dma_wait3A_93 : memref<10000x128xf32, #tpu.memory_space<hbm>>) dst(%arg14 : memref<64x128xf32, #tpu.memory_space<vmem>>)
          "tpu.region"() ({
            %run_scoped3A = tpu.sem_alloc : memref<!tpu.dma_semaphore, #tpu.memory_space<semaphore_mem>>
            %dma_start3A_170 = arith.constant 0 : i32
            %dma_start3A_171 = tpu.memref_slice %arg13[%add3A_87, %dma_start3A_170] : memref<32x64xi32, #tpu.memory_space<vmem>> -> memref<1x64xi32, #tpu.memory_space<vmem>>
            %dma_start3A_172 = tpu.memref_squeeze %dma_start3A_171 : memref<1x64xi32, #tpu.memory_space<vmem>> -> memref<64xi32, #tpu.memory_space<vmem>>
            %dma_start3A_173 = arith.constant 0 : i32
            %dma_start3A_174 = arith.constant 0 : i32
            %dma_start3A_175 = tpu.memref_slice %arg18[%dma_start3A_173, %dma_start3A_174] : memref<10240x128xf32, #tpu.memory_space<vmem_shared>> -> memref<10240x128xf32, #tpu.memory_space<vmem_shared>>
            tpu.enqueue_indirect_dma source(%arg14 : memref<64x128xf32, #tpu.memory_space<vmem>>) target(%dma_start3A_175 : memref<10240x128xf32, #tpu.memory_space<vmem_shared>>) offsets(%dma_start3A_172 : memref<64xi32, #tpu.memory_space<vmem>>) semaphore(%run_scoped3A : memref<!tpu.dma_semaphore, #tpu.memory_space<semaphore_mem>>) {add = true}
            %dma_wait3A_176 = arith.constant 0 : i32
            %dma_wait3A_177 = tpu.memref_slice %arg13[%add3A_87, %dma_wait3A_176] : memref<32x64xi32, #tpu.memory_space<vmem>> -> memref<1x64xi32, #tpu.memory_space<vmem>>
            %dma_wait3A_178 = tpu.memref_squeeze %dma_wait3A_177 : memref<1x64xi32, #tpu.memory_space<vmem>> -> memref<64xi32, #tpu.memory_space<vmem>>
            %dma_wait3A_179 = arith.constant 0 : i32
            %dma_wait3A_180 = arith.constant 0 : i32
            %dma_wait3A_181 = tpu.memref_slice %arg18[%dma_wait3A_179, %dma_wait3A_180] : memref<10240x128xf32, #tpu.memory_space<vmem_shared>> -> memref<10240x128xf32, #tpu.memory_space<vmem_shared>>
            tpu.wait_indirect_dma semaphore(%run_scoped3A : memref<!tpu.dma_semaphore, #tpu.memory_space<semaphore_mem>>) src(%arg14 : memref<64x128xf32, #tpu.memory_space<vmem>>) dst(%dma_wait3A_181 : memref<10240x128xf32, #tpu.memory_space<vmem_shared>>)
            tpu.yield
          }) : () -> ()
          %add3A_94 = arith.constant 4 : i32
          %add3A_95 = arith.addi %add3A_87, %add3A_94 : i32
          %lt3A = arith.constant 32 : i32
          %lt3A_96 = arith.cmpi slt, %add3A_95, %lt3A : i32
          %convert_element_type3A_97 = arith.extui %lt3A_96 : i1 to i32
          %cond3A_98 = arith.constant 0 : i32
          %cond3A_99 = arith.cmpi ne, %convert_element_type3A_97, %cond3A_98 : i32
          scf.if %cond3A_99 {
            %add3A_170 = arith.constant 4 : i32
            %add3A_171 = arith.addi %add3A_87, %add3A_170 : i32
            %dma_start3A_172 = arith.constant 0 : i32
            %dma_start3A_173 = tpu.memref_slice %arg12[%add3A_171, %dma_start3A_172] : memref<32x64xi32, #tpu.memory_space<vmem>> -> memref<1x64xi32, #tpu.memory_space<vmem>>
            %dma_start3A_174 = tpu.memref_squeeze %dma_start3A_173 : memref<1x64xi32, #tpu.memory_space<vmem>> -> memref<64xi32, #tpu.memory_space<vmem>>
            %dma_start3A_175 = arith.constant 0 : i32
            %dma_start3A_176 = arith.constant 0 : i32
            %dma_start3A_177 = tpu.memref_slice %arg3[%dma_start3A_175, %dma_start3A_176] : memref<10000x128xf32, #tpu.memory_space<hbm>> -> memref<10000x128xf32, #tpu.memory_space<hbm>>
            tpu.enqueue_indirect_dma source(%dma_start3A_177 : memref<10000x128xf32, #tpu.memory_space<hbm>>) target(%arg14 : memref<64x128xf32, #tpu.memory_space<vmem>>) offsets(%dma_start3A_174 : memref<64xi32, #tpu.memory_space<vmem>>) semaphore(%arg21 : memref<!tpu.dma_semaphore, #tpu.memory_space<semaphore_mem>>)
          } else {
          }
          %mul3A_100 = arith.constant 4 : i32
          %mul3A_101 = arith.muli %add3A_83, %mul3A_100 : i32
          %add3A_102 = arith.constant 1 : i32
          %add3A_103 = arith.addi %mul3A_101, %add3A_102 : i32
          %ge3A = arith.constant 4 : i32
          %ge3A_104 = arith.cmpi sge, %add3A_103, %ge3A : i32
          %convert_element_type3A_105 = arith.extui %ge3A_104 : i1 to i32
          %cond3A_106 = arith.constant 0 : i32
          %cond3A_107 = arith.cmpi ne, %convert_element_type3A_105, %cond3A_106 : i32
          scf.if %cond3A_107 {
            %sub3A = arith.constant 4 : i32
            %sub3A_170 = arith.subi %add3A_103, %sub3A : i32
            %dma_wait3A_171 = arith.constant 0 : i32
            %dma_wait3A_172 = tpu.memref_slice %arg13[%sub3A_170, %dma_wait3A_171] : memref<32x64xi32, #tpu.memory_space<vmem>> -> memref<1x64xi32, #tpu.memory_space<vmem>>
            %dma_wait3A_173 = tpu.memref_squeeze %dma_wait3A_172 : memref<1x64xi32, #tpu.memory_space<vmem>> -> memref<64xi32, #tpu.memory_space<vmem>>
            %dma_wait3A_174 = arith.constant 0 : i32
            %dma_wait3A_175 = tpu.memref_slice %arg20[%dma_wait3A_174] : memref<10240xf32, #tpu.memory_space<vmem_shared>> -> memref<10240xf32, #tpu.memory_space<vmem_shared>>
            tpu.wait_indirect_dma semaphore(%arg25 : memref<!tpu.dma_semaphore, #tpu.memory_space<semaphore_mem>>) src(%arg19 : memref<64xf32, #tpu.memory_space<vmem>>) dst(%dma_wait3A_175 : memref<10240xf32, #tpu.memory_space<vmem_shared>>)
          } else {
          }
          %dma_wait3A_108 = arith.constant 0 : i32
          %dma_wait3A_109 = tpu.memref_slice %arg12[%add3A_103, %dma_wait3A_108] : memref<32x64xi32, #tpu.memory_space<vmem>> -> memref<1x64xi32, #tpu.memory_space<vmem>>
          %dma_wait3A_110 = tpu.memref_squeeze %dma_wait3A_109 : memref<1x64xi32, #tpu.memory_space<vmem>> -> memref<64xi32, #tpu.memory_space<vmem>>
          %dma_wait3A_111 = arith.constant 0 : i32
          %dma_wait3A_112 = arith.constant 0 : i32
          %dma_wait3A_113 = tpu.memref_slice %arg3[%dma_wait3A_111, %dma_wait3A_112] : memref<10000x128xf32, #tpu.memory_space<hbm>> -> memref<10000x128xf32, #tpu.memory_space<hbm>>
          tpu.wait_indirect_dma semaphore(%arg22 : memref<!tpu.dma_semaphore, #tpu.memory_space<semaphore_mem>>) src(%dma_wait3A_113 : memref<10000x128xf32, #tpu.memory_space<hbm>>) dst(%arg15 : memref<64x128xf32, #tpu.memory_space<vmem>>)
          "tpu.region"() ({
            %run_scoped3A = tpu.sem_alloc : memref<!tpu.dma_semaphore, #tpu.memory_space<semaphore_mem>>
            %dma_start3A_170 = arith.constant 0 : i32
            %dma_start3A_171 = tpu.memref_slice %arg13[%add3A_103, %dma_start3A_170] : memref<32x64xi32, #tpu.memory_space<vmem>> -> memref<1x64xi32, #tpu.memory_space<vmem>>
            %dma_start3A_172 = tpu.memref_squeeze %dma_start3A_171 : memref<1x64xi32, #tpu.memory_space<vmem>> -> memref<64xi32, #tpu.memory_space<vmem>>
            %dma_start3A_173 = arith.constant 0 : i32
            %dma_start3A_174 = arith.constant 0 : i32
            %dma_start3A_175 = tpu.memref_slice %arg18[%dma_start3A_173, %dma_start3A_174] : memref<10240x128xf32, #tpu.memory_space<vmem_shared>> -> memref<10240x128xf32, #tpu.memory_space<vmem_shared>>
            tpu.enqueue_indirect_dma source(%arg15 : memref<64x128xf32, #tpu.memory_space<vmem>>) target(%dma_start3A_175 : memref<10240x128xf32, #tpu.memory_space<vmem_shared>>) offsets(%dma_start3A_172 : memref<64xi32, #tpu.memory_space<vmem>>) semaphore(%run_scoped3A : memref<!tpu.dma_semaphore, #tpu.memory_space<semaphore_mem>>) {add = true}
            %dma_wait3A_176 = arith.constant 0 : i32
            %dma_wait3A_177 = tpu.memref_slice %arg13[%add3A_103, %dma_wait3A_176] : memref<32x64xi32, #tpu.memory_space<vmem>> -> memref<1x64xi32, #tpu.memory_space<vmem>>
            %dma_wait3A_178 = tpu.memref_squeeze %dma_wait3A_177 : memref<1x64xi32, #tpu.memory_space<vmem>> -> memref<64xi32, #tpu.memory_space<vmem>>
            %dma_wait3A_179 = arith.constant 0 : i32
            %dma_wait3A_180 = arith.constant 0 : i32
            %dma_wait3A_181 = tpu.memref_slice %arg18[%dma_wait3A_179, %dma_wait3A_180] : memref<10240x128xf32, #tpu.memory_space<vmem_shared>> -> memref<10240x128xf32, #tpu.memory_space<vmem_shared>>
            tpu.wait_indirect_dma semaphore(%run_scoped3A : memref<!tpu.dma_semaphore, #tpu.memory_space<semaphore_mem>>) src(%arg15 : memref<64x128xf32, #tpu.memory_space<vmem>>) dst(%dma_wait3A_181 : memref<10240x128xf32, #tpu.memory_space<vmem_shared>>)
            tpu.yield
          }) : () -> ()
          %dma_start3A_114 = arith.constant 0 : i32
          %dma_start3A_115 = tpu.memref_slice %arg13[%add3A_103, %dma_start3A_114] : memref<32x64xi32, #tpu.memory_space<vmem>> -> memref<1x64xi32, #tpu.memory_space<vmem>>
          %dma_start3A_116 = tpu.memref_squeeze %dma_start3A_115 : memref<1x64xi32, #tpu.memory_space<vmem>> -> memref<64xi32, #tpu.memory_space<vmem>>
          %dma_start3A_117 = arith.constant 0 : i32
          %dma_start3A_118 = tpu.memref_slice %arg20[%dma_start3A_117] : memref<10240xf32, #tpu.memory_space<vmem_shared>> -> memref<10240xf32, #tpu.memory_space<vmem_shared>>
          tpu.enqueue_indirect_dma source(%arg19 : memref<64xf32, #tpu.memory_space<vmem>>) target(%dma_start3A_118 : memref<10240xf32, #tpu.memory_space<vmem_shared>>) offsets(%dma_start3A_116 : memref<64xi32, #tpu.memory_space<vmem>>) semaphore(%arg25 : memref<!tpu.dma_semaphore, #tpu.memory_space<semaphore_mem>>) {add = true}
          %add3A_119 = arith.constant 4 : i32
          %add3A_120 = arith.addi %add3A_103, %add3A_119 : i32
          %lt3A_121 = arith.constant 32 : i32
          %lt3A_122 = arith.cmpi slt, %add3A_120, %lt3A_121 : i32
          %convert_element_type3A_123 = arith.extui %lt3A_122 : i1 to i32
          %cond3A_124 = arith.constant 0 : i32
          %cond3A_125 = arith.cmpi ne, %convert_element_type3A_123, %cond3A_124 : i32
          scf.if %cond3A_125 {
            %add3A_170 = arith.constant 4 : i32
            %add3A_171 = arith.addi %add3A_103, %add3A_170 : i32
            %dma_start3A_172 = arith.constant 0 : i32
            %dma_start3A_173 = tpu.memref_slice %arg12[%add3A_171, %dma_start3A_172] : memref<32x64xi32, #tpu.memory_space<vmem>> -> memref<1x64xi32, #tpu.memory_space<vmem>>
            %dma_start3A_174 = tpu.memref_squeeze %dma_start3A_173 : memref<1x64xi32, #tpu.memory_space<vmem>> -> memref<64xi32, #tpu.memory_space<vmem>>
            %dma_start3A_175 = arith.constant 0 : i32
            %dma_start3A_176 = arith.constant 0 : i32
            %dma_start3A_177 = tpu.memref_slice %arg3[%dma_start3A_175, %dma_start3A_176] : memref<10000x128xf32, #tpu.memory_space<hbm>> -> memref<10000x128xf32, #tpu.memory_space<hbm>>
            tpu.enqueue_indirect_dma source(%dma_start3A_177 : memref<10000x128xf32, #tpu.memory_space<hbm>>) target(%arg15 : memref<64x128xf32, #tpu.memory_space<vmem>>) offsets(%dma_start3A_174 : memref<64xi32, #tpu.memory_space<vmem>>) semaphore(%arg22 : memref<!tpu.dma_semaphore, #tpu.memory_space<semaphore_mem>>)
          } else {
          }
          %mul3A_126 = arith.constant 4 : i32
          %mul3A_127 = arith.muli %add3A_83, %mul3A_126 : i32
          %add3A_128 = arith.constant 2 : i32
          %add3A_129 = arith.addi %mul3A_127, %add3A_128 : i32
          %dma_wait3A_130 = arith.constant 0 : i32
          %dma_wait3A_131 = tpu.memref_slice %arg12[%add3A_129, %dma_wait3A_130] : memref<32x64xi32, #tpu.memory_space<vmem>> -> memref<1x64xi32, #tpu.memory_space<vmem>>
          %dma_wait3A_132 = tpu.memref_squeeze %dma_wait3A_131 : memref<1x64xi32, #tpu.memory_space<vmem>> -> memref<64xi32, #tpu.memory_space<vmem>>
          %dma_wait3A_133 = arith.constant 0 : i32
          %dma_wait3A_134 = arith.constant 0 : i32
          %dma_wait3A_135 = tpu.memref_slice %arg3[%dma_wait3A_133, %dma_wait3A_134] : memref<10000x128xf32, #tpu.memory_space<hbm>> -> memref<10000x128xf32, #tpu.memory_space<hbm>>
          tpu.wait_indirect_dma semaphore(%arg23 : memref<!tpu.dma_semaphore, #tpu.memory_space<semaphore_mem>>) src(%dma_wait3A_135 : memref<10000x128xf32, #tpu.memory_space<hbm>>) dst(%arg16 : memref<64x128xf32, #tpu.memory_space<vmem>>)
          "tpu.region"() ({
            %run_scoped3A = tpu.sem_alloc : memref<!tpu.dma_semaphore, #tpu.memory_space<semaphore_mem>>
            %dma_start3A_170 = arith.constant 0 : i32
            %dma_start3A_171 = tpu.memref_slice %arg13[%add3A_129, %dma_start3A_170] : memref<32x64xi32, #tpu.memory_space<vmem>> -> memref<1x64xi32, #tpu.memory_space<vmem>>
            %dma_start3A_172 = tpu.memref_squeeze %dma_start3A_171 : memref<1x64xi32, #tpu.memory_space<vmem>> -> memref<64xi32, #tpu.memory_space<vmem>>
            %dma_start3A_173 = arith.constant 0 : i32
            %dma_start3A_174 = arith.constant 0 : i32
            %dma_start3A_175 = tpu.memref_slice %arg18[%dma_start3A_173, %dma_start3A_174] : memref<10240x128xf32, #tpu.memory_space<vmem_shared>> -> memref<10240x128xf32, #tpu.memory_space<vmem_shared>>
            tpu.enqueue_indirect_dma source(%arg16 : memref<64x128xf32, #tpu.memory_space<vmem>>) target(%dma_start3A_175 : memref<10240x128xf32, #tpu.memory_space<vmem_shared>>) offsets(%dma_start3A_172 : memref<64xi32, #tpu.memory_space<vmem>>) semaphore(%run_scoped3A : memref<!tpu.dma_semaphore, #tpu.memory_space<semaphore_mem>>) {add = true}
            %dma_wait3A_176 = arith.constant 0 : i32
            %dma_wait3A_177 = tpu.memref_slice %arg13[%add3A_129, %dma_wait3A_176] : memref<32x64xi32, #tpu.memory_space<vmem>> -> memref<1x64xi32, #tpu.memory_space<vmem>>
            %dma_wait3A_178 = tpu.memref_squeeze %dma_wait3A_177 : memref<1x64xi32, #tpu.memory_space<vmem>> -> memref<64xi32, #tpu.memory_space<vmem>>
            %dma_wait3A_179 = arith.constant 0 : i32
            %dma_wait3A_180 = arith.constant 0 : i32
            %dma_wait3A_181 = tpu.memref_slice %arg18[%dma_wait3A_179, %dma_wait3A_180] : memref<10240x128xf32, #tpu.memory_space<vmem_shared>> -> memref<10240x128xf32, #tpu.memory_space<vmem_shared>>
            tpu.wait_indirect_dma semaphore(%run_scoped3A : memref<!tpu.dma_semaphore, #tpu.memory_space<semaphore_mem>>) src(%arg16 : memref<64x128xf32, #tpu.memory_space<vmem>>) dst(%dma_wait3A_181 : memref<10240x128xf32, #tpu.memory_space<vmem_shared>>)
            tpu.yield
          }) : () -> ()
          %add3A_136 = arith.constant 4 : i32
          %add3A_137 = arith.addi %add3A_129, %add3A_136 : i32
          %lt3A_138 = arith.constant 32 : i32
          %lt3A_139 = arith.cmpi slt, %add3A_137, %lt3A_138 : i32
          %convert_element_type3A_140 = arith.extui %lt3A_139 : i1 to i32
          %cond3A_141 = arith.constant 0 : i32
          %cond3A_142 = arith.cmpi ne, %convert_element_type3A_140, %cond3A_141 : i32
          scf.if %cond3A_142 {
            %add3A_170 = arith.constant 4 : i32
            %add3A_171 = arith.addi %add3A_129, %add3A_170 : i32
            %dma_start3A_172 = arith.constant 0 : i32
            %dma_start3A_173 = tpu.memref_slice %arg12[%add3A_171, %dma_start3A_172] : memref<32x64xi32, #tpu.memory_space<vmem>> -> memref<1x64xi32, #tpu.memory_space<vmem>>
            %dma_start3A_174 = tpu.memref_squeeze %dma_start3A_173 : memref<1x64xi32, #tpu.memory_space<vmem>> -> memref<64xi32, #tpu.memory_space<vmem>>
            %dma_start3A_175 = arith.constant 0 : i32
            %dma_start3A_176 = arith.constant 0 : i32
            %dma_start3A_177 = tpu.memref_slice %arg3[%dma_start3A_175, %dma_start3A_176] : memref<10000x128xf32, #tpu.memory_space<hbm>> -> memref<10000x128xf32, #tpu.memory_space<hbm>>
            tpu.enqueue_indirect_dma source(%dma_start3A_177 : memref<10000x128xf32, #tpu.memory_space<hbm>>) target(%arg16 : memref<64x128xf32, #tpu.memory_space<vmem>>) offsets(%dma_start3A_174 : memref<64xi32, #tpu.memory_space<vmem>>) semaphore(%arg23 : memref<!tpu.dma_semaphore, #tpu.memory_space<semaphore_mem>>)
          } else {
          }
          %mul3A_143 = arith.constant 4 : i32
          %mul3A_144 = arith.muli %add3A_83, %mul3A_143 : i32
          %add3A_145 = arith.constant 3 : i32
          %add3A_146 = arith.addi %mul3A_144, %add3A_145 : i32
          %ge3A_147 = arith.constant 4 : i32
          %ge3A_148 = arith.cmpi sge, %add3A_146, %ge3A_147 : i32
          %convert_element_type3A_149 = arith.extui %ge3A_148 : i1 to i32
          %cond3A_150 = arith.constant 0 : i32
          %cond3A_151 = arith.cmpi ne, %convert_element_type3A_149, %cond3A_150 : i32
          scf.if %cond3A_151 {
            %sub3A = arith.constant 4 : i32
            %sub3A_170 = arith.subi %add3A_146, %sub3A : i32
            %dma_wait3A_171 = arith.constant 0 : i32
            %dma_wait3A_172 = tpu.memref_slice %arg13[%sub3A_170, %dma_wait3A_171] : memref<32x64xi32, #tpu.memory_space<vmem>> -> memref<1x64xi32, #tpu.memory_space<vmem>>
            %dma_wait3A_173 = tpu.memref_squeeze %dma_wait3A_172 : memref<1x64xi32, #tpu.memory_space<vmem>> -> memref<64xi32, #tpu.memory_space<vmem>>
            %dma_wait3A_174 = arith.constant 0 : i32
            %dma_wait3A_175 = tpu.memref_slice %arg20[%dma_wait3A_174] : memref<10240xf32, #tpu.memory_space<vmem_shared>> -> memref<10240xf32, #tpu.memory_space<vmem_shared>>
            tpu.wait_indirect_dma semaphore(%arg25 : memref<!tpu.dma_semaphore, #tpu.memory_space<semaphore_mem>>) src(%arg19 : memref<64xf32, #tpu.memory_space<vmem>>) dst(%dma_wait3A_175 : memref<10240xf32, #tpu.memory_space<vmem_shared>>)
          } else {
          }
          %dma_wait3A_152 = arith.constant 0 : i32
          %dma_wait3A_153 = tpu.memref_slice %arg12[%add3A_146, %dma_wait3A_152] : memref<32x64xi32, #tpu.memory_space<vmem>> -> memref<1x64xi32, #tpu.memory_space<vmem>>
          %dma_wait3A_154 = tpu.memref_squeeze %dma_wait3A_153 : memref<1x64xi32, #tpu.memory_space<vmem>> -> memref<64xi32, #tpu.memory_space<vmem>>
          %dma_wait3A_155 = arith.constant 0 : i32
          %dma_wait3A_156 = arith.constant 0 : i32
          %dma_wait3A_157 = tpu.memref_slice %arg3[%dma_wait3A_155, %dma_wait3A_156] : memref<10000x128xf32, #tpu.memory_space<hbm>> -> memref<10000x128xf32, #tpu.memory_space<hbm>>
          tpu.wait_indirect_dma semaphore(%arg24 : memref<!tpu.dma_semaphore, #tpu.memory_space<semaphore_mem>>) src(%dma_wait3A_157 : memref<10000x128xf32, #tpu.memory_space<hbm>>) dst(%arg17 : memref<64x128xf32, #tpu.memory_space<vmem>>)
          "tpu.region"() ({
            %run_scoped3A = tpu.sem_alloc : memref<!tpu.dma_semaphore, #tpu.memory_space<semaphore_mem>>
            %dma_start3A_170 = arith.constant 0 : i32
            %dma_start3A_171 = tpu.memref_slice %arg13[%add3A_146, %dma_start3A_170] : memref<32x64xi32, #tpu.memory_space<vmem>> -> memref<1x64xi32, #tpu.memory_space<vmem>>
            %dma_start3A_172 = tpu.memref_squeeze %dma_start3A_171 : memref<1x64xi32, #tpu.memory_space<vmem>> -> memref<64xi32, #tpu.memory_space<vmem>>
            %dma_start3A_173 = arith.constant 0 : i32
            %dma_start3A_174 = arith.constant 0 : i32
            %dma_start3A_175 = tpu.memref_slice %arg18[%dma_start3A_173, %dma_start3A_174] : memref<10240x128xf32, #tpu.memory_space<vmem_shared>> -> memref<10240x128xf32, #tpu.memory_space<vmem_shared>>
            tpu.enqueue_indirect_dma source(%arg17 : memref<64x128xf32, #tpu.memory_space<vmem>>) target(%dma_start3A_175 : memref<10240x128xf32, #tpu.memory_space<vmem_shared>>) offsets(%dma_start3A_172 : memref<64xi32, #tpu.memory_space<vmem>>) semaphore(%run_scoped3A : memref<!tpu.dma_semaphore, #tpu.memory_space<semaphore_mem>>) {add = true}
            %dma_wait3A_176 = arith.constant 0 : i32
            %dma_wait3A_177 = tpu.memref_slice %arg13[%add3A_146, %dma_wait3A_176] : memref<32x64xi32, #tpu.memory_space<vmem>> -> memref<1x64xi32, #tpu.memory_space<vmem>>
            %dma_wait3A_178 = tpu.memref_squeeze %dma_wait3A_177 : memref<1x64xi32, #tpu.memory_space<vmem>> -> memref<64xi32, #tpu.memory_space<vmem>>
            %dma_wait3A_179 = arith.constant 0 : i32
            %dma_wait3A_180 = arith.constant 0 : i32
            %dma_wait3A_181 = tpu.memref_slice %arg18[%dma_wait3A_179, %dma_wait3A_180] : memref<10240x128xf32, #tpu.memory_space<vmem_shared>> -> memref<10240x128xf32, #tpu.memory_space<vmem_shared>>
            tpu.wait_indirect_dma semaphore(%run_scoped3A : memref<!tpu.dma_semaphore, #tpu.memory_space<semaphore_mem>>) src(%arg17 : memref<64x128xf32, #tpu.memory_space<vmem>>) dst(%dma_wait3A_181 : memref<10240x128xf32, #tpu.memory_space<vmem_shared>>)
            tpu.yield
          }) : () -> ()
          %dma_start3A_158 = arith.constant 0 : i32
          %dma_start3A_159 = tpu.memref_slice %arg13[%add3A_146, %dma_start3A_158] : memref<32x64xi32, #tpu.memory_space<vmem>> -> memref<1x64xi32, #tpu.memory_space<vmem>>
          %dma_start3A_160 = tpu.memref_squeeze %dma_start3A_159 : memref<1x64xi32, #tpu.memory_space<vmem>> -> memref<64xi32, #tpu.memory_space<vmem>>
          %dma_start3A_161 = arith.constant 0 : i32
          %dma_start3A_162 = tpu.memref_slice %arg20[%dma_start3A_161] : memref<10240xf32, #tpu.memory_space<vmem_shared>> -> memref<10240xf32, #tpu.memory_space<vmem_shared>>
          tpu.enqueue_indirect_dma source(%arg19 : memref<64xf32, #tpu.memory_space<vmem>>) target(%dma_start3A_162 : memref<10240xf32, #tpu.memory_space<vmem_shared>>) offsets(%dma_start3A_160 : memref<64xi32, #tpu.memory_space<vmem>>) semaphore(%arg25 : memref<!tpu.dma_semaphore, #tpu.memory_space<semaphore_mem>>) {add = true}
          %add3A_163 = arith.constant 4 : i32
          %add3A_164 = arith.addi %add3A_146, %add3A_163 : i32
          %lt3A_165 = arith.constant 32 : i32
          %lt3A_166 = arith.cmpi slt, %add3A_164, %lt3A_165 : i32
          %convert_element_type3A_167 = arith.extui %lt3A_166 : i1 to i32
          %cond3A_168 = arith.constant 0 : i32
          %cond3A_169 = arith.cmpi ne, %convert_element_type3A_167, %cond3A_168 : i32
          scf.if %cond3A_169 {
            %add3A_170 = arith.constant 4 : i32
            %add3A_171 = arith.addi %add3A_146, %add3A_170 : i32
            %dma_start3A_172 = arith.constant 0 : i32
            %dma_start3A_173 = tpu.memref_slice %arg12[%add3A_171, %dma_start3A_172] : memref<32x64xi32, #tpu.memory_space<vmem>> -> memref<1x64xi32, #tpu.memory_space<vmem>>
            %dma_start3A_174 = tpu.memref_squeeze %dma_start3A_173 : memref<1x64xi32, #tpu.memory_space<vmem>> -> memref<64xi32, #tpu.memory_space<vmem>>
            %dma_start3A_175 = arith.constant 0 : i32
            %dma_start3A_176 = arith.constant 0 : i32
            %dma_start3A_177 = tpu.memref_slice %arg3[%dma_start3A_175, %dma_start3A_176] : memref<10000x128xf32, #tpu.memory_space<hbm>> -> memref<10000x128xf32, #tpu.memory_space<hbm>>
            tpu.enqueue_indirect_dma source(%dma_start3A_177 : memref<10000x128xf32, #tpu.memory_space<hbm>>) target(%arg17 : memref<64x128xf32, #tpu.memory_space<vmem>>) offsets(%dma_start3A_174 : memref<64xi32, #tpu.memory_space<vmem>>) semaphore(%arg24 : memref<!tpu.dma_semaphore, #tpu.memory_space<semaphore_mem>>)
          } else {
          }
        }
        %scan3A_67 = arith.constant 8 : i32
        %dma_wait3A = arith.constant 29 : i32
        %dma_wait3A_68 = arith.constant 0 : i32
        %dma_wait3A_69 = tpu.memref_slice %arg13[%dma_wait3A, %dma_wait3A_68] : memref<32x64xi32, #tpu.memory_space<vmem>> -> memref<1x64xi32, #tpu.memory_space<vmem>>
        %dma_wait3A_70 = tpu.memref_squeeze %dma_wait3A_69 : memref<1x64xi32, #tpu.memory_space<vmem>> -> memref<64xi32, #tpu.memory_space<vmem>>
        %dma_wait3A_71 = arith.constant 0 : i32
        %dma_wait3A_72 = tpu.memref_slice %arg20[%dma_wait3A_71] : memref<10240xf32, #tpu.memory_space<vmem_shared>> -> memref<10240xf32, #tpu.memory_space<vmem_shared>>
        tpu.wait_indirect_dma semaphore(%arg25 : memref<!tpu.dma_semaphore, #tpu.memory_space<semaphore_mem>>) src(%arg19 : memref<64xf32, #tpu.memory_space<vmem>>) dst(%dma_wait3A_72 : memref<10240xf32, #tpu.memory_space<vmem_shared>>)
        %dma_wait3A_73 = arith.constant 31 : i32
        %dma_wait3A_74 = arith.constant 0 : i32
        %dma_wait3A_75 = tpu.memref_slice %arg13[%dma_wait3A_73, %dma_wait3A_74] : memref<32x64xi32, #tpu.memory_space<vmem>> -> memref<1x64xi32, #tpu.memory_space<vmem>>
        %dma_wait3A_76 = tpu.memref_squeeze %dma_wait3A_75 : memref<1x64xi32, #tpu.memory_space<vmem>> -> memref<64xi32, #tpu.memory_space<vmem>>
        %dma_wait3A_77 = arith.constant 0 : i32
        %dma_wait3A_78 = tpu.memref_slice %arg20[%dma_wait3A_77] : memref<10240xf32, #tpu.memory_space<vmem_shared>> -> memref<10240xf32, #tpu.memory_space<vmem_shared>>
        tpu.wait_indirect_dma semaphore(%arg25 : memref<!tpu.dma_semaphore, #tpu.memory_space<semaphore_mem>>) src(%arg19 : memref<64xf32, #tpu.memory_space<vmem>>) dst(%dma_wait3A_78 : memref<10240xf32, #tpu.memory_space<vmem_shared>>)
      }
      %scan3A_27 = arith.constant 5 : i32
    } else {
    }
    %barrier3A_12 = arith.constant 0 : index
    tpu.barrier barrier_id(%barrier3A_12)
    %eq3A_13 = arith.constant 0 : i32
    %eq3A_14 = arith.cmpi eq, %arg0, %eq3A_13 : i32
    %convert_element_type3A_15 = arith.extui %eq3A_14 : i1 to i32
    %cond3A_16 = arith.constant 0 : i32
    %cond3A_17 = arith.cmpi ne, %convert_element_type3A_15, %cond3A_16 : i32
    scf.if %cond3A_17 {
      %lt3A = arith.constant 15 : i32
      %lt3A_23 = arith.cmpi slt, %arg1, %lt3A : i32
      %convert_element_type3A_24 = arith.extui %lt3A_23 : i1 to i32
      %cond3A_25 = arith.constant 0 : i32
      %cond3A_26 = arith.cmpi ne, %convert_element_type3A_24, %cond3A_25 : i32
      scf.if %cond3A_26 {
        %mul3A_32 = arith.constant 640 : i32
        %mul3A_33 = arith.muli %arg1, %mul3A_32 : i32
        "tpu.region"() ({
          %run_scoped3A = tpu.sem_alloc : memref<!tpu.dma_semaphore, #tpu.memory_space<semaphore_mem>>
          %dma_start3A = arith.constant 0 : i32
          %dma_start3A_34 = tpu.memref_slice %arg8[%mul3A_33, %dma_start3A] : memref<10000x128xf32, #tpu.memory_space<hbm>> -> memref<640x128xf32, #tpu.memory_space<hbm>>
          %dma_start3A_35 = arith.constant 0 : i32
          %dma_start3A_36 = tpu.memref_slice %arg18[%mul3A_33, %dma_start3A_35] : memref<10240x128xf32, #tpu.memory_space<vmem_shared>> -> memref<640x128xf32, #tpu.memory_space<vmem_shared>>
          tpu.enqueue_dma source(%dma_start3A_36 : memref<640x128xf32, #tpu.memory_space<vmem_shared>>) target(%dma_start3A_34 : memref<640x128xf32, #tpu.memory_space<hbm>>) target_semaphore(%run_scoped3A : memref<!tpu.dma_semaphore, #tpu.memory_space<semaphore_mem>>)
          %dma_wait3A = arith.constant 0 : i32
          %dma_wait3A_37 = tpu.memref_slice %arg8[%mul3A_33, %dma_wait3A] : memref<10000x128xf32, #tpu.memory_space<hbm>> -> memref<640x128xf32, #tpu.memory_space<hbm>>
          %dma_wait3A_38 = arith.constant 0 : i32
          %dma_wait3A_39 = tpu.memref_slice %arg18[%mul3A_33, %dma_wait3A_38] : memref<10240x128xf32, #tpu.memory_space<vmem_shared>> -> memref<640x128xf32, #tpu.memory_space<vmem_shared>>
          tpu.wait_dma2 semaphore(%run_scoped3A : memref<!tpu.dma_semaphore, #tpu.memory_space<semaphore_mem>>) src(%dma_wait3A_39 : memref<640x128xf32, #tpu.memory_space<vmem_shared>>) dst(%dma_wait3A_37 : memref<640x128xf32, #tpu.memory_space<hbm>>)
          tpu.yield
        }) : () -> ()
      } else {
      }
      %eq3A_27 = arith.constant 15 : i32
      %eq3A_28 = arith.cmpi eq, %arg1, %eq3A_27 : i32
      %convert_element_type3A_29 = arith.extui %eq3A_28 : i1 to i32
      %cond3A_30 = arith.constant 0 : i32
      %cond3A_31 = arith.cmpi ne, %convert_element_type3A_29, %cond3A_30 : i32
      scf.if %cond3A_31 {
        "tpu.region"() ({
          %run_scoped3A = tpu.sem_alloc : memref<!tpu.dma_semaphore, #tpu.memory_space<semaphore_mem>>
          %dma_start3A = arith.constant 9600 : i32
          %dma_start3A_32 = arith.constant 0 : i32
          %dma_start3A_33 = tpu.memref_slice %arg8[%dma_start3A, %dma_start3A_32] : memref<10000x128xf32, #tpu.memory_space<hbm>> -> memref<400x128xf32, #tpu.memory_space<hbm>>
          %dma_start3A_34 = arith.constant 9600 : i32
          %dma_start3A_35 = arith.constant 0 : i32
          %dma_start3A_36 = tpu.memref_slice %arg18[%dma_start3A_34, %dma_start3A_35] : memref<10240x128xf32, #tpu.memory_space<vmem_shared>> -> memref<400x128xf32, #tpu.memory_space<vmem_shared>>
          tpu.enqueue_dma source(%dma_start3A_36 : memref<400x128xf32, #tpu.memory_space<vmem_shared>>) target(%dma_start3A_33 : memref<400x128xf32, #tpu.memory_space<hbm>>) target_semaphore(%run_scoped3A : memref<!tpu.dma_semaphore, #tpu.memory_space<semaphore_mem>>)
          %dma_wait3A = arith.constant 9600 : i32
          %dma_wait3A_37 = arith.constant 0 : i32
          %dma_wait3A_38 = tpu.memref_slice %arg8[%dma_wait3A, %dma_wait3A_37] : memref<10000x128xf32, #tpu.memory_space<hbm>> -> memref<400x128xf32, #tpu.memory_space<hbm>>
          %dma_wait3A_39 = arith.constant 9600 : i32
          %dma_wait3A_40 = arith.constant 0 : i32
          %dma_wait3A_41 = tpu.memref_slice %arg18[%dma_wait3A_39, %dma_wait3A_40] : memref<10240x128xf32, #tpu.memory_space<vmem_shared>> -> memref<400x128xf32, #tpu.memory_space<vmem_shared>>
          tpu.wait_dma2 semaphore(%run_scoped3A : memref<!tpu.dma_semaphore, #tpu.memory_space<semaphore_mem>>) src(%dma_wait3A_41 : memref<400x128xf32, #tpu.memory_space<vmem_shared>>) dst(%dma_wait3A_38 : memref<400x128xf32, #tpu.memory_space<hbm>>)
          tpu.yield
        }) : () -> ()
      } else {
      }
      "tpu.region"() ({
        %run_scoped3A = tpu.sem_alloc : memref<!tpu.dma_semaphore, #tpu.memory_space<semaphore_mem>>
        %dma_start3A = tpu.memref_slice %arg10[%mul3A_0] : memref<10240xf32, #tpu.memory_space<hbm>> -> memref<640xf32, #tpu.memory_space<hbm>>
        %dma_start3A_32 = tpu.memref_slice %arg20[%mul3A_0] : memref<10240xf32, #tpu.memory_space<vmem_shared>> -> memref<640xf32, #tpu.memory_space<vmem_shared>>
        tpu.enqueue_dma source(%dma_start3A_32 : memref<640xf32, #tpu.memory_space<vmem_shared>>) target(%dma_start3A : memref<640xf32, #tpu.memory_space<hbm>>) target_semaphore(%run_scoped3A : memref<!tpu.dma_semaphore, #tpu.memory_space<semaphore_mem>>)
        %dma_wait3A = tpu.memref_slice %arg10[%mul3A_0] : memref<10240xf32, #tpu.memory_space<hbm>> -> memref<640xf32, #tpu.memory_space<hbm>>
        %dma_wait3A_33 = tpu.memref_slice %arg20[%mul3A_0] : memref<10240xf32, #tpu.memory_space<vmem_shared>> -> memref<640xf32, #tpu.memory_space<vmem_shared>>
        tpu.wait_dma2 semaphore(%run_scoped3A : memref<!tpu.dma_semaphore, #tpu.memory_space<semaphore_mem>>) src(%dma_wait3A_33 : memref<640xf32, #tpu.memory_space<vmem_shared>>) dst(%dma_wait3A : memref<640xf32, #tpu.memory_space<hbm>>)
        tpu.yield
      }) : () -> ()
    } else {
    }
    %eq3A_18 = arith.constant 1 : i32
    %eq3A_19 = arith.cmpi eq, %arg0, %eq3A_18 : i32
    %convert_element_type3A_20 = arith.extui %eq3A_19 : i1 to i32
    %cond3A_21 = arith.constant 0 : i32
    %cond3A_22 = arith.cmpi ne, %convert_element_type3A_20, %cond3A_21 : i32
    scf.if %cond3A_22 {
      %lt3A = arith.constant 15 : i32
      %lt3A_23 = arith.cmpi slt, %arg1, %lt3A : i32
      %convert_element_type3A_24 = arith.extui %lt3A_23 : i1 to i32
      %cond3A_25 = arith.constant 0 : i32
      %cond3A_26 = arith.cmpi ne, %convert_element_type3A_24, %cond3A_25 : i32
      scf.if %cond3A_26 {
        %mul3A_32 = arith.constant 640 : i32
        %mul3A_33 = arith.muli %arg1, %mul3A_32 : i32
        "tpu.region"() ({
          %run_scoped3A = tpu.sem_alloc : memref<!tpu.dma_semaphore, #tpu.memory_space<semaphore_mem>>
          %dma_start3A = arith.constant 0 : i32
          %dma_start3A_34 = tpu.memref_slice %arg9[%mul3A_33, %dma_start3A] : memref<10000x128xf32, #tpu.memory_space<hbm>> -> memref<640x128xf32, #tpu.memory_space<hbm>>
          %dma_start3A_35 = arith.constant 0 : i32
          %dma_start3A_36 = tpu.memref_slice %arg18[%mul3A_33, %dma_start3A_35] : memref<10240x128xf32, #tpu.memory_space<vmem_shared>> -> memref<640x128xf32, #tpu.memory_space<vmem_shared>>
          tpu.enqueue_dma source(%dma_start3A_36 : memref<640x128xf32, #tpu.memory_space<vmem_shared>>) target(%dma_start3A_34 : memref<640x128xf32, #tpu.memory_space<hbm>>) target_semaphore(%run_scoped3A : memref<!tpu.dma_semaphore, #tpu.memory_space<semaphore_mem>>)
          %dma_wait3A = arith.constant 0 : i32
          %dma_wait3A_37 = tpu.memref_slice %arg9[%mul3A_33, %dma_wait3A] : memref<10000x128xf32, #tpu.memory_space<hbm>> -> memref<640x128xf32, #tpu.memory_space<hbm>>
          %dma_wait3A_38 = arith.constant 0 : i32
          %dma_wait3A_39 = tpu.memref_slice %arg18[%mul3A_33, %dma_wait3A_38] : memref<10240x128xf32, #tpu.memory_space<vmem_shared>> -> memref<640x128xf32, #tpu.memory_space<vmem_shared>>
          tpu.wait_dma2 semaphore(%run_scoped3A : memref<!tpu.dma_semaphore, #tpu.memory_space<semaphore_mem>>) src(%dma_wait3A_39 : memref<640x128xf32, #tpu.memory_space<vmem_shared>>) dst(%dma_wait3A_37 : memref<640x128xf32, #tpu.memory_space<hbm>>)
          tpu.yield
        }) : () -> ()
      } else {
      }
      %eq3A_27 = arith.constant 15 : i32
      %eq3A_28 = arith.cmpi eq, %arg1, %eq3A_27 : i32
      %convert_element_type3A_29 = arith.extui %eq3A_28 : i1 to i32
      %cond3A_30 = arith.constant 0 : i32
      %cond3A_31 = arith.cmpi ne, %convert_element_type3A_29, %cond3A_30 : i32
      scf.if %cond3A_31 {
        "tpu.region"() ({
          %run_scoped3A = tpu.sem_alloc : memref<!tpu.dma_semaphore, #tpu.memory_space<semaphore_mem>>
          %dma_start3A = arith.constant 9600 : i32
          %dma_start3A_32 = arith.constant 0 : i32
          %dma_start3A_33 = tpu.memref_slice %arg9[%dma_start3A, %dma_start3A_32] : memref<10000x128xf32, #tpu.memory_space<hbm>> -> memref<400x128xf32, #tpu.memory_space<hbm>>
          %dma_start3A_34 = arith.constant 9600 : i32
          %dma_start3A_35 = arith.constant 0 : i32
          %dma_start3A_36 = tpu.memref_slice %arg18[%dma_start3A_34, %dma_start3A_35] : memref<10240x128xf32, #tpu.memory_space<vmem_shared>> -> memref<400x128xf32, #tpu.memory_space<vmem_shared>>
          tpu.enqueue_dma source(%dma_start3A_36 : memref<400x128xf32, #tpu.memory_space<vmem_shared>>) target(%dma_start3A_33 : memref<400x128xf32, #tpu.memory_space<hbm>>) target_semaphore(%run_scoped3A : memref<!tpu.dma_semaphore, #tpu.memory_space<semaphore_mem>>)
          %dma_wait3A = arith.constant 9600 : i32
          %dma_wait3A_37 = arith.constant 0 : i32
          %dma_wait3A_38 = tpu.memref_slice %arg9[%dma_wait3A, %dma_wait3A_37] : memref<10000x128xf32, #tpu.memory_space<hbm>> -> memref<400x128xf32, #tpu.memory_space<hbm>>
          %dma_wait3A_39 = arith.constant 9600 : i32
          %dma_wait3A_40 = arith.constant 0 : i32
          %dma_wait3A_41 = tpu.memref_slice %arg18[%dma_wait3A_39, %dma_wait3A_40] : memref<10240x128xf32, #tpu.memory_space<vmem_shared>> -> memref<400x128xf32, #tpu.memory_space<vmem_shared>>
          tpu.wait_dma2 semaphore(%run_scoped3A : memref<!tpu.dma_semaphore, #tpu.memory_space<semaphore_mem>>) src(%dma_wait3A_41 : memref<400x128xf32, #tpu.memory_space<vmem_shared>>) dst(%dma_wait3A_38 : memref<400x128xf32, #tpu.memory_space<hbm>>)
          tpu.yield
        }) : () -> ()
      } else {
      }
      "tpu.region"() ({
        %run_scoped3A = tpu.sem_alloc : memref<!tpu.dma_semaphore, #tpu.memory_space<semaphore_mem>>
        %dma_start3A = tpu.memref_slice %arg11[%mul3A_0] : memref<10240xf32, #tpu.memory_space<hbm>> -> memref<640xf32, #tpu.memory_space<hbm>>
        %dma_start3A_32 = tpu.memref_slice %arg20[%mul3A_0] : memref<10240xf32, #tpu.memory_space<vmem_shared>> -> memref<640xf32, #tpu.memory_space<vmem_shared>>
        tpu.enqueue_dma source(%dma_start3A_32 : memref<640xf32, #tpu.memory_space<vmem_shared>>) target(%dma_start3A : memref<640xf32, #tpu.memory_space<hbm>>) target_semaphore(%run_scoped3A : memref<!tpu.dma_semaphore, #tpu.memory_space<semaphore_mem>>)
        %dma_wait3A = tpu.memref_slice %arg11[%mul3A_0] : memref<10240xf32, #tpu.memory_space<hbm>> -> memref<640xf32, #tpu.memory_space<hbm>>
        %dma_wait3A_33 = tpu.memref_slice %arg20[%mul3A_0] : memref<10240xf32, #tpu.memory_space<vmem_shared>> -> memref<640xf32, #tpu.memory_space<vmem_shared>>
        tpu.wait_dma2 semaphore(%run_scoped3A : memref<!tpu.dma_semaphore, #tpu.memory_space<semaphore_mem>>) src(%dma_wait3A_33 : memref<640xf32, #tpu.memory_space<vmem_shared>>) dst(%dma_wait3A : memref<640xf32, #tpu.memory_space<hbm>>)
        tpu.yield
      }) : () -> ()
    } else {
    }
    return
  }
}

module attributes {stable_mosaic.version = 14 : i64} {
  func.func @_mm_body(%arg0: i32, %arg1: memref<1000x256xf32, #tpu.memory_space<vmem>>, %arg2: memref<256x512xf32, #tpu.memory_space<vmem>>, %arg3: memref<1x512xf32, #tpu.memory_space<vmem>>, %arg4: memref<1000x128xf32, #tpu.memory_space<vmem>>, %arg5: memref<1000x128xf32, #tpu.memory_space<vmem>>, %arg6: memref<1000x256xf32, #tpu.memory_space<vmem>>) attributes {dimension_semantics = [#tpu.dimension_semantics<arbitrary>], iteration_bounds = array<i64: 10>, scalar_prefetch = 0 : i64, scratch_operands = 0 : i64, tpu.core_type = #tpu.core_type<tc>, window_params = [{transform_indices = @transform_0, window_bounds = array<i64: 1000, 256>}, {pipeline_mode = #tpu.pipeline_mode<synchronous>, transform_indices = @transform_1, window_bounds = array<i64: 256, 512>}, {pipeline_mode = #tpu.pipeline_mode<synchronous>, transform_indices = @transform_2, window_bounds = array<i64: 1, 512>}, {transform_indices = @transform_3, window_bounds = array<i64: 1000, 128>}, {transform_indices = @transform_4, window_bounds = array<i64: 1000, 128>}, {transform_indices = @transform_5, window_bounds = array<i64: 1000, 256>}]} {
    %get3A = arith.constant 0 : index
    %get3A_0 = arith.constant 0 : index
    %get3A_1 = vector.load %arg1[%get3A, %get3A_0] : memref<1000x256xf32, #tpu.memory_space<vmem>>, vector<1000x256xf32>
    %get3A_2 = arith.constant 0 : index
    %get3A_3 = arith.constant 0 : index
    %get3A_4 = vector.load %arg2[%get3A_2, %get3A_3] : memref<256x512xf32, #tpu.memory_space<vmem>>, vector<256x512xf32>
    %dot_general3A = arith.constant dense<0.000000e+00> : vector<1000x512xf32>
    %dot_general3A_5 = tpu.matmul %get3A_1, %get3A_4, %dot_general3A {dimension_numbers = #tpu.dot_dimension_numbers<[1], [0], [0], [1], [0, 0, 1, 1], [], []>, transpose_lhs_hint = false} : vector<1000x256xf32>, vector<256x512xf32>, vector<1000x512xf32> -> vector<1000x512xf32>
    %get3A_6 = arith.constant 0 : index
    %get3A_7 = arith.constant 0 : index
    %get3A_8 = vector.load %arg3[%get3A_6, %get3A_7] : memref<1x512xf32, #tpu.memory_space<vmem>>, vector<1x512xf32>
    %add3A = vector.broadcast %get3A_8 : vector<1x512xf32> to vector<1000x512xf32>
    %add3A_9 = arith.addf %dot_general3A_5, %add3A : vector<1000x512xf32>
    %slice3A = vector.extract_strided_slice %add3A_9 {offsets = [0, 0], sizes = [1000, 128], strides = [1, 1]} : vector<1000x512xf32> to vector<1000x128xf32>
    %swap3A = arith.constant 0 : index
    %swap3A_10 = arith.constant 0 : index
    %swap3A_11 = vector.load %arg4[%swap3A, %swap3A_10] : memref<1000x128xf32, #tpu.memory_space<vmem>>, vector<1000x128xf32>
    tpu.vector_store %arg4[%swap3A, %swap3A_10], %slice3A {strides = array<i32>} : memref<1000x128xf32, #tpu.memory_space<vmem>>, vector<1000x128xf32>,
    %slice3A_12 = vector.extract_strided_slice %add3A_9 {offsets = [0, 128], sizes = [1000, 128], strides = [1, 1]} : vector<1000x512xf32> to vector<1000x128xf32>
    %swap3A_13 = arith.constant 0 : index
    %swap3A_14 = arith.constant 0 : index
    %swap3A_15 = vector.load %arg5[%swap3A_13, %swap3A_14] : memref<1000x128xf32, #tpu.memory_space<vmem>>, vector<1000x128xf32>
    tpu.vector_store %arg5[%swap3A_13, %swap3A_14], %slice3A_12 {strides = array<i32>} : memref<1000x128xf32, #tpu.memory_space<vmem>>, vector<1000x128xf32>,
    %slice3A_16 = vector.extract_strided_slice %add3A_9 {offsets = [0, 256], sizes = [1000, 256], strides = [1, 1]} : vector<1000x512xf32> to vector<1000x256xf32>
    %swap3A_17 = arith.constant 0 : index
    %swap3A_18 = arith.constant 0 : index
    %swap3A_19 = vector.load %arg6[%swap3A_17, %swap3A_18] : memref<1000x256xf32, #tpu.memory_space<vmem>>, vector<1000x256xf32>
    tpu.vector_store %arg6[%swap3A_17, %swap3A_18], %slice3A_16 {strides = array<i32>} : memref<1000x256xf32, #tpu.memory_space<vmem>>, vector<1000x256xf32>,
    return
  }
  func.func @transform_0(%arg0: i32) -> (i32, i32) {
    %c0_i32 = arith.constant 0 : i32
    %c0_i32_0 = arith.constant 0 : i32
    return %arg0, %c0_i32 : i32, i32
  }
  func.func @transform_1(%arg0: i32) -> (i32, i32) {
    %c0_i32 = arith.constant 0 : i32
    %c0_i32_0 = arith.constant 0 : i32
    %c0_i32_1 = arith.constant 0 : i32
    return %c0_i32, %c0_i32_0 : i32, i32
  }
  func.func @transform_2(%arg0: i32) -> (i32, i32) {
    %c0_i32 = arith.constant 0 : i32
    %c0_i32_0 = arith.constant 0 : i32
    %c0_i32_1 = arith.constant 0 : i32
    return %c0_i32, %c0_i32_0 : i32, i32
  }
  func.func @transform_3(%arg0: i32) -> (i32, i32) {
    %c0_i32 = arith.constant 0 : i32
    %c0_i32_0 = arith.constant 0 : i32
    return %arg0, %c0_i32 : i32, i32
  }
  func.func @transform_4(%arg0: i32) -> (i32, i32) {
    %c0_i32 = arith.constant 0 : i32
    %c0_i32_0 = arith.constant 0 : i32
    return %arg0, %c0_i32 : i32, i32
  }
  func.func @transform_5(%arg0: i32) -> (i32, i32) {
    %c0_i32 = arith.constant 0 : i32
    %c0_i32_0 = arith.constant 0 : i32
    return %arg0, %c0_i32 : i32, i32
  }
}

module attributes {stable_mosaic.version = 14 : i64} {
  func.func @_combine_mm_body(%arg0: i32, %arg1: memref<1000x128xf32, #tpu.memory_space<vmem>>, %arg2: memref<1000x128xf32, #tpu.memory_space<vmem>>, %arg3: memref<1000x1xf32, #tpu.memory_space<vmem>>, %arg4: memref<1000x1xf32, #tpu.memory_space<vmem>>, %arg5: memref<1000x256xf32, #tpu.memory_space<vmem>>, %arg6: memref<256x512xf32, #tpu.memory_space<vmem>>, %arg7: memref<1x512xf32, #tpu.memory_space<vmem>>, %arg8: memref<1000x128xf32, #tpu.memory_space<vmem>>, %arg9: memref<1000x128xf32, #tpu.memory_space<vmem>>, %arg10: memref<1000x256xf32, #tpu.memory_space<vmem>>) attributes {dimension_semantics = [#tpu.dimension_semantics<arbitrary>], iteration_bounds = array<i64: 10>, scalar_prefetch = 0 : i64, scratch_operands = 0 : i64, tpu.core_type = #tpu.core_type<tc>, window_params = [{transform_indices = @transform_0, window_bounds = array<i64: 1000, 128>}, {transform_indices = @transform_1, window_bounds = array<i64: 1000, 128>}, {transform_indices = @transform_2, window_bounds = array<i64: 1000, 1>}, {transform_indices = @transform_3, window_bounds = array<i64: 1000, 1>}, {transform_indices = @transform_4, window_bounds = array<i64: 1000, 256>}, {pipeline_mode = #tpu.pipeline_mode<synchronous>, transform_indices = @transform_5, window_bounds = array<i64: 256, 512>}, {pipeline_mode = #tpu.pipeline_mode<synchronous>, transform_indices = @transform_6, window_bounds = array<i64: 1, 512>}, {transform_indices = @transform_7, window_bounds = array<i64: 1000, 128>}, {transform_indices = @transform_8, window_bounds = array<i64: 1000, 128>}, {transform_indices = @transform_9, window_bounds = array<i64: 1000, 256>}]} {
    %get3A = arith.constant 0 : index
    %get3A_0 = arith.constant 0 : index
    %get3A_1 = vector.load %arg3[%get3A, %get3A_0] : memref<1000x1xf32, #tpu.memory_space<vmem>>, vector<1000x1xf32>
    %get3A_2 = arith.constant 0 : index
    %get3A_3 = arith.constant 0 : index
    %get3A_4 = vector.load %arg4[%get3A_2, %get3A_3] : memref<1000x1xf32, #tpu.memory_space<vmem>>, vector<1000x1xf32>
    %add3A = arith.addf %get3A_1, %get3A_4 : vector<1000x1xf32>
    %max3A = arith.constant 1.000000e+00 : f32
    %max3A_5 = vector.broadcast %max3A : f32 to vector<1000x1xf32>
    %max3A_6 = arith.maximumf %add3A, %max3A_5 : vector<1000x1xf32>
    %div3A = arith.constant 1.000000e+00 : f32
    %div3A_7 = vector.broadcast %div3A : f32 to vector<1000x1xf32>
    %div3A_8 = arith.divf %div3A_7, %max3A_6 : vector<1000x1xf32>
    %get3A_9 = arith.constant 0 : index
    %get3A_10 = arith.constant 0 : index
    %get3A_11 = vector.load %arg1[%get3A_9, %get3A_10] : memref<1000x128xf32, #tpu.memory_space<vmem>>, vector<1000x128xf32>
    %mul3A = vector.broadcast %div3A_8 : vector<1000x1xf32> to vector<1000x128xf32>
    %mul3A_12 = arith.mulf %get3A_11, %mul3A : vector<1000x128xf32>
    %get3A_13 = arith.constant 0 : index
    %get3A_14 = arith.constant 0 : index
    %get3A_15 = vector.load %arg2[%get3A_13, %get3A_14] : memref<1000x128xf32, #tpu.memory_space<vmem>>, vector<1000x128xf32>
    %mul3A_16 = vector.broadcast %div3A_8 : vector<1000x1xf32> to vector<1000x128xf32>
    %mul3A_17 = arith.mulf %get3A_15, %mul3A_16 : vector<1000x128xf32>
    %concatenate3A = tpu.concatenate %mul3A_12, %mul3A_17 in 1 : vector<1000x128xf32>, vector<1000x128xf32> -> vector<1000x256xf32>
    %get3A_18 = arith.constant 0 : index
    %get3A_19 = arith.constant 0 : index
    %get3A_20 = vector.load %arg5[%get3A_18, %get3A_19] : memref<1000x256xf32, #tpu.memory_space<vmem>>, vector<1000x256xf32>
    %add3A_21 = arith.addf %concatenate3A, %get3A_20 : vector<1000x256xf32>
    %max3A_22 = arith.constant 0.000000e+00 : f32
    %max3A_23 = vector.broadcast %max3A_22 : f32 to vector<1000x256xf32>
    %max3A_24 = arith.maximumf %add3A_21, %max3A_23 : vector<1000x256xf32>
    %get3A_25 = arith.constant 0 : index
    %get3A_26 = arith.constant 0 : index
    %get3A_27 = vector.load %arg6[%get3A_25, %get3A_26] : memref<256x512xf32, #tpu.memory_space<vmem>>, vector<256x512xf32>
    %dot_general3A = arith.constant dense<0.000000e+00> : vector<1000x512xf32>
    %dot_general3A_28 = tpu.matmul %max3A_24, %get3A_27, %dot_general3A {dimension_numbers = #tpu.dot_dimension_numbers<[1], [0], [0], [1], [0, 0, 1, 1], [], []>, transpose_lhs_hint = false} : vector<1000x256xf32>, vector<256x512xf32>, vector<1000x512xf32> -> vector<1000x512xf32>
    %get3A_29 = arith.constant 0 : index
    %get3A_30 = arith.constant 0 : index
    %get3A_31 = vector.load %arg7[%get3A_29, %get3A_30] : memref<1x512xf32, #tpu.memory_space<vmem>>, vector<1x512xf32>
    %add3A_32 = vector.broadcast %get3A_31 : vector<1x512xf32> to vector<1000x512xf32>
    %add3A_33 = arith.addf %dot_general3A_28, %add3A_32 : vector<1000x512xf32>
    %slice3A = vector.extract_strided_slice %add3A_33 {offsets = [0, 0], sizes = [1000, 128], strides = [1, 1]} : vector<1000x512xf32> to vector<1000x128xf32>
    %swap3A = arith.constant 0 : index
    %swap3A_34 = arith.constant 0 : index
    %swap3A_35 = vector.load %arg8[%swap3A, %swap3A_34] : memref<1000x128xf32, #tpu.memory_space<vmem>>, vector<1000x128xf32>
    tpu.vector_store %arg8[%swap3A, %swap3A_34], %slice3A {strides = array<i32>} : memref<1000x128xf32, #tpu.memory_space<vmem>>, vector<1000x128xf32>,
    %slice3A_36 = vector.extract_strided_slice %add3A_33 {offsets = [0, 128], sizes = [1000, 128], strides = [1, 1]} : vector<1000x512xf32> to vector<1000x128xf32>
    %swap3A_37 = arith.constant 0 : index
    %swap3A_38 = arith.constant 0 : index
    %swap3A_39 = vector.load %arg9[%swap3A_37, %swap3A_38] : memref<1000x128xf32, #tpu.memory_space<vmem>>, vector<1000x128xf32>
    tpu.vector_store %arg9[%swap3A_37, %swap3A_38], %slice3A_36 {strides = array<i32>} : memref<1000x128xf32, #tpu.memory_space<vmem>>, vector<1000x128xf32>,
    %slice3A_40 = vector.extract_strided_slice %add3A_33 {offsets = [0, 256], sizes = [1000, 256], strides = [1, 1]} : vector<1000x512xf32> to vector<1000x256xf32>
    %swap3A_41 = arith.constant 0 : index
    %swap3A_42 = arith.constant 0 : index
    %swap3A_43 = vector.load %arg10[%swap3A_41, %swap3A_42] : memref<1000x256xf32, #tpu.memory_space<vmem>>, vector<1000x256xf32>
    tpu.vector_store %arg10[%swap3A_41, %swap3A_42], %slice3A_40 {strides = array<i32>} : memref<1000x256xf32, #tpu.memory_space<vmem>>, vector<1000x256xf32>,
    return
  }
  func.func @transform_0(%arg0: i32) -> (i32, i32) {
    %c0_i32 = arith.constant 0 : i32
    %c0_i32_0 = arith.constant 0 : i32
    return %arg0, %c0_i32 : i32, i32
  }
  func.func @transform_1(%arg0: i32) -> (i32, i32) {
    %c0_i32 = arith.constant 0 : i32
    %c0_i32_0 = arith.constant 0 : i32
    return %arg0, %c0_i32 : i32, i32
  }
  func.func @transform_2(%arg0: i32) -> (i32, i32) {
    %c0_i32 = arith.constant 0 : i32
    %c0_i32_0 = arith.constant 0 : i32
    return %arg0, %c0_i32 : i32, i32
  }
  func.func @transform_3(%arg0: i32) -> (i32, i32) {
    %c0_i32 = arith.constant 0 : i32
    %c0_i32_0 = arith.constant 0 : i32
    return %arg0, %c0_i32 : i32, i32
  }
  func.func @transform_4(%arg0: i32) -> (i32, i32) {
    %c0_i32 = arith.constant 0 : i32
    %c0_i32_0 = arith.constant 0 : i32
    return %arg0, %c0_i32 : i32, i32
  }
  func.func @transform_5(%arg0: i32) -> (i32, i32) {
    %c0_i32 = arith.constant 0 : i32
    %c0_i32_0 = arith.constant 0 : i32
    %c0_i32_1 = arith.constant 0 : i32
    return %c0_i32, %c0_i32_0 : i32, i32
  }
  func.func @transform_6(%arg0: i32) -> (i32, i32) {
    %c0_i32 = arith.constant 0 : i32
    %c0_i32_0 = arith.constant 0 : i32
    %c0_i32_1 = arith.constant 0 : i32
    return %c0_i32, %c0_i32_0 : i32, i32
  }
  func.func @transform_7(%arg0: i32) -> (i32, i32) {
    %c0_i32 = arith.constant 0 : i32
    %c0_i32_0 = arith.constant 0 : i32
    return %arg0, %c0_i32 : i32, i32
  }
  func.func @transform_8(%arg0: i32) -> (i32, i32) {
    %c0_i32 = arith.constant 0 : i32
    %c0_i32_0 = arith.constant 0 : i32
    return %arg0, %c0_i32 : i32, i32
  }
  func.func @transform_9(%arg0: i32) -> (i32, i32) {
    %c0_i32 = arith.constant 0 : i32
    %c0_i32_0 = arith.constant 0 : i32
    return %arg0, %c0_i32 : i32, i32
  }
}

module attributes {stable_mosaic.version = 14 : i64} {
  func.func @_head_body(%arg0: i32, %arg1: memref<1000x128xf32, #tpu.memory_space<vmem>>, %arg2: memref<1000x128xf32, #tpu.memory_space<vmem>>, %arg3: memref<1000x1xf32, #tpu.memory_space<vmem>>, %arg4: memref<1000x1xf32, #tpu.memory_space<vmem>>, %arg5: memref<1000x256xf32, #tpu.memory_space<vmem>>, %arg6: memref<256x128xf32, #tpu.memory_space<vmem>>, %arg7: memref<1x128xf32, #tpu.memory_space<vmem>>, %arg8: memref<128x64xf32, #tpu.memory_space<vmem>>, %arg9: memref<1x64xf32, #tpu.memory_space<vmem>>, %arg10: memref<1000x64xf32, #tpu.memory_space<vmem>>) attributes {dimension_semantics = [#tpu.dimension_semantics<arbitrary>], iteration_bounds = array<i64: 10>, scalar_prefetch = 0 : i64, scratch_operands = 0 : i64, tpu.core_type = #tpu.core_type<tc>, window_params = [{transform_indices = @transform_0, window_bounds = array<i64: 1000, 128>}, {transform_indices = @transform_1, window_bounds = array<i64: 1000, 128>}, {transform_indices = @transform_2, window_bounds = array<i64: 1000, 1>}, {transform_indices = @transform_3, window_bounds = array<i64: 1000, 1>}, {transform_indices = @transform_4, window_bounds = array<i64: 1000, 256>}, {pipeline_mode = #tpu.pipeline_mode<synchronous>, transform_indices = @transform_5, window_bounds = array<i64: 256, 128>}, {pipeline_mode = #tpu.pipeline_mode<synchronous>, transform_indices = @transform_6, window_bounds = array<i64: 1, 128>}, {pipeline_mode = #tpu.pipeline_mode<synchronous>, transform_indices = @transform_7, window_bounds = array<i64: 128, 64>}, {pipeline_mode = #tpu.pipeline_mode<synchronous>, transform_indices = @transform_8, window_bounds = array<i64: 1, 64>}, {transform_indices = @transform_9, window_bounds = array<i64: 1000, 64>}]} {
    %get3A = arith.constant 0 : index
    %get3A_0 = arith.constant 0 : index
    %get3A_1 = vector.load %arg3[%get3A, %get3A_0] : memref<1000x1xf32, #tpu.memory_space<vmem>>, vector<1000x1xf32>
    %get3A_2 = arith.constant 0 : index
    %get3A_3 = arith.constant 0 : index
    %get3A_4 = vector.load %arg4[%get3A_2, %get3A_3] : memref<1000x1xf32, #tpu.memory_space<vmem>>, vector<1000x1xf32>
    %add3A = arith.addf %get3A_1, %get3A_4 : vector<1000x1xf32>
    %max3A = arith.constant 1.000000e+00 : f32
    %max3A_5 = vector.broadcast %max3A : f32 to vector<1000x1xf32>
    %max3A_6 = arith.maximumf %add3A, %max3A_5 : vector<1000x1xf32>
    %div3A = arith.constant 1.000000e+00 : f32
    %div3A_7 = vector.broadcast %div3A : f32 to vector<1000x1xf32>
    %div3A_8 = arith.divf %div3A_7, %max3A_6 : vector<1000x1xf32>
    %get3A_9 = arith.constant 0 : index
    %get3A_10 = arith.constant 0 : index
    %get3A_11 = vector.load %arg1[%get3A_9, %get3A_10] : memref<1000x128xf32, #tpu.memory_space<vmem>>, vector<1000x128xf32>
    %mul3A = vector.broadcast %div3A_8 : vector<1000x1xf32> to vector<1000x128xf32>
    %mul3A_12 = arith.mulf %get3A_11, %mul3A : vector<1000x128xf32>
    %get3A_13 = arith.constant 0 : index
    %get3A_14 = arith.constant 0 : index
    %get3A_15 = vector.load %arg2[%get3A_13, %get3A_14] : memref<1000x128xf32, #tpu.memory_space<vmem>>, vector<1000x128xf32>
    %mul3A_16 = vector.broadcast %div3A_8 : vector<1000x1xf32> to vector<1000x128xf32>
    %mul3A_17 = arith.mulf %get3A_15, %mul3A_16 : vector<1000x128xf32>
    %concatenate3A = tpu.concatenate %mul3A_12, %mul3A_17 in 1 : vector<1000x128xf32>, vector<1000x128xf32> -> vector<1000x256xf32>
    %get3A_18 = arith.constant 0 : index
    %get3A_19 = arith.constant 0 : index
    %get3A_20 = vector.load %arg5[%get3A_18, %get3A_19] : memref<1000x256xf32, #tpu.memory_space<vmem>>, vector<1000x256xf32>
    %add3A_21 = arith.addf %concatenate3A, %get3A_20 : vector<1000x256xf32>
    %get3A_22 = arith.constant 0 : index
    %get3A_23 = arith.constant 0 : index
    %get3A_24 = vector.load %arg6[%get3A_22, %get3A_23] : memref<256x128xf32, #tpu.memory_space<vmem>>, vector<256x128xf32>
    %dot_general3A = arith.constant dense<0.000000e+00> : vector<1000x128xf32>
    %dot_general3A_25 = tpu.matmul %add3A_21, %get3A_24, %dot_general3A {dimension_numbers = #tpu.dot_dimension_numbers<[1], [0], [0], [1], [0, 0, 1, 1], [], []>, transpose_lhs_hint = false} : vector<1000x256xf32>, vector<256x128xf32>, vector<1000x128xf32> -> vector<1000x128xf32>
    %get3A_26 = arith.constant 0 : index
    %get3A_27 = arith.constant 0 : index
    %get3A_28 = vector.load %arg7[%get3A_26, %get3A_27] : memref<1x128xf32, #tpu.memory_space<vmem>>, vector<1x128xf32>
    %add3A_29 = vector.broadcast %get3A_28 : vector<1x128xf32> to vector<1000x128xf32>
    %add3A_30 = arith.addf %dot_general3A_25, %add3A_29 : vector<1000x128xf32>
    %max3A_31 = arith.constant 0.000000e+00 : f32
    %max3A_32 = vector.broadcast %max3A_31 : f32 to vector<1000x128xf32>
    %max3A_33 = arith.maximumf %add3A_30, %max3A_32 : vector<1000x128xf32>
    %get3A_34 = arith.constant 0 : index
    %get3A_35 = arith.constant 0 : index
    %get3A_36 = vector.load %arg8[%get3A_34, %get3A_35] : memref<128x64xf32, #tpu.memory_space<vmem>>, vector<128x64xf32>
    %dot_general3A_37 = arith.constant dense<0.000000e+00> : vector<1000x64xf32>
    %dot_general3A_38 = tpu.matmul %max3A_33, %get3A_36, %dot_general3A_37 {dimension_numbers = #tpu.dot_dimension_numbers<[1], [0], [0], [1], [0, 0, 1, 1], [], []>, transpose_lhs_hint = false} : vector<1000x128xf32>, vector<128x64xf32>, vector<1000x64xf32> -> vector<1000x64xf32>
    %get3A_39 = arith.constant 0 : index
    %get3A_40 = arith.constant 0 : index
    %get3A_41 = vector.load %arg9[%get3A_39, %get3A_40] : memref<1x64xf32, #tpu.memory_space<vmem>>, vector<1x64xf32>
    %add3A_42 = vector.broadcast %get3A_41 : vector<1x64xf32> to vector<1000x64xf32>
    %add3A_43 = arith.addf %dot_general3A_38, %add3A_42 : vector<1000x64xf32>
    %swap3A = arith.constant 0 : index
    %swap3A_44 = arith.constant 0 : index
    %swap3A_45 = vector.load %arg10[%swap3A, %swap3A_44] : memref<1000x64xf32, #tpu.memory_space<vmem>>, vector<1000x64xf32>
    tpu.vector_store %arg10[%swap3A, %swap3A_44], %add3A_43 {strides = array<i32>} : memref<1000x64xf32, #tpu.memory_space<vmem>>, vector<1000x64xf32>,
    return
  }
  func.func @transform_0(%arg0: i32) -> (i32, i32) {
    %c0_i32 = arith.constant 0 : i32
    %c0_i32_0 = arith.constant 0 : i32
    return %arg0, %c0_i32 : i32, i32
  }
  func.func @transform_1(%arg0: i32) -> (i32, i32) {
    %c0_i32 = arith.constant 0 : i32
    %c0_i32_0 = arith.constant 0 : i32
    return %arg0, %c0_i32 : i32, i32
  }
  func.func @transform_2(%arg0: i32) -> (i32, i32) {
    %c0_i32 = arith.constant 0 : i32
    %c0_i32_0 = arith.constant 0 : i32
    return %arg0, %c0_i32 : i32, i32
  }
  func.func @transform_3(%arg0: i32) -> (i32, i32) {
    %c0_i32 = arith.constant 0 : i32
    %c0_i32_0 = arith.constant 0 : i32
    return %arg0, %c0_i32 : i32, i32
  }
  func.func @transform_4(%arg0: i32) -> (i32, i32) {
    %c0_i32 = arith.constant 0 : i32
    %c0_i32_0 = arith.constant 0 : i32
    return %arg0, %c0_i32 : i32, i32
  }
  func.func @transform_5(%arg0: i32) -> (i32, i32) {
    %c0_i32 = arith.constant 0 : i32
    %c0_i32_0 = arith.constant 0 : i32
    %c0_i32_1 = arith.constant 0 : i32
    return %c0_i32, %c0_i32_0 : i32, i32
  }
  func.func @transform_6(%arg0: i32) -> (i32, i32) {
    %c0_i32 = arith.constant 0 : i32
    %c0_i32_0 = arith.constant 0 : i32
    %c0_i32_1 = arith.constant 0 : i32
    return %c0_i32, %c0_i32_0 : i32, i32
  }
  func.func @transform_7(%arg0: i32) -> (i32, i32) {
    %c0_i32 = arith.constant 0 : i32
    %c0_i32_0 = arith.constant 0 : i32
    %c0_i32_1 = arith.constant 0 : i32
    return %c0_i32, %c0_i32_0 : i32, i32
  }
  func.func @transform_8(%arg0: i32) -> (i32, i32) {
    %c0_i32 = arith.constant 0 : i32
    %c0_i32_0 = arith.constant 0 : i32
    %c0_i32_1 = arith.constant 0 : i32
    return %c0_i32, %c0_i32_0 : i32, i32
  }
  func.func @transform_9(%arg0: i32) -> (i32, i32) {
    %c0_i32 = arith.constant 0 : i32
    %c0_i32_0 = arith.constant 0 : i32
    return %arg0, %c0_i32 : i32, i32
  }
}

</mosaic_0001>

<sc_bundles>
// kernel: kernel.10.cloned.1.call-start
scs
__scs_entry_jumppad:
0x0: {  	(pc) =	sbr.rel $0x88, $3  }
0x1: {  	(tag) =	ssettag $0x0;
	lr =	simm.s32 $0x1  }
0x2: {  	[smem:$0x3F95] =	sst lr;
	_ =	strace $0xD0000000  }
0x3: {  	_ = 	snop  }
0x4: {  	_ = 	snop  }
0x5: {  	_ = 	snop  }
0x6: {  	_ = 	snop  }
0x7: {  	_ = 	snop  }
__scs_overlays_trampoline_lowered:
0x8: {  	[smem:$0x3FA4] =	sst s0  }
0x9: {  	[smem:$0x3FA5] =	sst s1  }
0xa: {  	[smem:$0x3FA6] =	sst s2  }
0xb: {  	[smem:$0x3FA7] =	sst s3  }
0xc: {  	[smem:$0x3FA8] =	sst s4  }
0xd: {  	[smem:$0x3FA9] =	sst s5  }
0xe: {  	[smem:$0x3FAA] =	sst s6  }
0xf: {  	[smem:$0x3FAB] =	sst s7  }
0x10: {  	[smem:$0x3FAC] =	sst s8  }
0x11: {  	[smem:$0x3FAD] =	sst s9;
	s0 =	simm.s32 @!p0 $0x0  }
0x12: {  	s1 =	sld [smem:$0x3F93];
	s0 =	simm.s32 @p0 $0x1  }
0x13: {  	[smem:$0x3FAE] =	sst s0;
	s0 =	simm.s32 @!p1 $0x0  }
0x14: {  	s2 =	sld [smem:$0x3F92];
	s0 =	simm.s32 @p1 $0x1  }
0x15: {  	[smem:$0x3FAF] =	sst s0;
	s0 =	simm.s32 @!p2 $0x0  }
0x16: {  	s3 =	sld [smem:$0x3FDB];
	s0 =	simm.s32 @p2 $0x1  }
0x17: {  	s4 =	simm.s32 $0x1BF5;
	[smem:$0x3FB1] =	sst s0  }
0x18: {  	s0 =	sld [smem:$0x3F94];
	_ =	swait.ge [sflag:s4], $0x0  }
0x19: {  	s7 =	sld [smem:$0x3F95]  }
0x1a: {  	s8 =	sadd.s32 $0xFFFFE003, lr  }
0x1b: {  	s9 =	sadd.s32 $0xFFFFFEF7, lr;
	s5 =	simm.s32 $0xFFFFFFFF;
	p2 =	slt.u32 s8, $0xFFFFF086  }
0x1c: {  	p1 =	slt.u32 s9, $0xF7A;
	s5 =	simm.s32 @!p2 $0x0  }
0x1d: {  	s5 =	simm.s32 @p1 $0x1;
	p0 =	seq.s32 s7, s2  }
0x1e: {  	s7 =	smul.u32 @!p0 $0xF7A, s2;
	p2 =	seq.s32 @!p0 s5, $0x0  }
0x1f: {  	s9 =	smul.u32 $0xF7A, s1;
	s8 =	simm.s32 @!p0 $0x1BF5;
	p2 =	por !p2, p0  }
0x20: {  	[sflag:s8] =	ssyncset.s32 @!p0 $0xFFFFF086;
	s6 =	sadd.s32 @!p0 s3, s7;
	s7 =	simm.s32 @!p0 $0x108  }
0x21: {  	s3 =	sadd.s32 s3, s9;
	s6 =	sadd.s32 @!p0 $0x88, s6;
	s7 =	simm.s32 @p2 $0x1082  }
0x22: {  	[simem:s7], [sflag:s8] =	dma.local @!p0 [hbm:s6], $0xF7A  }
0x23: {  	s9 =	sor.u32 $0xD0000000, s2;
	s6 =	simm.s32 $0x108;
	_ =	swait.ge @!p0 [sflag:s8], $0x0  }
0x24: {  	s3 =	sadd.s32 $0x88, s3;
	s6 =	simm.s32 @!p1 $0x1082;
	[sflag:s4] =	ssyncset.s32 $0xFFFFF086  }
0x25: {  	[simem:s6], [sflag:s4] =	dma.local [hbm:s3], $0xF7A  }
0x26: {  	[smem:$0x3F95] =	sst s1;
	(tag) =	ssettag s2;
	_ =	strace s9  }
0x27: {  	s1 =	sld [smem:$0x3FA5]  }
0x28: {  	s2 =	sld [smem:$0x3FA6]  }
0x29: {  	s4 =	sld [smem:$0x3FA8]  }
0x2a: {  	p0 =	seq.s32 s5, $0x0;
	s5 =	sld [smem:$0x3FA9]  }
0x2b: {  	s6 =	sld [smem:$0x3FAA]  }
0x2c: {  	s7 =	sld [smem:$0x3FAB]  }
0x2d: {  	s3 =	simm.s32 $0x108;
	s8 =	sld [smem:$0x3FAC]  }
0x2e: {  	s3 =	simm.s32 @!p0 $0x1082;
	s9 =	sld [smem:$0x3FAD]  }
0x2f: {  	lr =	sadd.s32 s0, s3;
	s0 =	sld [smem:$0x3FA4]  }
0x30: {  	s3 =	sld [smem:$0x3FA7]  }
0x31: {  	[smem:$0x3FB0] =	sst s10  }
0x32: {  	s10 =	sld [smem:$0x3FAE];
	_ =	sdelay $0x3  }
0x33: {  	p0 =	seq.s32 s10, $0x1;
	s10 =	sld [smem:$0x3FB0];
	_ =	sdelay $0x3  }
0x34: {  	[smem:$0x3FB0] =	sst s10  }
0x35: {  	s10 =	sld [smem:$0x3FAF];
	_ =	sdelay $0x3  }
0x36: {  	p1 =	seq.s32 s10, $0x1;
	s10 =	sld [smem:$0x3FB0];
	_ =	sdelay $0x3  }
0x37: {  	[smem:$0x3FB0] =	sst s10  }
0x38: {  	s10 =	sld [smem:$0x3FB1]  }
0x39: {  	_ = 	snop;
	(pc) =	sbr.ind lr, $3  }
0x3a: {  	_ = 	snop  }
0x3b: {  	_ = 	snop  }
0x3c: {  	p2 =	seq.s32 s10, $0x1;
	s10 =	sld [smem:$0x3FB0]  }
0x3d: {  	_ =	shalt  }
0x3e: {  	_ =	shalt  }
0x3f: {  	_ =	shalt  }
0x40: {  	_ =	shalt  }
0x41: {  	_ =	shalt  }
0x42: {  	_ =	shalt  }
0x43: {  	_ =	shalt  }
0x44: {  	_ =	shalt  }
0x45: {  	_ =	shalt  }
0x46: {  	_ =	shalt  }
0x47: {  	_ =	shalt  }
0x48: {  	_ =	shalt  }
0x49: {  	_ =	shalt  }
0x4a: {  	_ =	shalt  }
0x4b: {  	_ =	shalt  }
0x4c: {  	_ =	shalt  }
0x4d: {  	_ =	shalt  }
0x4e: {  	_ =	shalt  }
0x4f: {  	_ =	shalt  }
0x50: {  	_ =	shalt  }
0x51: {  	_ =	shalt  }
0x52: {  	_ =	shalt  }
0x53: {  	_ =	shalt  }
0x54: {  	_ =	shalt  }
0x55: {  	_ =	shalt  }
0x56: {  	_ =	shalt  }
0x57: {  	_ =	shalt  }
0x58: {  	_ =	shalt  }
0x59: {  	_ =	shalt  }
0x5a: {  	_ =	shalt  }
0x5b: {  	_ =	shalt  }
0x5c: {  	_ =	shalt  }
0x5d: {  	_ =	shalt  }
0x5e: {  	_ =	shalt  }
0x5f: {  	_ =	shalt  }
0x60: {  	_ =	shalt  }
0x61: {  	_ =	shalt  }
0x62: {  	_ =	shalt  }
0x63: {  	_ =	shalt  }
0x64: {  	_ =	shalt  }
0x65: {  	_ =	shalt  }
0x66: {  	_ =	shalt  }
0x67: {  	_ =	shalt  }
0x68: {  	_ =	shalt  }
0x69: {  	_ =	shalt  }
0x6a: {  	_ =	shalt  }
0x6b: {  	_ =	shalt  }
0x6c: {  	_ =	shalt  }
0x6d: {  	_ =	shalt  }
0x6e: {  	_ =	shalt  }
0x6f: {  	_ =	shalt  }
0x70: {  	_ =	shalt  }
0x71: {  	_ =	shalt  }
0x72: {  	_ =	shalt  }
0x73: {  	_ =	shalt  }
0x74: {  	_ =	shalt  }
0x75: {  	_ =	shalt  }
0x76: {  	_ =	shalt  }
0x77: {  	_ =	shalt  }
0x78: {  	_ =	shalt  }
0x79: {  	_ =	shalt  }
0x7a: {  	_ =	shalt  }
0x7b: {  	_ =	shalt  }
0x7c: {  	_ =	shalt  }
0x7d: {  	_ =	shalt  }
0x7e: {  	_ =	shalt  }
0x7f: {  	_ =	shalt  }
0x80: {  	_ =	shalt  }
0x81: {  	_ =	shalt  }
0x82: {  	_ =	shalt  }
0x83: {  	_ =	shalt  }
0x84: {  	_ =	shalt  }
0x85: {  	_ =	shalt  }
0x86: {  	_ =	shalt  }
0x87: {  	_ =	shalt  }
.Lfunc_end0:
.L_simem_size_0:
called_computation.1_lowered:
.L_overlay_start_0:
0x88: {  	s2 =	sld [smem:$0x3FD9]  }
0x89: {  	s3 =	sld [smem:$0x3FFE];
	_ =	sdelay $0x1  }
0x8a: {  	s1 =	srdreg.scid  }
0x8b: {  	s0 =	sand.u32 $0x1, s1  }
0x8c: {  	s17 =	sshll.u32 s0, $0xA;
	s2 =	sadd.s32 s3, s2  }
0x8d: {  	s2 =	sadd.s32 s2, s17  }
0x8e: {  	[smem:$0x3FBC] =	sst s2  }
0x8f: {  	_ = 	snop  }
0x90: {  	s2 =	sld [smem:$0x3FD0];
	(tm) =	ssettm $0x1  }
0x91: {  	s18 =	sld [smem:$0x3FFB];
	_ =	sdelay $0x3  }
0x92: {  	_ =	strace s18  }
0x93: {  	s3 =	sld [smem:$0x3FFC];
	_ =	sdelay $0x3  }
0x94: {  	_ =	strace s3  }
0x95: {  	s3 =	sld [smem:$0x3FFD];
	_ =	sdelay $0x3  }
0x96: {  	_ =	strace s3  }
0x97: {  	_ =	strace $0x8FFFFFFF  }
0x98: {  	s19 =	sld [smem:$0x3FDB];
	_ =	sdelay $0x1  }
0x99: {  	s4 =	simm.s32 $_scs_section_size  }
0x9a: {  	s5 =	simm.s32 $_size__tile_overlayer_lowered;
	s6 =	simm.s32 $_tile_overlayer_lowered  }
0x9b: {  	s22 =	simm.s32 $0x1BFF;
	s21 =	sshll.u32 s6, $0x1;
	s3 =	sadd.s32 s4, s19  }
0x9c: {  	s7 =	simm.s32 $0x0;
	s20 =	sshll.u32 s5, $0x1;
	s5 =	sadd.s32 s21, s3  }
0x9d: {  	[timem:s7], [sflag:s22] =	dma.local [hbm:s5], s20  }
0x9e: {  	_ =	swait.ge [sflag:s22], s20  }
0x9f: {  	s4 =	ssub.s32 $0x0, s20;
	[sflag:s22] =	ssyncset.done $0x0  }
0xa0: {  	[sflag:s22] =	ssyncadd.s32 s4;
	_ =	sdelay $0x1  }
0xa1: {  	s23 =	simm.s32 $0x1B8B  }
0xa2: {  	_ =	swait.ge [sflag:s23], $0x1  }
0xa3: {  	[sflag:s23] =	ssyncset.done $0x0  }
0xa4: {  	s25 =	simm.s32 $0x1B8E;
	s24 =	sld [smem:$0x3FFE];
	[sflag:s23] =	ssyncadd.s32 $0xFFFFFFFF  }
0xa5: {  	s26 =	simm.s32 $execute0_lowered;
	[smem:$0x3FD2] =	sst s25  }
0xa6: {  	s5 =	sshll.u32 s26, $0x1;
	_ =	strace $0x80000049;
	[dreg:$0x1] =	wrdreg $0xFFFFFFFF  }
0xa7: {  	s28 =	simm.s32 $_size_execute0_lowered;
	s3 =	sadd.s32 s3, s5;
	[dreg:$0x0] =	wrdreg $0x0  }
0xa8: {  	s5 =	sshll.u32 s28, $0x1;
	[dreg:$0x2] =	wrdreg s3  }
0xa9: {  	[dreg:$0x3] =	wrdreg s5  }
0xaa: {  	[dreg:$0x4] =	wrdreg $0xC0  }
0xab: {  	_ =	task [dreg:s7], $0x5FFFF  }
0xac: {  	[dreg:$0x1] =	wrdreg $0xFFFFFFFF  }
0xad: {  	[dreg:$0x0] =	wrdreg $0x60  }
0xae: {  	[dreg:$0x2] =	wrdreg s24  }
0xaf: {  	[dreg:$0x3] =	wrdreg s2  }
0xb0: {  	[dreg:$0x4] =	wrdreg $0xA0000  }
0xb1: {  	[dreg:$0x5] =	wrdreg $0x9  }
0xb2: {  	_ =	task.clear_ibuf [dreg:s7], $0x6FFFF;
	_ =	strace $0x90000049  }
0xb3: {  	s29 =	simm.s32 $0x9;
	_ =	strace $0x8000004B  }
0xb4: {  	_ =	swait.ge [sflag:s29], $0x1  }
0xb5: {  	[sflag:s29] =	ssyncadd.s32 $0xFFFFFFFF  }
0xb6: {  	_ =	strace $0x9000004B  }
0xb7: {  	_ =	sfence  }
0xb8: {  	s30 =	sld [smem:$0x0];
	_ =	sdelay $0x2  }
0xb9: {  	s31 =	sshll.u32 s1, $0xD;
	s1 =	sshrl.u32 s1, $0x2  }
0xba: {  	s3 =	sand.u32 $0x4000, s31;
	s1 =	sadd.s32 s1, s30  }
0xbb: {  	s0 =	sor.u32 s3, s0;
	s1 =	sshll.u32 s1, $0x11  }
0xbc: {  	s0 =	sor.u32 s1, s0  }
0xbd: {  	s0 =	sadd.s32 $0x8F2B, s0  }
0xbe: {  	[sflag:s0] =	ssyncadd.remote.s32 $0x1  }
0xbf: {  	_ =	sfence.sel $0xFFFF  }
0xc0: {  	[dreg:$0x0] =	wrdreg $0xFFFFFFFF;
	(pc) =	sbr.abs _section_cstart, $3  }
0xc1: {  	[dreg:$0x1] =	wrdreg $0xFFFFFFFF  }
0xc2: {  	_ =	task.clear_ibuf [dreg:s7], $0x2FFFF;
	_ =	strace $0x9FFFFFFF  }
0xc3: {  	(tm) =	ssettm $0x7FFFFFFF  }
tec
execute0_lowered:
.L_overlay_start_1:
0x0: {  	(tag) =	ssettag $0x1  }
0x1: {  	s0 =	rddreg [dreg:$0x0]  }
0x2: {  	s1 =	rddreg [dreg:$0x1]  }
0x3: {  	s3 =	rddreg [dreg:$0x2];
	s4 =	simm.s32 $0x0  }
0x4: {  	s13 =	stileid.u32;
	s6 =	srdreg.scid;
	s19 =	simm.s32 $0x5  }
0x5: {  	s28 =	simm.s32 $0x180;
	s29 =	simm.s32 $0x8000;
	s30 =	simm.s32 $0x1  }
0x6: {  	s31 =	simm.s32 $0x2;
	s15 =	simm.s32 $0x1F00;
	s16 =	simm.s32 $0x1F80  }
0x7: {  	[smem:$0x7FF] =	sst s4;
	s2 =	smul.u32 $0x2800, s13;
	s5 =	sadd.s32 $0x5BC00, s0  }
0x8: {  	s8 =	sand.u32 $0x1, s6;
	s9 =	smul.u32 $0x50000, s13;
	s6 =	sadd.s32 $0x120000, s0  }
0x9: {  	s7 =	sadd.s32 $0x3800, s0;
	s20 =	sshll.u32 s13, $0x6;
	s12 =	smul.u32 $0x5000, s13  }
0xa: {  	s23 =	sadd.s32 $0x12C000, s3;
	s24 =	sadd.s32 $0x193C00, s0;
	p1 =	seq.s32 s13, $0xF  }
0xb: {  	_ =	strace $0x8000004A;
	s10 =	ssub.s32 $0x2, s8;
	[dreg:$0x7] =	wrdreg s23  }
0xc: {  	[dreg:$0x8] =	wrdreg s24;
	p0 =	sne.s32 s8, $0x0;
	s23 =	simm.s32 $0x80  }
0xd: {  	s24 =	simm.s32 $0x4000;
	s2 =	sadd.s32 s2, s0;
	s11 =	sshrl.u32 s10, $0x1  }
0xe: {  	s9 =	sshrl.u32 s9, $0x2;
	s0 =	sadd.s32 $0x16CA00, s0;
	s11 =	ssub.s32 s10, s11  }
0xf: {  	s14 =	sadd.s32 s9, s3;
	s21 =	sadd.s32 $0xA9E00, s2;
	[dreg:$0xa] =	wrdreg s0  }
0x10: {  	s10 =	sor.u32 $0x1C05, s20;
	s22 =	sadd.s32 $0x16E400, s2;
	[dreg:$0x5] =	wrdreg s21  }
0x11: {  	s2 =	sadd.s32 $0x147200, s2;
	s20 =	simm.s32 $0x1000;
	[dreg:$0x6] =	wrdreg s22  }
.Ltmp0:
0x12: {  	s0 =	simm.s32 $0x3;
	[dreg:$0x9] =	wrdreg s2;
	(pc) =	sbr.rel .LBB2_1-.Ltmp0, $4  }
0x13: {  	s25 =	smax.u32 s11, $0x1;
	[dreg:$0x4] =	wrdreg s14;
	s26 =	sshrl.u32 s14, $0x3  }
0x14: {  	s21 =	simm.s32 $0x40;
	s22 =	simm.s32 $0x2000;
	s2 =	simm.s32 $0x4  }
0x15: {  	s11 =	simm.s32 $0x1E00;
	s14 =	simm.s32 $0x1E80;
	[dreg:$0xb] =	wrdreg s25  }
0x16: {  	[dreg:$0xc] =	wrdreg s26;
	s25 =	simm.s32 $0x100;
	s26 =	simm.s32 $0x6000  }
.LBB2_10:
0x17: {  	s4 =	sadd.s32 $0x1, s4;
	s8 =	rddreg [dreg:$0xb]  }
0x18: {  	p2 =	sne.s32 s4, s8  }
.Ltmp1:
0x19: {  	_ = 	snop;
	(pc) =	sbr.rel @!p2 .LBB2_11-.Ltmp1, $1  }
0x1a: {  	_ =	sdelay $0x3  }
.LBB2_1:
0x1b: {  	s8 =	rddreg [dreg:$0x5]  }
0x1c: {  	s9 =	rddreg [dreg:$0xc]  }
0x1d: {  	[spmem:s9], [sflag:s10] =	dma.local [hbm:s8], $0x2800  }
0x1e: {  	_ =	swait.ge [sflag:s19], $0x2800  }
0x1f: {  	[sflag:s19] =	ssyncset.done $0x0  }
0x20: {  	[sflag:s19] =	ssyncadd.s32 $0xFFFFD800  }
.Ltmp2:
0x21: {  	[bflag:$0x0] =	sbarrier.arrive $0xFFFF;
	(pc) =	sbr.rel @p0 .LBB2_6-.Ltmp2, $4  }
0x22: {  	s8 =	rddreg [dreg:$0x7]  }
0x23: {  	s13 =	sshrl.u32 @p1 s8, $0x3;
	s8 =	rddreg [dreg:$0x4]  }
0x24: {  	s8 =	sshrl.u32 @!p1 s8, $0x3  }
0x25: {  	s17 =	simm.s32 $0x0;
	s18 =	simm.s32 $0x0;
	[dreg:$0xd] =	wrdreg s8  }
.LBB2_2:
0x26: {  	s8 =	sshll.u32 s17, $0xC  }
0x27: {  	s8 =	sadd.s32 s12, s8  }
0x28: {  	s8 =	sshrl.u32 s8, $0x3  }
0x29: {  	s9 =	simm.s32 $0x0;
	s18 =	sadd.s32 s1, s8  }
0x2a: {  	[tilespmem:s9], [sflag:$0x5] =	stream.linear.gather [hbm4b:s18+s9], $0x1000, $0x38;
	[tilespmem:$0x1E000] =	vst v63  }
0x2b: {  	_ =	swait.ge [sflag:s19], $0x1000  }
0x2c: {  	[sflag:s19] =	ssyncset.done $0x0  }
0x2d: {  	s8 =	sadd.s32 s7, s8;
	[sflag:s19] =	ssyncadd.s32 $0xFFFFF000  }
0x2e: {  	[tilespmem:s20], [sflag:$0x5] =	stream.linear.gather [hbm4b:s8+s9], $0x1000, $0x38;
	[tilespmem:$0x1E000] =	vst v63  }
0x2f: {  	_ =	swait.ge [sflag:s19], $0x1000  }
0x30: {  	[sflag:s19] =	ssyncset.done $0x0  }
0x31: {  	[sflag:s19] =	ssyncadd.s32 $0xFFFFF000  }
0x32: {  	[tilespmem:s22], [sflag:$0x1] =	stream.indirect.gather [hbm4b:s5+s21], $0x80, s9, s21, $0xb8;
	[tilespmem:$0x1E000] =	vst v63  }
0x33: {  	_ = 	snop  }
0x34: {  	[tilespmem:s24], [sflag:$0x2] =	stream.indirect.gather [hbm4b:s5+s21], $0x80, s23, s21, $0xb8;
	[tilespmem:$0x1E000] =	vst v63  }
0x35: {  	_ = 	snop  }
0x36: {  	[tilespmem:s26], [sflag:$0x3] =	stream.indirect.gather [hbm4b:s5+s21], $0x80, s25, s21, $0xb8;
	[tilespmem:$0x1E000] =	vst v63  }
0x37: {  	_ = 	snop  }
0x38: {  	[tilespmem:s29], [sflag:$0x4] =	stream.indirect.gather [hbm4b:s5+s21], $0x80, s28, s21, $0xb8;
	[tilespmem:$0x1E000] =	vst v63  }
0x39: {  	_ =	swait.ge [sflag:s30], $0x2000  }
0x3a: {  	[sflag:s30] =	ssyncset.done $0x0  }
0x3b: {  	s18 =	simm.s32 $0x1000;
	[sflag:s30] =	ssyncadd.s32 $0xFFFFE000  }
0x3c: {  	[spmem:s3] =	stream.indirect.scatter.add.f32 [tilespmem:s22], [sflag:$0x5], $0x80, s18, s21, $0xb8;
	[tilespmem:$0x1E000] =	vst v63  }
0x3d: {  	_ =	swait.ge [sflag:s19], $0x2000  }
0x3e: {  	[sflag:s19] =	ssyncset.done $0x0  }
0x3f: {  	s9 =	simm.s32 $0x200;
	[sflag:s19] =	ssyncadd.s32 $0xFFFFE000  }
0x40: {  	[tilespmem:s22], [sflag:$0x1] =	stream.indirect.gather [hbm4b:s5+s21], $0x80, s9, s21, $0xb8;
	[tilespmem:$0x1E000] =	vst v63  }
0x41: {  	_ =	swait.ge [sflag:s31], $0x2000  }
0x42: {  	[sflag:s31] =	ssyncset.done $0x0  }
0x43: {  	s18 =	simm.s32 $0x1080;
	[sflag:s31] =	ssyncadd.s32 $0xFFFFE000  }
0x44: {  	[spmem:s3] =	stream.indirect.scatter.add.f32 [tilespmem:s24], [sflag:$0x5], $0x80, s18, s21, $0xb8;
	[tilespmem:$0x1E000] =	vst v63  }
0x45: {  	_ =	swait.ge [sflag:s19], $0x2000  }
0x46: {  	[sflag:s19] =	ssyncset.done $0x0  }
0x47: {  	s9 =	simm.s32 $0x280;
	[sflag:s19] =	ssyncadd.s32 $0xFFFFE000  }
0x48: {  	[tilespmem:s24], [sflag:$0x2] =	stream.indirect.gather [hbm4b:s5+s21], $0x80, s9, s21, $0xb8;
	[tilespmem:$0x1E000] =	vst v63  }
0x49: {  	_ =	swait.ge [sflag:s0], $0x2000  }
0x4a: {  	[sflag:s0] =	ssyncset.done $0x0  }
0x4b: {  	s18 =	simm.s32 $0x1100;
	[sflag:s0] =	ssyncadd.s32 $0xFFFFE000  }
0x4c: {  	[spmem:s3] =	stream.indirect.scatter.add.f32 [tilespmem:s26], [sflag:$0x5], $0x80, s18, s21, $0xb8;
	[tilespmem:$0x1E000] =	vst v63  }
0x4d: {  	_ =	swait.ge [sflag:s19], $0x2000  }
0x4e: {  	[sflag:s19] =	ssyncset.done $0x0  }
0x4f: {  	s9 =	simm.s32 $0x300;
	[sflag:s19] =	ssyncadd.s32 $0xFFFFE000  }
0x50: {  	[tilespmem:s26], [sflag:$0x3] =	stream.indirect.gather [hbm4b:s5+s21], $0x80, s9, s21, $0xb8;
	[tilespmem:$0x1E000] =	vst v63  }
0x51: {  	_ =	swait.ge [sflag:s2], $0x2000  }
0x52: {  	[sflag:s2] =	ssyncset.done $0x0  }
0x53: {  	s18 =	simm.s32 $0x1180;
	[sflag:s2] =	ssyncadd.s32 $0xFFFFE000  }
0x54: {  	[spmem:s3] =	stream.indirect.scatter.add.f32 [tilespmem:s29], [sflag:$0x5], $0x80, s18, s21, $0xb8;
	[tilespmem:$0x1E000] =	vst v63  }
0x55: {  	_ =	swait.ge [sflag:s19], $0x2000  }
0x56: {  	[sflag:s19] =	ssyncset.done $0x0  }
0x57: {  	s8 =	simm.s32 $0x380;
	s18 =	simm.s32 $0x800;
	[sflag:s19] =	ssyncadd.s32 $0xFFFFE000  }
.LBB2_3:
0x58: {  	[tilespmem:s29], [sflag:$0x4] =	stream.indirect.gather [hbm4b:s5+s21], $0x80, s8, s21, $0xb8;
	[tilespmem:$0x1E000] =	vst v63  }
0x59: {  	s8 =	smov.u32 s18  }
0x5a: {  	p2 =	sne.s32 s18, $0x3000;
	s18 =	sadd.s32 $0x800, s18;
	_ =	swait.ge [sflag:s30], $0x2000  }
0x5b: {  	s8 =	sshra.s32 s8, $0x2;
	[sflag:s30] =	ssyncset.done $0x0  }
0x5c: {  	s9 =	sadd.s32 $0x1000, s8;
	[sflag:s30] =	ssyncadd.s32 $0xFFFFE000  }
0x5d: {  	[spmem:s3] =	stream.indirect.scatter.add.f32 [tilespmem:s22], [sflag:$0x5], $0x80, s9, s21, $0xb8;
	[tilespmem:$0x1E000] =	vst v63  }
0x5e: {  	_ =	swait.ge [sflag:s19], $0x2000  }
0x5f: {  	[sflag:s19] =	ssyncset.done $0x0  }
0x60: {  	s9 =	sadd.s32 $0x200, s8;
	[sflag:s19] =	ssyncadd.s32 $0xFFFFE000  }
0x61: {  	[tilespmem:s22], [sflag:$0x1] =	stream.indirect.gather [hbm4b:s5+s21], $0x80, s9, s21, $0xb8;
	[tilespmem:$0x1E000] =	vst v63  }
0x62: {  	_ =	swait.ge [sflag:s31], $0x2000  }
0x63: {  	[sflag:s31] =	ssyncset.done $0x0  }
0x64: {  	s9 =	sadd.s32 $0x1080, s8;
	[sflag:s31] =	ssyncadd.s32 $0xFFFFE000  }
0x65: {  	[spmem:s3] =	stream.indirect.scatter.add.f32 [tilespmem:s24], [sflag:$0x5], $0x80, s9, s21, $0xb8;
	[tilespmem:$0x1E000] =	vst v63  }
0x66: {  	_ =	swait.ge [sflag:s19], $0x2000  }
0x67: {  	[sflag:s19] =	ssyncset.done $0x0  }
0x68: {  	s9 =	sadd.s32 $0x280, s8;
	[sflag:s19] =	ssyncadd.s32 $0xFFFFE000  }
0x69: {  	[tilespmem:s24], [sflag:$0x2] =	stream.indirect.gather [hbm4b:s5+s21], $0x80, s9, s21, $0xb8;
	[tilespmem:$0x1E000] =	vst v63  }
0x6a: {  	_ =	swait.ge [sflag:s0], $0x2000  }
0x6b: {  	[sflag:s0] =	ssyncset.done $0x0  }
0x6c: {  	s9 =	sadd.s32 $0x1100, s8;
	[sflag:s0] =	ssyncadd.s32 $0xFFFFE000  }
0x6d: {  	[spmem:s3] =	stream.indirect.scatter.add.f32 [tilespmem:s26], [sflag:$0x5], $0x80, s9, s21, $0xb8;
	[tilespmem:$0x1E000] =	vst v63  }
0x6e: {  	_ =	swait.ge [sflag:s19], $0x2000  }
0x6f: {  	[sflag:s19] =	ssyncset.done $0x0  }
0x70: {  	s9 =	sadd.s32 $0x300, s8;
	[sflag:s19] =	ssyncadd.s32 $0xFFFFE000  }
0x71: {  	[tilespmem:s26], [sflag:$0x3] =	stream.indirect.gather [hbm4b:s5+s21], $0x80, s9, s21, $0xb8;
	[tilespmem:$0x1E000] =	vst v63  }
0x72: {  	_ =	swait.ge [sflag:s2], $0x2000  }
0x73: {  	[sflag:s2] =	ssyncset.done $0x0  }
.Ltmp3:
0x74: {  	s9 =	sadd.s32 $0x1180, s8;
	[sflag:s2] =	ssyncadd.s32 $0xFFFFE000;
	(pc) =	sbr.rel @p2 .LBB2_3-.Ltmp3, $4  }
0x75: {  	[spmem:s3] =	stream.indirect.scatter.add.f32 [tilespmem:s29], [sflag:$0x5], $0x80, s9, s21, $0xb8;
	[tilespmem:$0x1E000] =	vst v63  }
0x76: {  	_ =	swait.ge [sflag:s19], $0x2000  }
0x77: {  	[sflag:s19] =	ssyncset.done $0x0  }
0x78: {  	s8 =	sadd.s32 $0x380, s8;
	[sflag:s19] =	ssyncadd.s32 $0xFFFFE000  }
0x79: {  	[tilespmem:s29], [sflag:$0x4] =	stream.indirect.gather [hbm4b:s5+s21], $0x80, s8, s21, $0xb8;
	[tilespmem:$0x1E000] =	vst v63  }
0x7a: {  	_ =	swait.ge [sflag:s30], $0x2000  }
0x7b: {  	[sflag:s30] =	ssyncset.done $0x0  }
0x7c: {  	[sflag:s30] =	ssyncadd.s32 $0xFFFFE000  }
0x7d: {  	[spmem:s3] =	stream.indirect.scatter.add.f32 [tilespmem:s22], [sflag:$0x5], $0x80, s11, s21, $0xb8;
	[tilespmem:$0x1E000] =	vst v63  }
0x7e: {  	_ =	swait.ge [sflag:s19], $0x2000  }
0x7f: {  	[sflag:s19] =	ssyncset.done $0x0  }
0x80: {  	[sflag:s19] =	ssyncadd.s32 $0xFFFFE000  }
0x81: {  	_ =	swait.ge [sflag:s31], $0x2000  }
0x82: {  	[sflag:s31] =	ssyncset.done $0x0  }
0x83: {  	[sflag:s31] =	ssyncadd.s32 $0xFFFFE000  }
0x84: {  	[spmem:s3] =	stream.indirect.scatter.add.f32 [tilespmem:s24], [sflag:$0x5], $0x80, s14, s21, $0xb8;
	[tilespmem:$0x1E000] =	vst v63  }
0x85: {  	_ =	swait.ge [sflag:s19], $0x2000  }
0x86: {  	[sflag:s19] =	ssyncset.done $0x0  }
0x87: {  	[sflag:s19] =	ssyncadd.s32 $0xFFFFE000  }
0x88: {  	_ =	swait.ge [sflag:s0], $0x2000  }
0x89: {  	[sflag:s0] =	ssyncset.done $0x0  }
0x8a: {  	[sflag:s0] =	ssyncadd.s32 $0xFFFFE000  }
0x8b: {  	[spmem:s3] =	stream.indirect.scatter.add.f32 [tilespmem:s26], [sflag:$0x5], $0x80, s15, s21, $0xb8;
	[tilespmem:$0x1E000] =	vst v63  }
0x8c: {  	_ =	swait.ge [sflag:s19], $0x2000  }
0x8d: {  	[sflag:s19] =	ssyncset.done $0x0  }
0x8e: {  	[sflag:s19] =	ssyncadd.s32 $0xFFFFE000  }
0x8f: {  	s17 =	sadd.s32 $0x1, s17;
	_ =	swait.ge [sflag:s2], $0x2000  }
0x90: {  	p2 =	sne.s32 s17, $0x5;
	[sflag:s2] =	ssyncset.done $0x0  }
.Ltmp4:
0x91: {  	[sflag:s2] =	ssyncadd.s32 $0xFFFFE000;
	(pc) =	sbr.rel @p2 .LBB2_2-.Ltmp4, $4  }
0x92: {  	[spmem:s3] =	stream.indirect.scatter.add.f32 [tilespmem:s29], [sflag:$0x5], $0x80, s16, s21, $0xb8;
	[tilespmem:$0x1E000] =	vst v63  }
0x93: {  	_ =	swait.ge [sflag:s19], $0x2000  }
0x94: {  	[sflag:s19] =	ssyncset.done $0x0  }
0x95: {  	[sflag:s19] =	ssyncadd.s32 $0xFFFFE000  }
0x96: {  	[bflag:$0x0] =	sbarrier.arrive $0xFFFF  }
0x97: {  	s8 =	rddreg [dreg:$0xa]  }
0x98: {  	[hbm:s8], [sflag:s10] =	dma.local @p1 [spmem:s13], $0x1900  }
0x99: {  	s8 =	simm.s32 @p1 $0x5  }
0x9a: {  	_ =	swait.ge @p1 [sflag:s8], $0x1900  }
0x9b: {  	[sflag:s8] =	ssyncset.done @p1 $0x0;
	s9 =	rddreg [dreg:$0xd]  }
0x9c: {  	[sflag:s8] =	ssyncadd.s32 @p1 $0xFFFFE700;
	s8 =	rddreg [dreg:$0x9]  }
0x9d: {  	[hbm:s8], [sflag:s10] =	dma.local @!p1 [spmem:s9], $0x2800  }
.Ltmp5:
0x9e: {  	_ = 	snop;
	(pc) =	sbr.rel .LBB2_10-.Ltmp5, $4  }
0x9f: {  	s8 =	simm.s32 @!p1 $0x5  }
0xa0: {  	_ =	swait.ge @!p1 [sflag:s8], $0x2800  }
0xa1: {  	[sflag:s8] =	ssyncset.done @!p1 $0x0  }
0xa2: {  	[sflag:s8] =	ssyncadd.s32 @!p1 $0xFFFFD800  }
.LBB2_6:
0xa3: {  	s8 =	sshll.u32 s18, $0xC  }
0xa4: {  	s8 =	sadd.s32 s12, s8  }
0xa5: {  	s8 =	sshrl.u32 s8, $0x3  }
0xa6: {  	s17 =	simm.s32 $0x0;
	s9 =	sadd.s32 s1, s8  }
0xa7: {  	[tilespmem:s17], [sflag:$0x5] =	stream.linear.gather [hbm4b:s9+s17], $0x1000, $0x38;
	[tilespmem:$0x1E000] =	vst v63  }
0xa8: {  	_ =	swait.ge [sflag:s19], $0x1000  }
0xa9: {  	[sflag:s19] =	ssyncset.done $0x0  }
0xaa: {  	s8 =	sadd.s32 s7, s8;
	[sflag:s19] =	ssyncadd.s32 $0xFFFFF000  }
0xab: {  	[tilespmem:s20], [sflag:$0x5] =	stream.linear.gather [hbm4b:s8+s17], $0x1000, $0x38;
	[tilespmem:$0x1E000] =	vst v63  }
0xac: {  	_ =	swait.ge [sflag:s19], $0x1000  }
0xad: {  	[sflag:s19] =	ssyncset.done $0x0  }
0xae: {  	[sflag:s19] =	ssyncadd.s32 $0xFFFFF000  }
0xaf: {  	[tilespmem:s22], [sflag:$0x1] =	stream.indirect.gather [hbm4b:s6+s21], $0x80, s17, s21, $0xb8;
	[tilespmem:$0x1E000] =	vst v63  }
0xb0: {  	_ = 	snop  }
0xb1: {  	[tilespmem:s24], [sflag:$0x2] =	stream.indirect.gather [hbm4b:s6+s21], $0x80, s23, s21, $0xb8;
	[tilespmem:$0x1E000] =	vst v63  }
0xb2: {  	_ = 	snop  }
0xb3: {  	[tilespmem:s26], [sflag:$0x3] =	stream.indirect.gather [hbm4b:s6+s21], $0x80, s25, s21, $0xb8;
	[tilespmem:$0x1E000] =	vst v63  }
0xb4: {  	_ = 	snop  }
0xb5: {  	[tilespmem:s29], [sflag:$0x4] =	stream.indirect.gather [hbm4b:s6+s21], $0x80, s28, s21, $0xb8;
	[tilespmem:$0x1E000] =	vst v63  }
0xb6: {  	_ =	swait.ge [sflag:s30], $0x2000  }
0xb7: {  	[sflag:s30] =	ssyncset.done $0x0  }
0xb8: {  	s17 =	simm.s32 $0x1000;
	[sflag:s30] =	ssyncadd.s32 $0xFFFFE000  }
0xb9: {  	[spmem:s3] =	stream.indirect.scatter.add.f32 [tilespmem:s22], [sflag:$0x5], $0x80, s17, s21, $0xb8;
	[tilespmem:$0x1E000] =	vst v63  }
0xba: {  	_ =	swait.ge [sflag:s19], $0x2000  }
0xbb: {  	[sflag:s19] =	ssyncset.done $0x0  }
0xbc: {  	s9 =	simm.s32 $0x200;
	[sflag:s19] =	ssyncadd.s32 $0xFFFFE000  }
0xbd: {  	[tilespmem:s22], [sflag:$0x1] =	stream.indirect.gather [hbm4b:s6+s21], $0x80, s9, s21, $0xb8;
	[tilespmem:$0x1E000] =	vst v63  }
0xbe: {  	_ =	swait.ge [sflag:s31], $0x2000  }
0xbf: {  	[sflag:s31] =	ssyncset.done $0x0  }
0xc0: {  	s17 =	simm.s32 $0x1080;
	[sflag:s31] =	ssyncadd.s32 $0xFFFFE000  }
0xc1: {  	[spmem:s3] =	stream.indirect.scatter.add.f32 [tilespmem:s24], [sflag:$0x5], $0x80, s17, s21, $0xb8;
	[tilespmem:$0x1E000] =	vst v63  }
0xc2: {  	_ =	swait.ge [sflag:s19], $0x2000  }
0xc3: {  	[sflag:s19] =	ssyncset.done $0x0  }
0xc4: {  	s9 =	simm.s32 $0x280;
	[sflag:s19] =	ssyncadd.s32 $0xFFFFE000  }
0xc5: {  	[tilespmem:s24], [sflag:$0x2] =	stream.indirect.gather [hbm4b:s6+s21], $0x80, s9, s21, $0xb8;
	[tilespmem:$0x1E000] =	vst v63  }
0xc6: {  	_ =	swait.ge [sflag:s0], $0x2000  }
0xc7: {  	[sflag:s0] =	ssyncset.done $0x0  }
0xc8: {  	s17 =	simm.s32 $0x1100;
	[sflag:s0] =	ssyncadd.s32 $0xFFFFE000  }
0xc9: {  	[spmem:s3] =	stream.indirect.scatter.add.f32 [tilespmem:s26], [sflag:$0x5], $0x80, s17, s21, $0xb8;
	[tilespmem:$0x1E000] =	vst v63  }
0xca: {  	_ =	swait.ge [sflag:s19], $0x2000  }
0xcb: {  	[sflag:s19] =	ssyncset.done $0x0  }
0xcc: {  	s9 =	simm.s32 $0x300;
	[sflag:s19] =	ssyncadd.s32 $0xFFFFE000  }
0xcd: {  	[tilespmem:s26], [sflag:$0x3] =	stream.indirect.gather [hbm4b:s6+s21], $0x80, s9, s21, $0xb8;
	[tilespmem:$0x1E000] =	vst v63  }
0xce: {  	_ =	swait.ge [sflag:s2], $0x2000  }
0xcf: {  	[sflag:s2] =	ssyncset.done $0x0  }
0xd0: {  	s17 =	simm.s32 $0x1180;
	[sflag:s2] =	ssyncadd.s32 $0xFFFFE000  }
0xd1: {  	[spmem:s3] =	stream.indirect.scatter.add.f32 [tilespmem:s29], [sflag:$0x5], $0x80, s17, s21, $0xb8;
	[tilespmem:$0x1E000] =	vst v63  }
0xd2: {  	_ =	swait.ge [sflag:s19], $0x2000  }
0xd3: {  	[sflag:s19] =	ssyncset.done $0x0  }
0xd4: {  	s8 =	simm.s32 $0x380;
	s17 =	simm.s32 $0x800;
	[sflag:s19] =	ssyncadd.s32 $0xFFFFE000  }
.LBB2_7:
0xd5: {  	[tilespmem:s29], [sflag:$0x4] =	stream.indirect.gather [hbm4b:s6+s21], $0x80, s8, s21, $0xb8;
	[tilespmem:$0x1E000] =	vst v63  }
0xd6: {  	s8 =	smov.u32 s17  }
0xd7: {  	p2 =	sne.s32 s17, $0x3000;
	s17 =	sadd.s32 $0x800, s17;
	_ =	swait.ge [sflag:s30], $0x2000  }
0xd8: {  	s8 =	sshra.s32 s8, $0x2;
	[sflag:s30] =	ssyncset.done $0x0  }
0xd9: {  	s9 =	sadd.s32 $0x1000, s8;
	[sflag:s30] =	ssyncadd.s32 $0xFFFFE000  }
0xda: {  	[spmem:s3] =	stream.indirect.scatter.add.f32 [tilespmem:s22], [sflag:$0x5], $0x80, s9, s21, $0xb8;
	[tilespmem:$0x1E000] =	vst v63  }
0xdb: {  	_ =	swait.ge [sflag:s19], $0x2000  }
0xdc: {  	[sflag:s19] =	ssyncset.done $0x0  }
0xdd: {  	s9 =	sadd.s32 $0x200, s8;
	[sflag:s19] =	ssyncadd.s32 $0xFFFFE000  }
0xde: {  	[tilespmem:s22], [sflag:$0x1] =	stream.indirect.gather [hbm4b:s6+s21], $0x80, s9, s21, $0xb8;
	[tilespmem:$0x1E000] =	vst v63  }
0xdf: {  	_ =	swait.ge [sflag:s31], $0x2000  }
0xe0: {  	[sflag:s31] =	ssyncset.done $0x0  }
0xe1: {  	s9 =	sadd.s32 $0x1080, s8;
	[sflag:s31] =	ssyncadd.s32 $0xFFFFE000  }
0xe2: {  	[spmem:s3] =	stream.indirect.scatter.add.f32 [tilespmem:s24], [sflag:$0x5], $0x80, s9, s21, $0xb8;
	[tilespmem:$0x1E000] =	vst v63  }
0xe3: {  	_ =	swait.ge [sflag:s19], $0x2000  }
0xe4: {  	[sflag:s19] =	ssyncset.done $0x0  }
0xe5: {  	s9 =	sadd.s32 $0x280, s8;
	[sflag:s19] =	ssyncadd.s32 $0xFFFFE000  }
0xe6: {  	[tilespmem:s24], [sflag:$0x2] =	stream.indirect.gather [hbm4b:s6+s21], $0x80, s9, s21, $0xb8;
	[tilespmem:$0x1E000] =	vst v63  }
0xe7: {  	_ =	swait.ge [sflag:s0], $0x2000  }
0xe8: {  	[sflag:s0] =	ssyncset.done $0x0  }
0xe9: {  	s9 =	sadd.s32 $0x1100, s8;
	[sflag:s0] =	ssyncadd.s32 $0xFFFFE000  }
0xea: {  	[spmem:s3] =	stream.indirect.scatter.add.f32 [tilespmem:s26], [sflag:$0x5], $0x80, s9, s21, $0xb8;
	[tilespmem:$0x1E000] =	vst v63  }
0xeb: {  	_ =	swait.ge [sflag:s19], $0x2000  }
0xec: {  	[sflag:s19] =	ssyncset.done $0x0  }
0xed: {  	s9 =	sadd.s32 $0x300, s8;
	[sflag:s19] =	ssyncadd.s32 $0xFFFFE000  }
0xee: {  	[tilespmem:s26], [sflag:$0x3] =	stream.indirect.gather [hbm4b:s6+s21], $0x80, s9, s21, $0xb8;
	[tilespmem:$0x1E000] =	vst v63  }
0xef: {  	_ =	swait.ge [sflag:s2], $0x2000  }
0xf0: {  	[sflag:s2] =	ssyncset.done $0x0  }
.Ltmp6:
0xf1: {  	s9 =	sadd.s32 $0x1180, s8;
	[sflag:s2] =	ssyncadd.s32 $0xFFFFE000;
	(pc) =	sbr.rel @p2 .LBB2_7-.Ltmp6, $4  }
0xf2: {  	[spmem:s3] =	stream.indirect.scatter.add.f32 [tilespmem:s29], [sflag:$0x5], $0x80, s9, s21, $0xb8;
	[tilespmem:$0x1E000] =	vst v63  }
0xf3: {  	_ =	swait.ge [sflag:s19], $0x2000  }
0xf4: {  	[sflag:s19] =	ssyncset.done $0x0  }
0xf5: {  	s8 =	sadd.s32 $0x380, s8;
	[sflag:s19] =	ssyncadd.s32 $0xFFFFE000  }
0xf6: {  	[tilespmem:s29], [sflag:$0x4] =	stream.indirect.gather [hbm4b:s6+s21], $0x80, s8, s21, $0xb8;
	[tilespmem:$0x1E000] =	vst v63  }
0xf7: {  	_ =	swait.ge [sflag:s30], $0x2000  }
0xf8: {  	[sflag:s30] =	ssyncset.done $0x0  }
0xf9: {  	[sflag:s30] =	ssyncadd.s32 $0xFFFFE000  }
0xfa: {  	[spmem:s3] =	stream.indirect.scatter.add.f32 [tilespmem:s22], [sflag:$0x5], $0x80, s11, s21, $0xb8;
	[tilespmem:$0x1E000] =	vst v63  }
0xfb: {  	_ =	swait.ge [sflag:s19], $0x2000  }
0xfc: {  	[sflag:s19] =	ssyncset.done $0x0  }
0xfd: {  	[sflag:s19] =	ssyncadd.s32 $0xFFFFE000  }
0xfe: {  	_ =	swait.ge [sflag:s31], $0x2000  }
0xff: {  	[sflag:s31] =	ssyncset.done $0x0  }
0x100: {  	[sflag:s31] =	ssyncadd.s32 $0xFFFFE000  }
0x101: {  	[spmem:s3] =	stream.indirect.scatter.add.f32 [tilespmem:s24], [sflag:$0x5], $0x80, s14, s21, $0xb8;
	[tilespmem:$0x1E000] =	vst v63  }
0x102: {  	_ =	swait.ge [sflag:s19], $0x2000  }
0x103: {  	[sflag:s19] =	ssyncset.done $0x0  }
0x104: {  	[sflag:s19] =	ssyncadd.s32 $0xFFFFE000  }
0x105: {  	_ =	swait.ge [sflag:s0], $0x2000  }
0x106: {  	[sflag:s0] =	ssyncset.done $0x0  }
0x107: {  	[sflag:s0] =	ssyncadd.s32 $0xFFFFE000  }
0x108: {  	[spmem:s3] =	stream.indirect.scatter.add.f32 [tilespmem:s26], [sflag:$0x5], $0x80, s15, s21, $0xb8;
	[tilespmem:$0x1E000] =	vst v63  }
0x109: {  	_ =	swait.ge [sflag:s19], $0x2000  }
0x10a: {  	[sflag:s19] =	ssyncset.done $0x0  }
0x10b: {  	[sflag:s19] =	ssyncadd.s32 $0xFFFFE000  }
0x10c: {  	s18 =	sadd.s32 $0x1, s18;
	_ =	swait.ge [sflag:s2], $0x2000  }
0x10d: {  	p2 =	sne.s32 s18, $0x5;
	[sflag:s2] =	ssyncset.done $0x0  }
.Ltmp7:
0x10e: {  	[sflag:s2] =	ssyncadd.s32 $0xFFFFE000;
	(pc) =	sbr.rel @p2 .LBB2_6-.Ltmp7, $4  }
0x10f: {  	[spmem:s3] =	stream.indirect.scatter.add.f32 [tilespmem:s29], [sflag:$0x5], $0x80, s16, s21, $0xb8;
	[tilespmem:$0x1E000] =	vst v63  }
0x110: {  	_ =	swait.ge [sflag:s19], $0x2000  }
0x111: {  	[sflag:s19] =	ssyncset.done $0x0  }
0x112: {  	[sflag:s19] =	ssyncadd.s32 $0xFFFFE000  }
0x113: {  	[bflag:$0x0] =	sbarrier.arrive $0xFFFF  }
0x114: {  	s8 =	rddreg [dreg:$0x8]  }
0x115: {  	[hbm:s8], [sflag:s10] =	dma.local @p1 [spmem:s13], $0x1900  }
0x116: {  	s8 =	simm.s32 @p1 $0x5  }
0x117: {  	_ =	swait.ge @p1 [sflag:s8], $0x1900  }
0x118: {  	[sflag:s8] =	ssyncset.done @p1 $0x0;
	s9 =	rddreg [dreg:$0xd]  }
0x119: {  	[sflag:s8] =	ssyncadd.s32 @p1 $0xFFFFE700;
	s8 =	rddreg [dreg:$0x6]  }
0x11a: {  	[hbm:s8], [sflag:s10] =	dma.local @!p1 [spmem:s9], $0x2800  }
.Ltmp8:
0x11b: {  	_ = 	snop;
	(pc) =	sbr.rel .LBB2_10-.Ltmp8, $4  }
0x11c: {  	s8 =	simm.s32 @!p1 $0x5  }
0x11d: {  	_ =	swait.ge @!p1 [sflag:s8], $0x2800  }
0x11e: {  	[sflag:s8] =	ssyncset.done @!p1 $0x0  }
0x11f: {  	[sflag:s8] =	ssyncadd.s32 @!p1 $0xFFFFD800  }
.LBB2_11:
0x120: {  	_ =	sfence.sel $0x180000  }
0x121: {  	[bflag:$0x0] =	sbarrier.arrive $0xFFFF  }
0x122: {  	_ =	strace $0x9000004A  }
0x123: {  	s0 =	stileid.u32;
	[bflag:$0x2] =	sbarrier.arrive $0xFFFF  }
0x124: {  	p0 =	sne.s32 s0, $0x0;
	s0 =	rddreg [dreg:$0x3]  }
0x125: {  	s0 =	sadd.s32 @!p0 $0x100000, s0  }
0x126: {  	[sflag:s0] =	ssyncadd.tile.s32 @!p0 $0x1;
	_ =	shalt  }
.Lfunc_end2:
_tile_overlayer_lowered:
.L_overlay_start_2:
0x127: {  	(tag) =	ssettag $0x2  }
0x128: {  	s0 =	rddreg [dreg:$0x0];
	s2 =	stileid.u32  }
0x129: {  	s1 =	rddreg [dreg:$0x1];
	p0 =	sne.s32 s2, $0x0  }
0x12a: {  	s3 =	rddreg [dreg:$0x2];
	[bflag:$0x3] =	sbarrier.arrive $0xFFFF;
	s2 =	simm.s32 @!p0 $0x1C05  }
0x12b: {  	[timem:s3], [sflag:s2] =	dma.local @!p0 [hbm:s0], s1  }
0x12c: {  	s0 =	simm.s32 @!p0 $0x5  }
0x12d: {  	_ =	swait.ge @!p0 [sflag:s0], s1  }
0x12e: {  	s1 =	ssub.s32 @!p0 $0x0, s1;
	[sflag:s0] =	ssyncset.done @!p0 $0x0  }
0x12f: {  	[sflag:s0] =	ssyncadd.s32 @!p0 s1  }
0x130: {  	[bflag:$0x3] =	sbarrier.arrive $0xFFFF  }
0x131: {  	_ =	shalt  }

// kernel: kernel.7.cloned.1.call-start
scs
__scs_entry_jumppad:
0x0: {  	(pc) =	sbr.rel $0x88, $3  }
0x1: {  	(tag) =	ssettag $0x0;
	lr =	simm.s32 $0x1  }
0x2: {  	[smem:$0x3F95] =	sst lr;
	_ =	strace $0xD0000000  }
0x3: {  	_ = 	snop  }
0x4: {  	_ = 	snop  }
0x5: {  	_ = 	snop  }
0x6: {  	_ = 	snop  }
0x7: {  	_ = 	snop  }
__scs_overlays_trampoline_lowered:
0x8: {  	[smem:$0x3FA4] =	sst s0  }
0x9: {  	[smem:$0x3FA5] =	sst s1  }
0xa: {  	[smem:$0x3FA6] =	sst s2  }
0xb: {  	[smem:$0x3FA7] =	sst s3  }
0xc: {  	[smem:$0x3FA8] =	sst s4  }
0xd: {  	[smem:$0x3FA9] =	sst s5  }
0xe: {  	[smem:$0x3FAA] =	sst s6  }
0xf: {  	[smem:$0x3FAB] =	sst s7  }
0x10: {  	[smem:$0x3FAC] =	sst s8  }
0x11: {  	[smem:$0x3FAD] =	sst s9;
	s0 =	simm.s32 @!p0 $0x0  }
0x12: {  	s1 =	sld [smem:$0x3F93];
	s0 =	simm.s32 @p0 $0x1  }
0x13: {  	[smem:$0x3FAE] =	sst s0;
	s0 =	simm.s32 @!p1 $0x0  }
0x14: {  	s2 =	sld [smem:$0x3F92];
	s0 =	simm.s32 @p1 $0x1  }
0x15: {  	[smem:$0x3FAF] =	sst s0;
	s0 =	simm.s32 @!p2 $0x0  }
0x16: {  	s3 =	sld [smem:$0x3FDB];
	s0 =	simm.s32 @p2 $0x1  }
0x17: {  	s4 =	simm.s32 $0x1BF5;
	[smem:$0x3FB1] =	sst s0  }
0x18: {  	s0 =	sld [smem:$0x3F94];
	_ =	swait.ge [sflag:s4], $0x0  }
0x19: {  	s7 =	sld [smem:$0x3F95]  }
0x1a: {  	s8 =	sadd.s32 $0xFFFFE003, lr  }
0x1b: {  	s9 =	sadd.s32 $0xFFFFFEF7, lr;
	s5 =	simm.s32 $0xFFFFFFFF;
	p2 =	slt.u32 s8, $0xFFFFF086  }
0x1c: {  	p1 =	slt.u32 s9, $0xF7A;
	s5 =	simm.s32 @!p2 $0x0  }
0x1d: {  	s5 =	simm.s32 @p1 $0x1;
	p0 =	seq.s32 s7, s2  }
0x1e: {  	s7 =	smul.u32 @!p0 $0xF7A, s2;
	p2 =	seq.s32 @!p0 s5, $0x0  }
0x1f: {  	s9 =	smul.u32 $0xF7A, s1;
	s8 =	simm.s32 @!p0 $0x1BF5;
	p2 =	por !p2, p0  }
0x20: {  	[sflag:s8] =	ssyncset.s32 @!p0 $0xFFFFF086;
	s6 =	sadd.s32 @!p0 s3, s7;
	s7 =	simm.s32 @!p0 $0x108  }
0x21: {  	s3 =	sadd.s32 s3, s9;
	s6 =	sadd.s32 @!p0 $0x88, s6;
	s7 =	simm.s32 @p2 $0x1082  }
0x22: {  	[simem:s7], [sflag:s8] =	dma.local @!p0 [hbm:s6], $0xF7A  }
0x23: {  	s9 =	sor.u32 $0xD0000000, s2;
	s6 =	simm.s32 $0x108;
	_ =	swait.ge @!p0 [sflag:s8], $0x0  }
0x24: {  	s3 =	sadd.s32 $0x88, s3;
	s6 =	simm.s32 @!p1 $0x1082;
	[sflag:s4] =	ssyncset.s32 $0xFFFFF086  }
0x25: {  	[simem:s6], [sflag:s4] =	dma.local [hbm:s3], $0xF7A  }
0x26: {  	[smem:$0x3F95] =	sst s1;
	(tag) =	ssettag s2;
	_ =	strace s9  }
0x27: {  	s1 =	sld [smem:$0x3FA5]  }
0x28: {  	s2 =	sld [smem:$0x3FA6]  }
0x29: {  	s4 =	sld [smem:$0x3FA8]  }
0x2a: {  	p0 =	seq.s32 s5, $0x0;
	s5 =	sld [smem:$0x3FA9]  }
0x2b: {  	s6 =	sld [smem:$0x3FAA]  }
0x2c: {  	s7 =	sld [smem:$0x3FAB]  }
0x2d: {  	s3 =	simm.s32 $0x108;
	s8 =	sld [smem:$0x3FAC]  }
0x2e: {  	s3 =	simm.s32 @!p0 $0x1082;
	s9 =	sld [smem:$0x3FAD]  }
0x2f: {  	lr =	sadd.s32 s0, s3;
	s0 =	sld [smem:$0x3FA4]  }
0x30: {  	s3 =	sld [smem:$0x3FA7]  }
0x31: {  	[smem:$0x3FB0] =	sst s10  }
0x32: {  	s10 =	sld [smem:$0x3FAE];
	_ =	sdelay $0x3  }
0x33: {  	p0 =	seq.s32 s10, $0x1;
	s10 =	sld [smem:$0x3FB0];
	_ =	sdelay $0x3  }
0x34: {  	[smem:$0x3FB0] =	sst s10  }
0x35: {  	s10 =	sld [smem:$0x3FAF];
	_ =	sdelay $0x3  }
0x36: {  	p1 =	seq.s32 s10, $0x1;
	s10 =	sld [smem:$0x3FB0];
	_ =	sdelay $0x3  }
0x37: {  	[smem:$0x3FB0] =	sst s10  }
0x38: {  	s10 =	sld [smem:$0x3FB1]  }
0x39: {  	_ = 	snop;
	(pc) =	sbr.ind lr, $3  }
0x3a: {  	_ = 	snop  }
0x3b: {  	_ = 	snop  }
0x3c: {  	p2 =	seq.s32 s10, $0x1;
	s10 =	sld [smem:$0x3FB0]  }
0x3d: {  	_ =	shalt  }
0x3e: {  	_ =	shalt  }
0x3f: {  	_ =	shalt  }
0x40: {  	_ =	shalt  }
0x41: {  	_ =	shalt  }
0x42: {  	_ =	shalt  }
0x43: {  	_ =	shalt  }
0x44: {  	_ =	shalt  }
0x45: {  	_ =	shalt  }
0x46: {  	_ =	shalt  }
0x47: {  	_ =	shalt  }
0x48: {  	_ =	shalt  }
0x49: {  	_ =	shalt  }
0x4a: {  	_ =	shalt  }
0x4b: {  	_ =	shalt  }
0x4c: {  	_ =	shalt  }
0x4d: {  	_ =	shalt  }
0x4e: {  	_ =	shalt  }
0x4f: {  	_ =	shalt  }
0x50: {  	_ =	shalt  }
0x51: {  	_ =	shalt  }
0x52: {  	_ =	shalt  }
0x53: {  	_ =	shalt  }
0x54: {  	_ =	shalt  }
0x55: {  	_ =	shalt  }
0x56: {  	_ =	shalt  }
0x57: {  	_ =	shalt  }
0x58: {  	_ =	shalt  }
0x59: {  	_ =	shalt  }
0x5a: {  	_ =	shalt  }
0x5b: {  	_ =	shalt  }
0x5c: {  	_ =	shalt  }
0x5d: {  	_ =	shalt  }
0x5e: {  	_ =	shalt  }
0x5f: {  	_ =	shalt  }
0x60: {  	_ =	shalt  }
0x61: {  	_ =	shalt  }
0x62: {  	_ =	shalt  }
0x63: {  	_ =	shalt  }
0x64: {  	_ =	shalt  }
0x65: {  	_ =	shalt  }
0x66: {  	_ =	shalt  }
0x67: {  	_ =	shalt  }
0x68: {  	_ =	shalt  }
0x69: {  	_ =	shalt  }
0x6a: {  	_ =	shalt  }
0x6b: {  	_ =	shalt  }
0x6c: {  	_ =	shalt  }
0x6d: {  	_ =	shalt  }
0x6e: {  	_ =	shalt  }
0x6f: {  	_ =	shalt  }
0x70: {  	_ =	shalt  }
0x71: {  	_ =	shalt  }
0x72: {  	_ =	shalt  }
0x73: {  	_ =	shalt  }
0x74: {  	_ =	shalt  }
0x75: {  	_ =	shalt  }
0x76: {  	_ =	shalt  }
0x77: {  	_ =	shalt  }
0x78: {  	_ =	shalt  }
0x79: {  	_ =	shalt  }
0x7a: {  	_ =	shalt  }
0x7b: {  	_ =	shalt  }
0x7c: {  	_ =	shalt  }
0x7d: {  	_ =	shalt  }
0x7e: {  	_ =	shalt  }
0x7f: {  	_ =	shalt  }
0x80: {  	_ =	shalt  }
0x81: {  	_ =	shalt  }
0x82: {  	_ =	shalt  }
0x83: {  	_ =	shalt  }
0x84: {  	_ =	shalt  }
0x85: {  	_ =	shalt  }
0x86: {  	_ =	shalt  }
0x87: {  	_ =	shalt  }
.Lfunc_end0:
.L_simem_size_0:
called_computation_lowered:
.L_overlay_start_0:
0x88: {  	s2 =	sld [smem:$0x3FD9]  }
0x89: {  	s3 =	sld [smem:$0x3FFE];
	_ =	sdelay $0x1  }
0x8a: {  	s1 =	srdreg.scid  }
0x8b: {  	s0 =	sand.u32 $0x1, s1  }
0x8c: {  	s17 =	sshll.u32 s0, $0xA;
	s2 =	sadd.s32 s3, s2  }
0x8d: {  	s2 =	sadd.s32 s2, s17  }
0x8e: {  	[smem:$0x3FBC] =	sst s2  }
0x8f: {  	_ = 	snop  }
0x90: {  	s2 =	sld [smem:$0x3FD0];
	(tm) =	ssettm $0x1  }
0x91: {  	s18 =	sld [smem:$0x3FFB];
	_ =	sdelay $0x3  }
0x92: {  	_ =	strace s18  }
0x93: {  	s3 =	sld [smem:$0x3FFC];
	_ =	sdelay $0x3  }
0x94: {  	_ =	strace s3  }
0x95: {  	s3 =	sld [smem:$0x3FFD];
	_ =	sdelay $0x3  }
0x96: {  	_ =	strace s3  }
0x97: {  	_ =	strace $0x8FFFFFFF  }
0x98: {  	s19 =	sld [smem:$0x3FDB];
	_ =	sdelay $0x1  }
0x99: {  	s4 =	simm.s32 $_scs_section_size  }
0x9a: {  	s5 =	simm.s32 $_size__tile_overlayer_lowered;
	s6 =	simm.s32 $_tile_overlayer_lowered  }
0x9b: {  	s22 =	simm.s32 $0x1BFF;
	s21 =	sshll.u32 s6, $0x1;
	s3 =	sadd.s32 s4, s19  }
0x9c: {  	s7 =	simm.s32 $0x0;
	s20 =	sshll.u32 s5, $0x1;
	s5 =	sadd.s32 s21, s3  }
0x9d: {  	[timem:s7], [sflag:s22] =	dma.local [hbm:s5], s20  }
0x9e: {  	_ =	swait.ge [sflag:s22], s20  }
0x9f: {  	s4 =	ssub.s32 $0x0, s20;
	[sflag:s22] =	ssyncset.done $0x0  }
0xa0: {  	[sflag:s22] =	ssyncadd.s32 s4;
	_ =	sdelay $0x1  }
0xa1: {  	s23 =	simm.s32 $0x1B8B  }
0xa2: {  	_ =	swait.ge [sflag:s23], $0x1  }
0xa3: {  	[sflag:s23] =	ssyncset.done $0x0  }
0xa4: {  	s25 =	simm.s32 $0x1B8E;
	s24 =	sld [smem:$0x3FFE];
	[sflag:s23] =	ssyncadd.s32 $0xFFFFFFFF  }
0xa5: {  	s26 =	simm.s32 $execute0_lowered;
	[smem:$0x3FD2] =	sst s25  }
0xa6: {  	s5 =	sshll.u32 s26, $0x1;
	_ =	strace $0x80000046;
	[dreg:$0x1] =	wrdreg $0xFFFFFFFF  }
0xa7: {  	s28 =	simm.s32 $_size_execute0_lowered;
	s3 =	sadd.s32 s3, s5;
	[dreg:$0x0] =	wrdreg $0x0  }
0xa8: {  	s5 =	sshll.u32 s28, $0x1;
	[dreg:$0x2] =	wrdreg s3  }
0xa9: {  	[dreg:$0x3] =	wrdreg s5  }
0xaa: {  	[dreg:$0x4] =	wrdreg $0xC0  }
0xab: {  	_ =	task [dreg:s7], $0x5FFFF  }
0xac: {  	[dreg:$0x1] =	wrdreg $0xFFFFFFFF  }
0xad: {  	[dreg:$0x0] =	wrdreg $0x60  }
0xae: {  	[dreg:$0x2] =	wrdreg s24  }
0xaf: {  	[dreg:$0x3] =	wrdreg s2  }
0xb0: {  	[dreg:$0x4] =	wrdreg $0xA0000  }
0xb1: {  	[dreg:$0x5] =	wrdreg $0x1E0800  }
0xb2: {  	[dreg:$0x6] =	wrdreg $0x9  }
0xb3: {  	_ =	task.clear_ibuf [dreg:s7], $0x7FFFF;
	_ =	strace $0x90000046  }
0xb4: {  	s29 =	simm.s32 $0x9;
	_ =	strace $0x80000048  }
0xb5: {  	_ =	swait.ge [sflag:s29], $0x1  }
0xb6: {  	[sflag:s29] =	ssyncadd.s32 $0xFFFFFFFF  }
0xb7: {  	_ =	strace $0x90000048  }
0xb8: {  	_ =	sfence  }
0xb9: {  	s30 =	sld [smem:$0x0];
	_ =	sdelay $0x2  }
0xba: {  	s31 =	sshll.u32 s1, $0xD;
	s1 =	sshrl.u32 s1, $0x2  }
0xbb: {  	s3 =	sand.u32 $0x4000, s31;
	s1 =	sadd.s32 s1, s30  }
0xbc: {  	s0 =	sor.u32 s3, s0;
	s1 =	sshll.u32 s1, $0x11  }
0xbd: {  	s0 =	sor.u32 s1, s0  }
0xbe: {  	s0 =	sadd.s32 $0x8F2B, s0  }
0xbf: {  	[sflag:s0] =	ssyncadd.remote.s32 $0x1  }
0xc0: {  	_ =	sfence.sel $0xFFFF  }
0xc1: {  	[dreg:$0x0] =	wrdreg $0xFFFFFFFF;
	(pc) =	sbr.abs _section_cstart, $3  }
0xc2: {  	[dreg:$0x1] =	wrdreg $0xFFFFFFFF  }
0xc3: {  	_ =	task.clear_ibuf [dreg:s7], $0x2FFFF;
	_ =	strace $0x9FFFFFFF  }
0xc4: {  	(tm) =	ssettm $0x7FFFFFFF  }
0xc5: {  	_ =	shalt  }
tec
execute0_lowered:
.L_overlay_start_1:
0x0: {  	(tag) =	ssettag $0x1  }
0x1: {  	s0 =	rddreg [dreg:$0x0]  }
0x2: {  	s19 =	rddreg [dreg:$0x1]  }
0x3: {  	s2 =	rddreg [dreg:$0x2]  }
0x4: {  	s4 =	rddreg [dreg:$0x3]  }
0x5: {  	s21 =	simm.s32 $0x0;
	s13 =	stileid.u32;
	s3 =	srdreg.scid  }
0x6: {  	s28 =	simm.s32 $0x40;
	s29 =	simm.s32 $0x2000;
	s31 =	simm.s32 $0x4000  }
0x7: {  	[smem:$0x7FF] =	sst s21;
	s6 =	sadd.s32 $0x34A00, s0;
	s1 =	smul.u32 $0x280, s13  }
0x8: {  	s7 =	sadd.s32 $0xD800, s0;
	s8 =	sadd.s32 $0x3800, s0;
	s5 =	smul.u32 $0x2800, s13  }
0x9: {  	s3 =	sand.u32 $0x1, s3;
	s11 =	smul.u32 $0x50000, s13;
	s12 =	sadd.s32 $0xD2400, s0  }
0xa: {  	s14 =	sadd.s32 $0xD2A00, s0;
	s17 =	sshll.u32 s13, $0x6;
	s22 =	sadd.s32 $0x12C000, s2  }
0xb: {  	s23 =	sadd.s32 $0x11FA00, s0;
	_ =	strace $0x80000047;
	[dreg:$0x7] =	wrdreg s12  }
0xc: {  	p1 =	seq.s32 s13, $0xF;
	s10 =	ssub.s32 $0x2, s3;
	[dreg:$0x8] =	wrdreg s14  }
0xd: {  	s24 =	sor.u32 $0x1C06, s17;
	s17 =	smul.u32 $0x5000, s13;
	[dreg:$0xf] =	wrdreg s22  }
0xe: {  	[dreg:$0x10] =	wrdreg s23;
	p0 =	sne.s32 s3, $0x0;
	s3 =	simm.s32 $0x6000  }
0xf: {  	s22 =	simm.s32 $0x2;
	s23 =	simm.s32 $0x4;
	s12 =	simm.s32 $0x1180  }
0x10: {  	s14 =	simm.s32 $0x5;
	s9 =	sshrl.u32 s1, $0x3;
	s5 =	sadd.s32 s5, s0  }
0x11: {  	s30 =	sshrl.u32 s10, $0x1;
	s11 =	sshrl.u32 s11, $0x2;
	[dreg:$0xb] =	wrdreg s24  }
0x12: {  	s1 =	sadd.s32 s1, s4;
	[dreg:$0x6] =	wrdreg s9;
	s9 =	sadd.s32 s9, s0  }
0x13: {  	s10 =	ssub.s32 s10, s30;
	s16 =	sadd.s32 $0xA9E00, s5;
	[dreg:$0xc] =	wrdreg s1  }
0x14: {  	s15 =	sadd.s32 s11, s2;
	s20 =	sadd.s32 $0xFA200, s5;
	[dreg:$0xa] =	wrdreg s16  }
0x15: {  	s25 =	sadd.s32 $0xD3000, s5;
	s0 =	sadd.s32 $0xF8800, s0;
	[dreg:$0xe] =	wrdreg s20  }
0x16: {  	s11 =	simm.s32 $0x8000;
	s18 =	sadd.s32 $0xD1E00, s9;
	[dreg:$0x11] =	wrdreg s25  }
.Ltmp0:
0x17: {  	[dreg:$0x12] =	wrdreg s0;
	s26 =	smax.u32 s10, $0x1;
	(pc) =	sbr.rel .LBB2_1-.Ltmp0, $4  }
0x18: {  	[dreg:$0x9] =	wrdreg s15;
	s30 =	sshrl.u32 s15, $0x3;
	s25 =	simm.s32 $0x6  }
0x19: {  	s20 =	simm.s32 $0x1E000;
	s9 =	simm.s32 $0x1080;
	[dreg:$0xd] =	wrdreg s18  }
0x1a: {  	s15 =	simm.s32 $0x3;
	s16 =	simm.s32 $0x1100;
	[dreg:$0x13] =	wrdreg s26  }
0x1b: {  	v0 =	vimm.f32 $1.000000000e+00;
	[dreg:$0x14] =	wrdreg s30;
	s26 =	simm.s32 $0x1000;
	s18 =	simm.s32 $0x1  }
.LBB2_11:
0x1c: {  	[bflag:$0x0] =	sbarrier.arrive $0xFFFF  }
0x1d: {  	s24 =	rddreg [dreg:$0xb]  }
0x1e: {  	s0 =	rddreg [dreg:$0x10]  }
0x1f: {  	s1 =	rddreg [dreg:$0x17]  }
0x20: {  	[hbm:s0], [sflag:s24] =	dma.local @p1 [spmem:s1], $0x1900  }
0x21: {  	s0 =	simm.s32 @p1 $0x6  }
0x22: {  	_ =	swait.ge @p1 [sflag:s0], $0x1900  }
0x23: {  	[sflag:s0] =	ssyncset.done @p1 $0x0;
	s1 =	rddreg [dreg:$0x16]  }
0x24: {  	[sflag:s0] =	ssyncadd.s32 @p1 $0xFFFFE700;
	s0 =	rddreg [dreg:$0xe]  }
0x25: {  	[hbm:s0], [sflag:s24] =	dma.local @!p1 [spmem:s1], $0x2800  }
0x26: {  	s0 =	simm.s32 @!p1 $0x6  }
0x27: {  	_ =	swait.ge @!p1 [sflag:s0], $0x2800  }
0x28: {  	[sflag:s0] =	ssyncset.done @!p1 $0x0;
	s21 =	rddreg [dreg:$0x5]  }
0x29: {  	[sflag:s0] =	ssyncadd.s32 @!p1 $0xFFFFD800;
	s0 =	rddreg [dreg:$0x8]  }
.LBB2_12:
0x2a: {  	s1 =	rddreg [dreg:$0x6]  }
0x2b: {  	s13 =	rddreg [dreg:$0x15];
	s0 =	sadd.s32 s0, s1  }
0x2c: {  	[hbm:s0], [sflag:s24] =	dma.local [spmem:s13], $0x50  }
0x2d: {  	_ =	swait.ge [sflag:s25], $0x50  }
0x2e: {  	s21 =	sadd.s32 $0x1, s21;
	s30 =	rddreg [dreg:$0x13]  }
0x2f: {  	p2 =	sne.s32 s21, s30  }
.Ltmp1:
0x30: {  	_ = 	snop;
	(pc) =	sbr.rel @!p2 .LBB2_13-.Ltmp1, $3  }
0x31: {  	_ =	sdelay $0x1  }
0x32: {  	[sflag:s25] =	ssyncset.done $0x0  }
0x33: {  	[sflag:s25] =	ssyncadd.s32 $0xFFFFFFB0  }
.LBB2_1:
0x34: {  	[dreg:$0x5] =	wrdreg s21  }
0x35: {  	s0 =	rddreg [dreg:$0xa]  }
0x36: {  	s1 =	rddreg [dreg:$0x14]  }
0x37: {  	[spmem:s1], [sflag:s24] =	dma.local [hbm:s0], $0x2800  }
0x38: {  	_ =	swait.ge [sflag:s25], $0x2800  }
0x39: {  	[sflag:s25] =	ssyncset.done $0x0  }
0x3a: {  	[sflag:s25] =	ssyncadd.s32 $0xFFFFD800  }
0x3b: {  	[tilespmem:$0x1E000] =	vst v0  }
0x3c: {  	s13 =	rddreg [dreg:$0xc];
	[tilespmem:$0x1E010] =	vst v0  }
0x3d: {  	s30 =	rddreg [dreg:$0xd];
	s21 =	sshrl.u32 s13, $0x3;
	[tilespmem:$0x1E020] =	vst v0  }
0x3e: {  	[tilespmem:$0x1E030] =	vst v0;
	[dreg:$0x15] =	wrdreg s21  }
0x3f: {  	[spmem:s21], [sflag:s24] =	dma.local [hbm:s30], $0x50  }
0x40: {  	_ =	swait.ge [sflag:s25], $0x50  }
0x41: {  	[sflag:s25] =	ssyncset.done $0x0  }
0x42: {  	[sflag:s25] =	ssyncadd.s32 $0xFFFFFFB0  }
0x43: {  	[bflag:$0x0] =	sbarrier.arrive $0xFFFF  }
0x44: {  	s0 =	rddreg [dreg:$0xf]  }
.Ltmp2:
0x45: {  	s0 =	sshrl.u32 @p1 s0, $0x3;
	(pc) =	sbr.rel @p0 .LBB2_7-.Ltmp2, $4  }
.Ltmp3:
0x46: {  	[dreg:$0x17] =	wrdreg s0;
	(pc) =	sbr.rel @!p0 .LBB2_2-.Ltmp3, $4  }
0x47: {  	s0 =	rddreg [dreg:$0x9]  }
0x48: {  	s0 =	sshrl.u32 @!p1 s0, $0x3  }
0x49: {  	s5 =	simm.s32 $0x0;
	s1 =	simm.s32 $0x0;
	[dreg:$0x16] =	wrdreg s0  }
0x4a: {  	_ = 	snop  }
.LBB2_5:
0x4b: {  	_ =	swait.ge [sflag:s23], $0x2000  }
0x4c: {  	[sflag:s23] =	ssyncset.done $0x0  }
0x4d: {  	[sflag:s23] =	ssyncadd.s32 $0xFFFFE000  }
0x4e: {  	[spmem:s2] =	stream.indirect.scatter.add.f32 [tilespmem:s11], [sflag:$0x6], $0x80, s0, s28, $0xb8;
	[tilespmem:$0x1E300] =	vst v63  }
0x4f: {  	_ =	swait.ge [sflag:s25], $0x2000  }
0x50: {  	[sflag:s25] =	ssyncset.done $0x0  }
0x51: {  	s5 =	sadd.s32 $0x1, s5;
	[sflag:s25] =	ssyncadd.s32 $0xFFFFE000  }
0x52: {  	p2 =	sne.s32 s5, $0x5;
	_ =	swait.ge [sflag:s14], $0x40  }
.Ltmp4:
0x53: {  	[sflag:s14] =	ssyncset.done $0x0;
	(pc) =	sbr.rel @!p2 .LBB2_6-.Ltmp4, $4  }
0x54: {  	[sflag:s14] =	ssyncadd.s32 $0xFFFFFFC0  }
0x55: {  	_ =	swait.ge [sflag:s14], $0x40  }
0x56: {  	[sflag:s14] =	ssyncset.done $0x0  }
0x57: {  	[sflag:s14] =	ssyncadd.s32 $0xFFFFFFC0  }
.LBB2_2:
0x58: {  	s0 =	sshll.u32 s5, $0xC  }
0x59: {  	s0 =	sadd.s32 s17, s0  }
0x5a: {  	s0 =	sshrl.u32 s0, $0x3  }
0x5b: {  	s1 =	simm.s32 $0x0;
	s30 =	sadd.s32 s19, s0  }
0x5c: {  	[tilespmem:s1], [sflag:$0x6] =	stream.linear.gather [hbm4b:s30+s1], $0x1000, $0x38;
	[tilespmem:$0x1E300] =	vst v63  }
0x5d: {  	_ =	swait.ge [sflag:s25], $0x1000  }
0x5e: {  	[sflag:s25] =	ssyncset.done $0x0  }
0x5f: {  	s0 =	sadd.s32 s8, s0;
	[sflag:s25] =	ssyncadd.s32 $0xFFFFF000  }
0x60: {  	[tilespmem:s26], [sflag:$0x6] =	stream.linear.gather [hbm4b:s0+s1], $0x1000, $0x38;
	[tilespmem:$0x1E300] =	vst v63  }
0x61: {  	_ =	swait.ge [sflag:s25], $0x1000  }
0x62: {  	[sflag:s25] =	ssyncset.done $0x0  }
0x63: {  	[sflag:s25] =	ssyncadd.s32 $0xFFFFF000  }
0x64: {  	[tilespmem:s29], [sflag:$0x1] =	stream.indirect.gather [hbm4b:s6+s28], $0x80, s1, s28, $0xb8;
	[tilespmem:$0x1E300] =	vst v63  }
0x65: {  	s24 =	simm.s32 $0x80  }
0x66: {  	[tilespmem:s31], [sflag:$0x2] =	stream.indirect.gather [hbm4b:s6+s28], $0x80, s24, s28, $0xb8;
	[tilespmem:$0x1E300] =	vst v63  }
0x67: {  	s30 =	simm.s32 $0x100  }
0x68: {  	[tilespmem:s3], [sflag:$0x3] =	stream.indirect.gather [hbm4b:s6+s28], $0x80, s30, s28, $0xb8;
	[tilespmem:$0x1E300] =	vst v63  }
0x69: {  	s10 =	simm.s32 $0x180  }
0x6a: {  	[tilespmem:s11], [sflag:$0x4] =	stream.indirect.gather [hbm4b:s6+s28], $0x80, s10, s28, $0xb8;
	[tilespmem:$0x1E300] =	vst v63  }
0x6b: {  	_ =	swait.ge [sflag:s18], $0x2000  }
0x6c: {  	[sflag:s18] =	ssyncset.done $0x0  }
0x6d: {  	[sflag:s18] =	ssyncadd.s32 $0xFFFFE000  }
0x6e: {  	[spmem:s2] =	stream.indirect.scatter.add.f32 [tilespmem:s29], [sflag:$0x6], $0x80, s26, s28, $0xb8;
	[tilespmem:$0x1E300] =	vst v63  }
0x6f: {  	_ =	swait.ge [sflag:s25], $0x2000  }
0x70: {  	[sflag:s25] =	ssyncset.done $0x0  }
0x71: {  	[sflag:s25] =	ssyncadd.s32 $0xFFFFE000  }
0x72: {  	[spmem:s4] =	stream.indirect.scatter.add.f32 [tilespmem:s20], [sflag:$0x5], $0x1, s26, s28, $0xb8;
	[tilespmem:$0x1E300] =	vst v63  }
0x73: {  	s13 =	simm.s32 $0x200  }
0x74: {  	[tilespmem:s29], [sflag:$0x1] =	stream.indirect.gather [hbm4b:s6+s28], $0x80, s13, s28, $0xb8;
	[tilespmem:$0x1E300] =	vst v63  }
0x75: {  	_ =	swait.ge [sflag:s22], $0x2000  }
0x76: {  	[sflag:s22] =	ssyncset.done $0x0  }
0x77: {  	[sflag:s22] =	ssyncadd.s32 $0xFFFFE000  }
0x78: {  	[spmem:s2] =	stream.indirect.scatter.add.f32 [tilespmem:s31], [sflag:$0x6], $0x80, s9, s28, $0xb8;
	[tilespmem:$0x1E300] =	vst v63  }
0x79: {  	_ =	swait.ge [sflag:s25], $0x2000  }
0x7a: {  	[sflag:s25] =	ssyncset.done $0x0  }
0x7b: {  	s21 =	simm.s32 $0x280;
	[sflag:s25] =	ssyncadd.s32 $0xFFFFE000  }
0x7c: {  	[tilespmem:s31], [sflag:$0x2] =	stream.indirect.gather [hbm4b:s6+s28], $0x80, s21, s28, $0xb8;
	[tilespmem:$0x1E300] =	vst v63  }
0x7d: {  	_ =	swait.ge [sflag:s15], $0x2000  }
0x7e: {  	[sflag:s15] =	ssyncset.done $0x0  }
0x7f: {  	[sflag:s15] =	ssyncadd.s32 $0xFFFFE000  }
0x80: {  	[spmem:s2] =	stream.indirect.scatter.add.f32 [tilespmem:s3], [sflag:$0x6], $0x80, s16, s28, $0xb8;
	[tilespmem:$0x1E300] =	vst v63  }
0x81: {  	_ =	swait.ge [sflag:s25], $0x2000  }
0x82: {  	[sflag:s25] =	ssyncset.done $0x0  }
0x83: {  	[sflag:s25] =	ssyncadd.s32 $0xFFFFE000  }
0x84: {  	[spmem:s4] =	stream.indirect.scatter.add.f32 [tilespmem:s20], [sflag:$0x5], $0x1, s16, s28, $0xb8;
	[tilespmem:$0x1E300] =	vst v63  }
0x85: {  	s24 =	simm.s32 $0x300  }
0x86: {  	[tilespmem:s3], [sflag:$0x3] =	stream.indirect.gather [hbm4b:s6+s28], $0x80, s24, s28, $0xb8;
	[tilespmem:$0x1E300] =	vst v63  }
0x87: {  	_ =	swait.ge [sflag:s23], $0x2000  }
0x88: {  	[sflag:s23] =	ssyncset.done $0x0  }
0x89: {  	[sflag:s23] =	ssyncadd.s32 $0xFFFFE000  }
0x8a: {  	[spmem:s2] =	stream.indirect.scatter.add.f32 [tilespmem:s11], [sflag:$0x6], $0x80, s12, s28, $0xb8;
	[tilespmem:$0x1E300] =	vst v63  }
0x8b: {  	_ =	swait.ge [sflag:s25], $0x2000  }
0x8c: {  	[sflag:s25] =	ssyncset.done $0x0  }
0x8d: {  	s30 =	simm.s32 $0x380;
	[sflag:s25] =	ssyncadd.s32 $0xFFFFE000  }
0x8e: {  	[tilespmem:s11], [sflag:$0x4] =	stream.indirect.gather [hbm4b:s6+s28], $0x80, s30, s28, $0xb8;
	[tilespmem:$0x1E300] =	vst v63  }
.LBB2_3:
0x8f: {  	_ =	swait.ge [sflag:s14], $0x40  }
0x90: {  	[sflag:s14] =	ssyncset.done $0x0  }
0x91: {  	[sflag:s14] =	ssyncadd.s32 $0xFFFFFFC0  }
0x92: {  	_ =	swait.ge [sflag:s18], $0x2000  }
0x93: {  	s30 =	sshra.s32 s1, $0x2;
	[sflag:s18] =	ssyncset.done $0x0  }
0x94: {  	s0 =	sadd.s32 $0x1200, s30;
	[sflag:s18] =	ssyncadd.s32 $0xFFFFE000  }
0x95: {  	[spmem:s2] =	stream.indirect.scatter.add.f32 [tilespmem:s29], [sflag:$0x6], $0x80, s0, s28, $0xb8;
	[tilespmem:$0x1E300] =	vst v63  }
0x96: {  	_ =	swait.ge [sflag:s25], $0x2000  }
0x97: {  	[sflag:s25] =	ssyncset.done $0x0  }
0x98: {  	p2 =	seq.s32 s1, $0x3000;
	[sflag:s25] =	ssyncadd.s32 $0xFFFFE000  }
0x99: {  	[spmem:s4] =	stream.indirect.scatter.add.f32 [tilespmem:s20], [sflag:$0x5], $0x1, s0, s28, $0xb8;
	[tilespmem:$0x1E300] =	vst v63  }
0x9a: {  	s0 =	simm.s32 @p2 $0x2  }
0x9b: {  	_ =	swait.ge @p2 [sflag:s0], $0x2000  }
0x9c: {  	[sflag:s0] =	ssyncset.done @p2 $0x0  }
0x9d: {  	[sflag:s0] =	ssyncadd.s32 @p2 $0xFFFFE000;
	s0 =	sshra.s32 @p2 s1, $0x2  }
0x9e: {  	s10 =	simm.s32 @p2 $0x40;
	s21 =	simm.s32 @p2 $0x4000;
	s0 =	sadd.s32 @p2 $0x1280, s0  }
0x9f: {  	[spmem:s2] =	stream.indirect.scatter.add.f32 @p2 [tilespmem:s21], [sflag:$0x6], $0x80, s0, s10, $0xb8;
	[tilespmem:$0x1E300] =	vst v63  }
0xa0: {  	s0 =	simm.s32 @p2 $0x6  }
0xa1: {  	_ =	swait.ge @p2 [sflag:s0], $0x2000  }
0xa2: {  	[sflag:s0] =	ssyncset.done @p2 $0x0  }
0xa3: {  	[sflag:s0] =	ssyncadd.s32 @p2 $0xFFFFE000;
	s0 =	sshra.s32 @!p2 s1, $0x2  }
0xa4: {  	s13 =	simm.s32 @!p2 $0x2000;
	s21 =	simm.s32 @!p2 $0x40;
	s10 =	sadd.s32 @!p2 $0x400, s0  }
0xa5: {  	[tilespmem:s13], [sflag:$0x1] =	stream.indirect.gather @!p2 [hbm4b:s6+s21], $0x80, s10, s21, $0xb8;
	[tilespmem:$0x1E300] =	vst v63  }
0xa6: {  	s10 =	simm.s32 @!p2 $0x2  }
0xa7: {  	_ =	swait.ge @!p2 [sflag:s10], $0x2000  }
0xa8: {  	[sflag:s10] =	ssyncset.done @!p2 $0x0  }
0xa9: {  	s13 =	simm.s32 @!p2 $0x4000;
	[sflag:s10] =	ssyncadd.s32 @!p2 $0xFFFFE000;
	s10 =	sadd.s32 @!p2 $0x1280, s0  }
0xaa: {  	[spmem:s2] =	stream.indirect.scatter.add.f32 @!p2 [tilespmem:s13], [sflag:$0x6], $0x80, s10, s21, $0xb8;
	[tilespmem:$0x1E300] =	vst v63  }
0xab: {  	s10 =	simm.s32 @!p2 $0x6  }
0xac: {  	_ =	swait.ge @!p2 [sflag:s10], $0x2000  }
0xad: {  	[sflag:s10] =	ssyncset.done @!p2 $0x0  }
0xae: {  	s0 =	sadd.s32 @!p2 $0x480, s0;
	[sflag:s10] =	ssyncadd.s32 @!p2 $0xFFFFE000  }
0xaf: {  	[tilespmem:s13], [sflag:$0x2] =	stream.indirect.gather @!p2 [hbm4b:s6+s21], $0x80, s0, s21, $0xb8;
	[tilespmem:$0x1E300] =	vst v63  }
0xb0: {  	_ =	swait.ge [sflag:s14], $0x40  }
0xb1: {  	[sflag:s14] =	ssyncset.done $0x0  }
0xb2: {  	[sflag:s14] =	ssyncadd.s32 $0xFFFFFFC0  }
0xb3: {  	_ =	swait.ge [sflag:s15], $0x2000  }
0xb4: {  	[sflag:s15] =	ssyncset.done $0x0  }
0xb5: {  	s24 =	sadd.s32 $0x1300, s30;
	[sflag:s15] =	ssyncadd.s32 $0xFFFFE000  }
0xb6: {  	[spmem:s2] =	stream.indirect.scatter.add.f32 [tilespmem:s3], [sflag:$0x6], $0x80, s24, s28, $0xb8;
	[tilespmem:$0x1E300] =	vst v63  }
.Ltmp5:
0xb7: {  	_ = 	snop;
	(pc) =	sbr.rel @p2 .LBB2_5-.Ltmp5, $4  }
0xb8: {  	_ =	swait.ge [sflag:s25], $0x2000  }
0xb9: {  	[sflag:s25] =	ssyncset.done $0x0  }
0xba: {  	s0 =	sadd.s32 $0x1380, s30;
	[sflag:s25] =	ssyncadd.s32 $0xFFFFE000  }
0xbb: {  	[spmem:s4] =	stream.indirect.scatter.add.f32 [tilespmem:s20], [sflag:$0x5], $0x1, s24, s28, $0xb8;
	[tilespmem:$0x1E300] =	vst v63  }
0xbc: {  	s10 =	sadd.s32 $0x500, s30  }
0xbd: {  	[tilespmem:s3], [sflag:$0x3] =	stream.indirect.gather [hbm4b:s6+s28], $0x80, s10, s28, $0xb8;
	[tilespmem:$0x1E300] =	vst v63  }
0xbe: {  	_ =	swait.ge [sflag:s23], $0x2000  }
0xbf: {  	[sflag:s23] =	ssyncset.done $0x0  }
0xc0: {  	[sflag:s23] =	ssyncadd.s32 $0xFFFFE000  }
0xc1: {  	[spmem:s2] =	stream.indirect.scatter.add.f32 [tilespmem:s11], [sflag:$0x6], $0x80, s0, s28, $0xb8;
	[tilespmem:$0x1E300] =	vst v63  }
.Ltmp6:
0xc2: {  	_ = 	snop;
	(pc) =	sbr.rel .LBB2_3-.Ltmp6, $4  }
0xc3: {  	_ =	swait.ge [sflag:s25], $0x2000  }
0xc4: {  	[sflag:s25] =	ssyncset.done $0x0  }
0xc5: {  	s30 =	sadd.s32 $0x580, s30;
	s1 =	sadd.s32 $0x800, s1;
	[sflag:s25] =	ssyncadd.s32 $0xFFFFE000  }
0xc6: {  	[tilespmem:s11], [sflag:$0x4] =	stream.indirect.gather [hbm4b:s6+s28], $0x80, s30, s28, $0xb8;
	[tilespmem:$0x1E300] =	vst v63  }
.LBB2_10:
0xc7: {  	s1 =	sadd.s32 $0x1, s1  }
0xc8: {  	_ =	swait.ge [sflag:s14], $0x40;
	p2 =	sne.s32 s1, $0x5  }
.Ltmp7:
0xc9: {  	[sflag:s14] =	ssyncset.done $0x0;
	(pc) =	sbr.rel @!p2 .LBB2_11-.Ltmp7, $4  }
0xca: {  	[sflag:s14] =	ssyncadd.s32 $0xFFFFFFC0  }
0xcb: {  	_ =	swait.ge [sflag:s14], $0x40  }
0xcc: {  	[sflag:s14] =	ssyncset.done $0x0  }
0xcd: {  	s19 =	smov.u32 s24;
	[sflag:s14] =	ssyncadd.s32 $0xFFFFFFC0  }
.LBB2_7:
0xce: {  	s0 =	sshll.u32 s1, $0xC  }
0xcf: {  	s0 =	sadd.s32 s17, s0  }
0xd0: {  	s0 =	sshrl.u32 s0, $0x3  }
0xd1: {  	s5 =	simm.s32 $0x0;
	s10 =	sadd.s32 s19, s0  }
0xd2: {  	[tilespmem:s5], [sflag:$0x6] =	stream.linear.gather [hbm4b:s10+s5], $0x1000, $0x38;
	[tilespmem:$0x1E300] =	vst v63  }
0xd3: {  	_ =	swait.ge [sflag:s25], $0x1000  }
0xd4: {  	[sflag:s25] =	ssyncset.done $0x0  }
0xd5: {  	s0 =	sadd.s32 s8, s0;
	[sflag:s25] =	ssyncadd.s32 $0xFFFFF000  }
0xd6: {  	[tilespmem:s26], [sflag:$0x6] =	stream.linear.gather [hbm4b:s0+s5], $0x1000, $0x38;
	[tilespmem:$0x1E300] =	vst v63  }
0xd7: {  	_ =	swait.ge [sflag:s25], $0x1000  }
0xd8: {  	[sflag:s25] =	ssyncset.done $0x0  }
0xd9: {  	[sflag:s25] =	ssyncadd.s32 $0xFFFFF000  }
0xda: {  	[tilespmem:s29], [sflag:$0x1] =	stream.indirect.gather [hbm4b:s7+s28], $0x80, s5, s28, $0xb8;
	[tilespmem:$0x1E300] =	vst v63  }
0xdb: {  	s21 =	simm.s32 $0x80  }
0xdc: {  	[tilespmem:s31], [sflag:$0x2] =	stream.indirect.gather [hbm4b:s7+s28], $0x80, s21, s28, $0xb8;
	[tilespmem:$0x1E300] =	vst v63  }
0xdd: {  	s30 =	simm.s32 $0x100  }
0xde: {  	[tilespmem:s3], [sflag:$0x3] =	stream.indirect.gather [hbm4b:s7+s28], $0x80, s30, s28, $0xb8;
	[tilespmem:$0x1E300] =	vst v63  }
0xdf: {  	s10 =	simm.s32 $0x180  }
0xe0: {  	[tilespmem:s11], [sflag:$0x4] =	stream.indirect.gather [hbm4b:s7+s28], $0x80, s10, s28, $0xb8;
	[tilespmem:$0x1E300] =	vst v63  }
0xe1: {  	_ =	swait.ge [sflag:s18], $0x2000  }
0xe2: {  	[sflag:s18] =	ssyncset.done $0x0  }
0xe3: {  	[sflag:s18] =	ssyncadd.s32 $0xFFFFE000  }
0xe4: {  	[spmem:s2] =	stream.indirect.scatter.add.f32 [tilespmem:s29], [sflag:$0x6], $0x80, s26, s28, $0xb8;
	[tilespmem:$0x1E300] =	vst v63  }
0xe5: {  	_ =	swait.ge [sflag:s25], $0x2000  }
0xe6: {  	[sflag:s25] =	ssyncset.done $0x0  }
0xe7: {  	s13 =	simm.s32 $0x200;
	[sflag:s25] =	ssyncadd.s32 $0xFFFFE000  }
0xe8: {  	[tilespmem:s29], [sflag:$0x1] =	stream.indirect.gather [hbm4b:s7+s28], $0x80, s13, s28, $0xb8;
	[tilespmem:$0x1E300] =	vst v63  }
0xe9: {  	_ =	swait.ge [sflag:s22], $0x2000  }
0xea: {  	[sflag:s22] =	ssyncset.done $0x0  }
0xeb: {  	[sflag:s22] =	ssyncadd.s32 $0xFFFFE000  }
0xec: {  	[spmem:s2] =	stream.indirect.scatter.add.f32 [tilespmem:s31], [sflag:$0x6], $0x80, s9, s28, $0xb8;
	[tilespmem:$0x1E300] =	vst v63  }
0xed: {  	_ =	swait.ge [sflag:s25], $0x2000  }
0xee: {  	[sflag:s25] =	ssyncset.done $0x0  }
0xef: {  	[sflag:s25] =	ssyncadd.s32 $0xFFFFE000  }
0xf0: {  	[spmem:s4] =	stream.indirect.scatter.add.f32 [tilespmem:s20], [sflag:$0x5], $0x1, s9, s28, $0xb8;
	[tilespmem:$0x1E300] =	vst v63  }
0xf1: {  	s24 =	smov.u32 s19;
	s19 =	simm.s32 $0x280  }
0xf2: {  	[tilespmem:s31], [sflag:$0x2] =	stream.indirect.gather [hbm4b:s7+s28], $0x80, s19, s28, $0xb8;
	[tilespmem:$0x1E300] =	vst v63  }
0xf3: {  	_ =	swait.ge [sflag:s15], $0x2000  }
0xf4: {  	[sflag:s15] =	ssyncset.done $0x0  }
0xf5: {  	[sflag:s15] =	ssyncadd.s32 $0xFFFFE000  }
0xf6: {  	[spmem:s2] =	stream.indirect.scatter.add.f32 [tilespmem:s3], [sflag:$0x6], $0x80, s16, s28, $0xb8;
	[tilespmem:$0x1E300] =	vst v63  }
0xf7: {  	_ =	swait.ge [sflag:s25], $0x2000  }
0xf8: {  	[sflag:s25] =	ssyncset.done $0x0  }
0xf9: {  	s21 =	simm.s32 $0x300;
	[sflag:s25] =	ssyncadd.s32 $0xFFFFE000  }
0xfa: {  	[tilespmem:s3], [sflag:$0x3] =	stream.indirect.gather [hbm4b:s7+s28], $0x80, s21, s28, $0xb8;
	[tilespmem:$0x1E300] =	vst v63  }
0xfb: {  	_ =	swait.ge [sflag:s23], $0x2000  }
0xfc: {  	[sflag:s23] =	ssyncset.done $0x0  }
0xfd: {  	[sflag:s23] =	ssyncadd.s32 $0xFFFFE000  }
0xfe: {  	[spmem:s2] =	stream.indirect.scatter.add.f32 [tilespmem:s11], [sflag:$0x6], $0x80, s12, s28, $0xb8;
	[tilespmem:$0x1E300] =	vst v63  }
0xff: {  	_ =	swait.ge [sflag:s25], $0x2000  }
0x100: {  	[sflag:s25] =	ssyncset.done $0x0  }
0x101: {  	[sflag:s25] =	ssyncadd.s32 $0xFFFFE000  }
0x102: {  	[spmem:s4] =	stream.indirect.scatter.add.f32 [tilespmem:s20], [sflag:$0x5], $0x1, s12, s28, $0xb8;
	[tilespmem:$0x1E300] =	vst v63  }
0x103: {  	s30 =	simm.s32 $0x380  }
0x104: {  	[tilespmem:s11], [sflag:$0x4] =	stream.indirect.gather [hbm4b:s7+s28], $0x80, s30, s28, $0xb8;
	[tilespmem:$0x1E300] =	vst v63  }
.LBB2_8:
0x105: {  	_ =	swait.ge [sflag:s18], $0x2000  }
0x106: {  	s30 =	sshra.s32 s5, $0x2;
	[sflag:s18] =	ssyncset.done $0x0  }
0x107: {  	s0 =	sadd.s32 $0x1200, s30;
	[sflag:s18] =	ssyncadd.s32 $0xFFFFE000  }
0x108: {  	[spmem:s2] =	stream.indirect.scatter.add.f32 [tilespmem:s29], [sflag:$0x6], $0x80, s0, s28, $0xb8;
	[tilespmem:$0x1E300] =	vst v63  }
0x109: {  	p2 =	seq.s32 s5, $0x3000;
	_ =	swait.ge [sflag:s25], $0x2000  }
0x10a: {  	s13 =	simm.s32 @!p2 $0x40;
	s0 =	sshra.s32 @!p2 s5, $0x2;
	[sflag:s25] =	ssyncset.done $0x0  }
0x10b: {  	s21 =	simm.s32 @!p2 $0x2000;
	s10 =	sadd.s32 @!p2 $0x400, s0;
	[sflag:s25] =	ssyncadd.s32 $0xFFFFE000  }
0x10c: {  	[tilespmem:s21], [sflag:$0x1] =	stream.indirect.gather @!p2 [hbm4b:s7+s13], $0x80, s10, s13, $0xb8;
	[tilespmem:$0x1E300] =	vst v63  }
0x10d: {  	_ =	swait.ge [sflag:s14], $0x40  }
0x10e: {  	[sflag:s14] =	ssyncset.done $0x0  }
0x10f: {  	[sflag:s14] =	ssyncadd.s32 $0xFFFFFFC0  }
0x110: {  	_ =	swait.ge [sflag:s22], $0x2000  }
0x111: {  	[sflag:s22] =	ssyncset.done $0x0  }
0x112: {  	s19 =	sadd.s32 $0x1280, s30;
	[sflag:s22] =	ssyncadd.s32 $0xFFFFE000  }
0x113: {  	[spmem:s2] =	stream.indirect.scatter.add.f32 [tilespmem:s31], [sflag:$0x6], $0x80, s19, s28, $0xb8;
	[tilespmem:$0x1E300] =	vst v63  }
0x114: {  	_ =	swait.ge [sflag:s25], $0x2000  }
0x115: {  	[sflag:s25] =	ssyncset.done $0x0  }
0x116: {  	s10 =	simm.s32 @p2 $0x3;
	[sflag:s25] =	ssyncadd.s32 $0xFFFFE000  }
0x117: {  	[spmem:s4] =	stream.indirect.scatter.add.f32 [tilespmem:s20], [sflag:$0x5], $0x1, s19, s28, $0xb8;
	[tilespmem:$0x1E300] =	vst v63  }
0x118: {  	_ =	swait.ge @p2 [sflag:s10], $0x2000  }
0x119: {  	[sflag:s10] =	ssyncset.done @p2 $0x0  }
0x11a: {  	[sflag:s10] =	ssyncadd.s32 @p2 $0xFFFFE000;
	s10 =	sshra.s32 @p2 s5, $0x2  }
0x11b: {  	s21 =	simm.s32 @p2 $0x40;
	s19 =	simm.s32 @p2 $0x6000;
	s10 =	sadd.s32 @p2 $0x1300, s10  }
0x11c: {  	[spmem:s2] =	stream.indirect.scatter.add.f32 @p2 [tilespmem:s19], [sflag:$0x6], $0x80, s10, s21, $0xb8;
	[tilespmem:$0x1E300] =	vst v63  }
0x11d: {  	s10 =	simm.s32 @p2 $0x6  }
0x11e: {  	_ =	swait.ge @p2 [sflag:s10], $0x2000  }
0x11f: {  	[sflag:s10] =	ssyncset.done @p2 $0x0  }
0x120: {  	s19 =	simm.s32 @!p2 $0x4000;
	[sflag:s10] =	ssyncadd.s32 @p2 $0xFFFFE000;
	s10 =	sadd.s32 @!p2 $0x480, s0  }
0x121: {  	[tilespmem:s19], [sflag:$0x2] =	stream.indirect.gather @!p2 [hbm4b:s7+s13], $0x80, s10, s13, $0xb8;
	[tilespmem:$0x1E300] =	vst v63  }
0x122: {  	s10 =	simm.s32 @!p2 $0x3  }
0x123: {  	_ =	swait.ge @!p2 [sflag:s10], $0x2000  }
0x124: {  	[sflag:s10] =	ssyncset.done @!p2 $0x0  }
0x125: {  	s19 =	simm.s32 @!p2 $0x6000;
	[sflag:s10] =	ssyncadd.s32 @!p2 $0xFFFFE000;
	s10 =	sadd.s32 @!p2 $0x1300, s0  }
0x126: {  	[spmem:s2] =	stream.indirect.scatter.add.f32 @!p2 [tilespmem:s19], [sflag:$0x6], $0x80, s10, s13, $0xb8;
	[tilespmem:$0x1E300] =	vst v63  }
0x127: {  	s10 =	simm.s32 @!p2 $0x6  }
0x128: {  	_ =	swait.ge @!p2 [sflag:s10], $0x2000  }
0x129: {  	[sflag:s10] =	ssyncset.done @!p2 $0x0  }
0x12a: {  	s0 =	sadd.s32 @!p2 $0x500, s0;
	[sflag:s10] =	ssyncadd.s32 @!p2 $0xFFFFE000  }
0x12b: {  	[tilespmem:s19], [sflag:$0x3] =	stream.indirect.gather @!p2 [hbm4b:s7+s13], $0x80, s0, s13, $0xb8;
	[tilespmem:$0x1E300] =	vst v63  }
0x12c: {  	_ =	swait.ge [sflag:s14], $0x40  }
0x12d: {  	[sflag:s14] =	ssyncset.done $0x0  }
0x12e: {  	[sflag:s14] =	ssyncadd.s32 $0xFFFFFFC0  }
0x12f: {  	_ =	swait.ge [sflag:s23], $0x2000  }
0x130: {  	[sflag:s23] =	ssyncset.done $0x0  }
0x131: {  	s21 =	sadd.s32 $0x1380, s30;
	[sflag:s23] =	ssyncadd.s32 $0xFFFFE000  }
0x132: {  	[spmem:s2] =	stream.indirect.scatter.add.f32 [tilespmem:s11], [sflag:$0x6], $0x80, s21, s28, $0xb8;
	[tilespmem:$0x1E300] =	vst v63  }
.Ltmp8:
0x133: {  	_ = 	snop;
	(pc) =	sbr.rel @p2 .LBB2_10-.Ltmp8, $4  }
0x134: {  	_ =	swait.ge [sflag:s25], $0x2000  }
0x135: {  	[sflag:s25] =	ssyncset.done $0x0  }
0x136: {  	[sflag:s25] =	ssyncadd.s32 $0xFFFFE000  }
0x137: {  	[spmem:s4] =	stream.indirect.scatter.add.f32 [tilespmem:s20], [sflag:$0x5], $0x1, s21, s28, $0xb8;
	[tilespmem:$0x1E300] =	vst v63  }
.Ltmp9:
0x138: {  	(pc) =	sbr.rel .LBB2_8-.Ltmp9, $3  }
0x139: {  	_ =	sdelay $0x1  }
0x13a: {  	s0 =	sadd.s32 $0x580, s30;
	s5 =	sadd.s32 $0x800, s5  }
0x13b: {  	[tilespmem:s11], [sflag:$0x4] =	stream.indirect.gather [hbm4b:s7+s28], $0x80, s0, s28, $0xb8;
	[tilespmem:$0x1E300] =	vst v63  }
.LBB2_6:
0x13c: {  	[bflag:$0x0] =	sbarrier.arrive $0xFFFF  }
0x13d: {  	s24 =	rddreg [dreg:$0xb]  }
0x13e: {  	s0 =	rddreg [dreg:$0x12]  }
0x13f: {  	s1 =	rddreg [dreg:$0x17]  }
0x140: {  	[hbm:s0], [sflag:s24] =	dma.local @p1 [spmem:s1], $0x1900  }
0x141: {  	s0 =	simm.s32 @p1 $0x6  }
0x142: {  	_ =	swait.ge @p1 [sflag:s0], $0x1900  }
0x143: {  	[sflag:s0] =	ssyncset.done @p1 $0x0;
	s1 =	rddreg [dreg:$0x16]  }
0x144: {  	[sflag:s0] =	ssyncadd.s32 @p1 $0xFFFFE700;
	s0 =	rddreg [dreg:$0x11]  }
0x145: {  	[hbm:s0], [sflag:s24] =	dma.local @!p1 [spmem:s1], $0x2800  }
.Ltmp10:
0x146: {  	_ = 	snop;
	(pc) =	sbr.rel .LBB2_12-.Ltmp10, $4  }
0x147: {  	s0 =	simm.s32 @!p1 $0x6  }
0x148: {  	_ =	swait.ge @!p1 [sflag:s0], $0x2800  }
0x149: {  	[sflag:s0] =	ssyncset.done @!p1 $0x0;
	s21 =	rddreg [dreg:$0x5]  }
0x14a: {  	[sflag:s0] =	ssyncadd.s32 @!p1 $0xFFFFD800;
	s0 =	rddreg [dreg:$0x7]  }
.LBB2_13:
0x14b: {  	_ =	sfence.sel $0x180000  }
0x14c: {  	[bflag:$0x0] =	sbarrier.arrive $0xFFFF  }
0x14d: {  	_ =	strace $0x90000047  }
0x14e: {  	s0 =	stileid.u32;
	[bflag:$0x2] =	sbarrier.arrive $0xFFFF  }
0x14f: {  	p0 =	sne.s32 s0, $0x0;
	s0 =	rddreg [dreg:$0x4]  }
0x150: {  	s0 =	sadd.s32 @!p0 $0x100000, s0  }
0x151: {  	[sflag:s0] =	ssyncadd.tile.s32 @!p0 $0x1;
	_ =	shalt  }
.Lfunc_end2:
_tile_overlayer_lowered:
.L_overlay_start_2:
0x152: {  	(tag) =	ssettag $0x2  }
0x153: {  	s0 =	rddreg [dreg:$0x0];
	s2 =	stileid.u32  }
0x154: {  	s1 =	rddreg [dreg:$0x1];
	p0 =	sne.s32 s2, $0x0  }
0x155: {  	s3 =	rddreg [dreg:$0x2];
	[bflag:$0x3] =	sbarrier.arrive $0xFFFF;
	s2 =	simm.s32 @!p0 $0x1C06  }
0x156: {  	[timem:s3], [sflag:s2] =	dma.local @!p0 [hbm:s0], s1  }
0x157: {  	s0 =	simm.s32 @!p0 $0x6  }
0x158: {  	_ =	swait.ge @!p0 [sflag:s0], s1  }
0x159: {  	s1 =	ssub.s32 @!p0 $0x0, s1;
	[sflag:s0] =	ssyncset.done @!p0 $0x0  }
0x15a: {  	[sflag:s0] =	ssyncadd.s32 @!p0 s1  }
0x15b: {  	[bflag:$0x3] =	sbarrier.arrive $0xFFFF  }
0x15c: {  	_ =	shalt  }

</sc_bundles>
